<compile_context>
chip_gen: v7x
topology: tpu7x:2x2x1
jax: 0.10.2.dev20260603
libtpu: 0.0.44.dev20260713+nightly
codegen_flags: <defaults>
</compile_context>

<pallas_src>
import functools

import jax
import jax.numpy as jnp
from jax import lax
from jax.experimental import pallas as pl
from jax.experimental.pallas import tpu as pltpu
from jax.experimental.pallas import tpu_sc as plsc

NC = 2
NS = 16
D16 = 16
K_INNER = 8
K_PIPE = 4
BLK = 2048

_SC_PARAMS = pltpu.CompilerParams(use_tc_tiling_on_sc=False)
_MESH = plsc.VectorSubcoreMesh(core_axis_name="c", subcore_axis_name="s")


def _edge_pass(npad, nbt):
  rows_per_tile = npad // NS
  n_dump = rows_per_tile // 128

  def body(idx, table, zeros, out, acc, ibuf, gbuf, sem, isem):
    cid = lax.axis_index("c")
    sid = lax.axis_index("s")
    row0 = sid * rows_per_tile
    pltpu.sync_copy(zeros, gbuf.at[0, 0])

    @pl.loop(0, n_dump)
    def _zero(i):
      pltpu.sync_copy(gbuf.at[0, 0], acc.at[pl.ds(row0 + i * 128, 128)])

    plsc.subcore_barrier()
    jb0 = sid * nbt
    n_it = nbt // K_PIPE

    pltpu.sync_copy(idx.at[cid, pl.ds(jb0, K_PIPE)], ibuf.at[0])
    for j in range(K_PIPE):
      pltpu.async_copy(table.at[ibuf.at[0, j, 0]], gbuf.at[0, j], sem)
    if n_it > 1:
      pltpu.async_copy(
          idx.at[cid, pl.ds(jb0 + K_PIPE, K_PIPE)], ibuf.at[1], isem)

    @pl.loop(0, n_it)
    def _edges(i):
      p = lax.rem(i, 2)
      q = lax.rem(i, 3)
      q1 = lax.rem(i + 1, 3)
      q2 = lax.rem(i + 2, 3)

      @pl.when(i + 1 < n_it)
      def _fire_next():
        pltpu.make_async_copy(
            idx.at[cid, pl.ds(jb0 + (i + 1) * K_PIPE, K_PIPE)],
            ibuf.at[q1], isem).wait()
        for j in range(K_PIPE):
          pltpu.async_copy(
              table.at[ibuf.at[q1, j, 0]], gbuf.at[1 - p, j], sem)

      @pl.when(i + 2 < n_it)
      def _prefetch_idx():
        pltpu.async_copy(
            idx.at[cid, pl.ds(jb0 + (i + 2) * K_PIPE, K_PIPE)],
            ibuf.at[q2], isem)

      for j in range(K_PIPE):
        pltpu.make_async_copy(
            table.at[ibuf.at[q, j, 0]], gbuf.at[p, j], sem).wait()
        pltpu.sync_copy(gbuf.at[p, j], acc.at[ibuf.at[q, j, 1]], add=True)

    plsc.subcore_barrier()

    @pl.loop(0, n_dump)
    def _dump(i):
      r = row0 + i * 128
      pltpu.sync_copy(acc.at[pl.ds(r, 128)], gbuf.at[0, 0])
      pltpu.sync_copy(gbuf.at[0, 0], out.at[cid, pl.ds(r, 128)])

  return pl.kernel(
      body,
      out_type=jax.ShapeDtypeStruct((NC, npad, D16), jnp.float32),
      mesh=_MESH,
      compiler_params=_SC_PARAMS,
      scratch_types=[
          pltpu.VMEM_SHARED((npad, D16), jnp.float32),
          pltpu.VMEM((3, K_PIPE, 2, 128), jnp.int32),
          pltpu.VMEM((2, K_PIPE, 128, D16), jnp.float32),
          pltpu.SemaphoreType.DMA,
          pltpu.SemaphoreType.DMA,
      ],
  )


def _deg_pass(npad, nbt):
  rows_per_tile = npad // NS

  def body(cidx, ones, zrows, out, acc, ibuf, onebuf, rbuf):
    cid = lax.axis_index("c")
    sid = lax.axis_index("s")
    row0 = sid * rows_per_tile
    pltpu.sync_copy(zrows, rbuf)
    pltpu.sync_copy(rbuf, acc.at[pl.ds(row0, rows_per_tile)])
    pltpu.sync_copy(ones, onebuf)
    plsc.subcore_barrier()
    jb0 = sid * nbt

    @pl.loop(0, nbt // K_INNER)
    def _edges(i):
      pltpu.sync_copy(cidx.at[cid, pl.ds(jb0 + i * K_INNER, K_INNER)], ibuf)
      for j in range(K_INNER):
        pltpu.sync_copy(onebuf, acc.at[ibuf.at[j]], add=True)

    plsc.subcore_barrier()
    pltpu.sync_copy(acc.at[pl.ds(row0, rows_per_tile)], rbuf)
    pltpu.sync_copy(rbuf, out.at[cid, pl.ds(row0, rows_per_tile)])

  return pl.kernel(
      body,
      out_type=jax.ShapeDtypeStruct((NC, npad), jnp.float32),
      mesh=_MESH,
      compiler_params=_SC_PARAMS,
      scratch_types=[
          pltpu.VMEM_SHARED((npad,), jnp.float32),
          pltpu.VMEM((K_INNER, 128), jnp.int32),
          pltpu.VMEM((128,), jnp.float32),
          pltpu.VMEM((rows_per_tile,), jnp.float32),
      ],
  )


def _prep_body(cnt_ref, x_ref, z1_ref, dinv_ref):
  cnt = cnt_ref[...]
  deg = cnt[0] + cnt[1] + 1.0
  dinv = lax.rsqrt(deg)
  dinv_ref[...] = jnp.broadcast_to(dinv, x_ref.shape)
  z1_ref[...] = x_ref[...] * dinv


def _mid_body(s1_ref, z1_ref, dinv_ref, w1_ref, b1_ref, w2_ref, z2_ref):
  s1 = s1_ref[...]
  dinv = dinv_ref[...]
  prop1 = dinv * (s1[0] + s1[1] + z1_ref[...])
  h1 = jnp.maximum(
      jnp.dot(prop1, w1_ref[...], preferred_element_type=jnp.float32)
      + b1_ref[...], 0.0)
  y2 = jnp.dot(h1, w2_ref[...], preferred_element_type=jnp.float32)
  z2 = y2 * dinv[:, :1]
  z2_ref[0] = z2[:, :D16]
  z2_ref[1] = z2[:, D16:]


def _fin_body(n_nodes, s2_ref, z2_ref, dinv_ref, b2_ref, w3_ref, b3_ref,
              out_ref, acc_ref):
  i = pl.program_id(0)

  @pl.when(i == 0)
  def _():
    acc_ref[...] = jnp.zeros_like(acc_ref)

  s2 = s2_ref[...]
  z2 = z2_ref[...]
  dinv = dinv_ref[...]
  b2 = b2_ref[...]
  h2a = jnp.maximum(dinv * (s2[0] + z2[0]) + b2[:, :D16], 0.0)
  h2b = jnp.maximum(dinv * (s2[1] + z2[1]) + b2[:, D16:], 0.0)
  rows = i * BLK + lax.broadcasted_iota(jnp.int32, (BLK, 1), 0)
  m = jnp.where(rows < n_nodes, 1.0, 0.0)
  acc_ref[...] += jnp.concatenate(
      [jnp.sum(h2a * m, axis=0, keepdims=True),
       jnp.sum(h2b * m, axis=0, keepdims=True)], axis=1)

  @pl.when(i == pl.num_programs(0) - 1)
  def _():
    g = acc_ref[...] * (1.0 / n_nodes)
    logit = jnp.dot(g, w3_ref[...], preferred_element_type=jnp.float32)
    logit = logit + b3_ref[...]
    out_ref[...] = 1.0 / (1.0 + jnp.exp(-logit))


def kernel(x, edge_index, W1, b1, W2, b2, W3, b3):
  n = x.shape[0]
  e = edge_index.shape[1]
  npad = -(-n // (NS * 128)) * (NS * 128)
  grid = npad // BLK
  equant = NC * NS * 128 * K_INNER
  epad = -(-e // equant) * equant
  nbt_half = epad // NC // 128 // NS
  nbt_full = epad // 128 // NS

  i32 = jnp.int32
  f32 = jnp.float32
  rowp = jnp.concatenate([edge_index[0], jnp.full((epad - e,), n, i32)])
  colp = jnp.concatenate([edge_index[1], jnp.full((epad - e,), n, i32)])
  r128 = rowp.reshape(-1, 128)
  c128 = colp.reshape(-1, 128)
  base = jnp.stack([r128, c128], axis=1)
  idx1 = base.reshape(NC, -1, 2, 128)
  idx2 = jnp.concatenate(
      [base, jnp.stack([r128 + npad, c128], axis=1)]).reshape(NC, -1, 2, 128)
  cidx1 = colp.reshape(NC, -1, 128)

  xpad = jnp.zeros((npad, D16), f32).at[:n, :4].set(x)
  zeros128 = jnp.zeros((128, D16), f32)
  ones128 = jnp.ones((128,), f32)
  zrows = jnp.zeros((npad // NS,), f32)
  w1p = jnp.zeros((D16, 64), f32).at[:4].set(W1)

  cnt = _deg_pass(npad, nbt_half)(cidx1, ones128, zrows)

  z1, dinv16 = pl.pallas_call(
      _prep_body,
      grid=(grid,),
      in_specs=[
          pl.BlockSpec((NC, BLK, 1), lambda i: (0, i, 0)),
          pl.BlockSpec((BLK, D16), lambda i: (i, 0)),
      ],
      out_specs=[
          pl.BlockSpec((BLK, D16), lambda i: (i, 0)),
          pl.BlockSpec((BLK, D16), lambda i: (i, 0)),
      ],
      out_shape=[
          jax.ShapeDtypeStruct((npad, D16), f32),
          jax.ShapeDtypeStruct((npad, D16), f32),
      ],
  )(cnt.reshape(NC, npad, 1), xpad)

  s1 = _edge_pass(npad, nbt_half)(idx1, z1, zeros128)

  z2 = pl.pallas_call(
      _mid_body,
      grid=(grid,),
      in_specs=[
          pl.BlockSpec((NC, BLK, D16), lambda i: (0, i, 0)),
          pl.BlockSpec((BLK, D16), lambda i: (i, 0)),
          pl.BlockSpec((BLK, D16), lambda i: (i, 0)),
          pl.BlockSpec((D16, 64), lambda i: (0, 0)),
          pl.BlockSpec((1, 64), lambda i: (0, 0)),
          pl.BlockSpec((64, 32), lambda i: (0, 0)),
      ],
      out_specs=pl.BlockSpec((NC, BLK, D16), lambda i: (0, i, 0)),
      out_shape=jax.ShapeDtypeStruct((NC, npad, D16), f32),
  )(s1, z1, dinv16, w1p, b1.reshape(1, 64), W2)

  tab2 = z2.reshape(NC * npad, D16)
  s2 = _edge_pass(npad, nbt_full)(idx2, tab2, zeros128)

  out = pl.pallas_call(
      functools.partial(_fin_body, n),
      grid=(grid,),
      in_specs=[
          pl.BlockSpec((NC, BLK, D16), lambda i: (0, i, 0)),
          pl.BlockSpec((NC, BLK, D16), lambda i: (0, i, 0)),
          pl.BlockSpec((BLK, D16), lambda i: (i, 0)),
          pl.BlockSpec((1, 32), lambda i: (0, 0)),
          pl.BlockSpec((32, 1), lambda i: (0, 0)),
          pl.BlockSpec((1, 1), lambda i: (0, 0)),
      ],
      out_specs=pl.BlockSpec((1, 1), lambda i: (0, 0)),
      out_shape=jax.ShapeDtypeStruct((1, 1), f32),
      scratch_shapes=[pltpu.VMEM((1, 32), f32)],
  )(s2, z2, dinv16, b2.reshape(1, 32), W3, b3.reshape(1, 1))
  return out

# --- scband reference (transcript-rebuilt; emitter-appended) ---
"""Pipeline reference for scband-dna-gnn-77524159693152 (READ-ONLY COPY).

The authoritative reference and input builder live on the scoring server;
editing this copy changes nothing except your own understanding.
"""

import jax, jax.numpy as jnp
import numpy as np

N = 100000
E = 1600000

def gcn_conv(x, edge_index, W, b):
    num_nodes = x.shape[0]
    x = x @ W
    row = edge_index[0]
    col = edge_index[1]
    sl = jnp.arange(num_nodes, dtype=edge_index.dtype)
    row = jnp.concatenate([row, sl])
    col = jnp.concatenate([col, sl])
    deg = jnp.zeros((num_nodes,), dtype=x.dtype).at[col].add(1.0)
    dinv = jnp.where(deg > 0, jax.lax.rsqrt(jnp.maximum(deg, 1e-12)), 0.0)
    norm = dinv[row] * dinv[col]
    msg = x[row] * norm[:, None]
    out = jnp.zeros((num_nodes, x.shape[1]), dtype=x.dtype).at[col].add(msg)
    return out + b

def setup_inputs(seed: int = 0):
    key = jax.random.key(seed)
    ks = jax.random.split(key, 8)
    x = jax.random.normal(ks[0], (N, 4), dtype=jnp.float32)
    edge_index = jax.random.randint(ks[1], (2, E), 0, N, dtype=jnp.int32)
    hidden = 64
    W1 = jax.random.normal(ks[2], (4, hidden), dtype=jnp.float32) * 0.5
    b1 = jnp.zeros((hidden,), dtype=jnp.float32)
    W2 = jax.random.normal(ks[3], (hidden, hidden // 2), dtype=jnp.float32) * (1.0 / np.sqrt(hidden))
    b2 = jnp.zeros((hidden // 2,), dtype=jnp.float32)
    W3 = jax.random.normal(ks[4], (hidden // 2, 1), dtype=jnp.float32) * (1.0 / np.sqrt(hidden // 2))
    b3 = jnp.zeros((1,), dtype=jnp.float32)
    return {"x": x, "edge_index": edge_index, "W1": W1, "b1": b1, "W2": W2, "b2": b2, "W3": W3, "b3": b3}

def reference(x, edge_index, W1, b1, W2, b2, W3, b3):
    h = jax.nn.relu(gcn_conv(x, edge_index, W1, b1))
    h = jax.nn.relu(gcn_conv(h, edge_index, W2, b2))
    g = jnp.mean(h, axis=0, keepdims=True)
    return jax.nn.sigmoid(g @ W3 + b3)

if __name__ == "__main__":
    import jax
    _d = setup_inputs()
    print(jax.jit(kernel)(*tuple(_d.values())))

</pallas_src>

<mosaic_0001>
#map = affine_map<(d0, d1) -> (0, 0, 0, 0)>
#map1 = affine_map<(d0, d1) -> (0, 0)>
#map2 = affine_map<(d0, d1) -> (0, 0, 0)>
module attributes {stable_mosaic.version = 14 : i64} {
  func.func @body(%arg0: i32, %arg1: i32, %arg2: memref<2x12544x2x128xi32, #tpu.memory_space<hbm>>, %arg3: memref<200704x16xf32, #tpu.memory_space<hbm>>, %arg4: memref<128x16xf32, #tpu.memory_space<hbm>>, %arg5: memref<2x100352x16xf32, #tpu.memory_space<hbm>>, %arg6: memref<100352x16xf32, #tpu.memory_space<vmem_shared>>, %arg7: memref<3x4x2x128xi32, #tpu.memory_space<vmem>>, %arg8: memref<2x4x128x16xf32, #tpu.memory_space<vmem>>, %arg9: memref<!tpu.dma_semaphore, #tpu.memory_space<semaphore_mem>>, %arg10: memref<!tpu.dma_semaphore, #tpu.memory_space<semaphore_mem>>) attributes {dimension_semantics = [#tpu.dimension_semantics<core_parallel>, #tpu.dimension_semantics<subcore_parallel>], iteration_bounds = array<i64: 2, 16>, scalar_prefetch = 0 : i64, scratch_operands = 5 : i64, tpu.core_type = #tpu.core_type<sc_vector_subcore>, window_params = [{transform_indices = #map}, {transform_indices = #map1}, {transform_indices = #map1}, {transform_indices = #map2}]} {
    %mul3A = arith.constant 6272 : i32
    %mul3A_0 = arith.muli %arg1, %mul3A : i32
    %run_scoped3A = arith.constant 0 : i32
    %run_scoped3A_1 = arith.constant 0 : i32
    "tpu.region"() ({
      %run_scoped3A_99 = tpu.sem_alloc : memref<!tpu.dma_semaphore, #tpu.memory_space<semaphore_mem>>
      %dma_start3A_100 = arith.constant 0 : i32
      %dma_start3A_101 = arith.constant 0 : i32
      %dma_start3A_102 = tpu.memref_slice %arg8[%run_scoped3A, %run_scoped3A_1, %dma_start3A_100, %dma_start3A_101] : memref<2x4x128x16xf32, #tpu.memory_space<vmem>> -> memref<1x1x128x16xf32, #tpu.memory_space<vmem>>
      %dma_start3A_103 = tpu.memref_squeeze %dma_start3A_102 : memref<1x1x128x16xf32, #tpu.memory_space<vmem>> -> memref<128x16xf32, #tpu.memory_space<vmem>>
      %dma_start3A_104 = arith.constant 0 : i32
      %dma_start3A_105 = arith.constant 0 : i32
      %dma_start3A_106 = tpu.memref_slice %arg8[%run_scoped3A, %run_scoped3A_1, %dma_start3A_104, %dma_start3A_105] : memref<2x4x128x16xf32, #tpu.memory_space<vmem>> -> memref<1x1x128x16xf32, #tpu.memory_space<vmem>>
      %dma_start3A_107 = tpu.memref_squeeze %dma_start3A_106 : memref<1x1x128x16xf32, #tpu.memory_space<vmem>> -> memref<128x16xf32, #tpu.memory_space<vmem>>
      tpu.enqueue_dma source(%arg4 : memref<128x16xf32, #tpu.memory_space<hbm>>) target(%dma_start3A_107 : memref<128x16xf32, #tpu.memory_space<vmem>>) target_semaphore(%run_scoped3A_99 : memref<!tpu.dma_semaphore, #tpu.memory_space<semaphore_mem>>)
      %dma_wait3A = arith.constant 0 : i32
      %dma_wait3A_108 = arith.constant 0 : i32
      %dma_wait3A_109 = tpu.memref_slice %arg8[%run_scoped3A, %run_scoped3A_1, %dma_wait3A, %dma_wait3A_108] : memref<2x4x128x16xf32, #tpu.memory_space<vmem>> -> memref<1x1x128x16xf32, #tpu.memory_space<vmem>>
      %dma_wait3A_110 = tpu.memref_squeeze %dma_wait3A_109 : memref<1x1x128x16xf32, #tpu.memory_space<vmem>> -> memref<128x16xf32, #tpu.memory_space<vmem>>
      %dma_wait3A_111 = arith.constant 0 : i32
      %dma_wait3A_112 = arith.constant 0 : i32
      %dma_wait3A_113 = tpu.memref_slice %arg8[%run_scoped3A, %run_scoped3A_1, %dma_wait3A_111, %dma_wait3A_112] : memref<2x4x128x16xf32, #tpu.memory_space<vmem>> -> memref<1x1x128x16xf32, #tpu.memory_space<vmem>>
      %dma_wait3A_114 = tpu.memref_squeeze %dma_wait3A_113 : memref<1x1x128x16xf32, #tpu.memory_space<vmem>> -> memref<128x16xf32, #tpu.memory_space<vmem>>
      tpu.wait_dma2 semaphore(%run_scoped3A_99 : memref<!tpu.dma_semaphore, #tpu.memory_space<semaphore_mem>>) src(%arg4 : memref<128x16xf32, #tpu.memory_space<hbm>>) dst(%dma_wait3A_114 : memref<128x16xf32, #tpu.memory_space<vmem>>)
      tpu.yield
    }) : () -> ()
    %scan3A = arith.constant 0 : i32
    %scan3A_2 = arith.constant 49 : i32
    %scan3A_3 = arith.addi %scan3A, %scan3A_2 : i32
    %scan3A_4 = arith.constant 1 : i32
    scf.for %scan3A_99 = %scan3A to %scan3A_3 step %scan3A_4  : i32 {
      %mul3A_100 = arith.constant 1 : i32
      %mul3A_101 = arith.muli %scan3A_99, %mul3A_100 : i32
      %add3A_102 = arith.constant 0 : i32
      %add3A_103 = arith.addi %add3A_102, %mul3A_101 : i32
      %mul3A_104 = arith.constant 128 : i32
      %mul3A_105 = arith.muli %add3A_103, %mul3A_104 : i32
      %add3A_106 = arith.addi %mul3A_0, %mul3A_105 : i32
      %run_scoped3A_107 = arith.constant 0 : i32
      %run_scoped3A_108 = arith.constant 0 : i32
      "tpu.region"() ({
        %run_scoped3A_109 = tpu.sem_alloc : memref<!tpu.dma_semaphore, #tpu.memory_space<semaphore_mem>>
        %dma_start3A_110 = arith.constant 0 : i32
        %dma_start3A_111 = arith.constant 0 : i32
        %dma_start3A_112 = tpu.memref_slice %arg8[%run_scoped3A_107, %run_scoped3A_108, %dma_start3A_110, %dma_start3A_111] : memref<2x4x128x16xf32, #tpu.memory_space<vmem>> -> memref<1x1x128x16xf32, #tpu.memory_space<vmem>>
        %dma_start3A_113 = tpu.memref_squeeze %dma_start3A_112 : memref<1x1x128x16xf32, #tpu.memory_space<vmem>> -> memref<128x16xf32, #tpu.memory_space<vmem>>
        %dma_start3A_114 = arith.constant 0 : i32
        %dma_start3A_115 = tpu.memref_slice %arg6[%add3A_106, %dma_start3A_114] : memref<100352x16xf32, #tpu.memory_space<vmem_shared>> -> memref<128x16xf32, #tpu.memory_space<vmem_shared>>
        %dma_start3A_116 = arith.constant 0 : i32
        %dma_start3A_117 = tpu.memref_slice %arg6[%add3A_106, %dma_start3A_116] : memref<100352x16xf32, #tpu.memory_space<vmem_shared>> -> memref<128x16xf32, #tpu.memory_space<vmem_shared>>
        %dma_start3A_118 = arith.constant 0 : i32
        %dma_start3A_119 = arith.constant 0 : i32
        %dma_start3A_120 = tpu.memref_slice %arg8[%run_scoped3A_107, %run_scoped3A_108, %dma_start3A_118, %dma_start3A_119] : memref<2x4x128x16xf32, #tpu.memory_space<vmem>> -> memref<1x1x128x16xf32, #tpu.memory_space<vmem>>
        %dma_start3A_121 = tpu.memref_squeeze %dma_start3A_120 : memref<1x1x128x16xf32, #tpu.memory_space<vmem>> -> memref<128x16xf32, #tpu.memory_space<vmem>>
        tpu.enqueue_dma source(%dma_start3A_121 : memref<128x16xf32, #tpu.memory_space<vmem>>) target(%dma_start3A_117 : memref<128x16xf32, #tpu.memory_space<vmem_shared>>) target_semaphore(%run_scoped3A_109 : memref<!tpu.dma_semaphore, #tpu.memory_space<semaphore_mem>>)
        %dma_wait3A = arith.constant 0 : i32
        %dma_wait3A_122 = arith.constant 0 : i32
        %dma_wait3A_123 = tpu.memref_slice %arg8[%run_scoped3A_107, %run_scoped3A_108, %dma_wait3A, %dma_wait3A_122] : memref<2x4x128x16xf32, #tpu.memory_space<vmem>> -> memref<1x1x128x16xf32, #tpu.memory_space<vmem>>
        %dma_wait3A_124 = tpu.memref_squeeze %dma_wait3A_123 : memref<1x1x128x16xf32, #tpu.memory_space<vmem>> -> memref<128x16xf32, #tpu.memory_space<vmem>>
        %dma_wait3A_125 = arith.constant 0 : i32
        %dma_wait3A_126 = tpu.memref_slice %arg6[%add3A_106, %dma_wait3A_125] : memref<100352x16xf32, #tpu.memory_space<vmem_shared>> -> memref<128x16xf32, #tpu.memory_space<vmem_shared>>
        %dma_wait3A_127 = arith.constant 0 : i32
        %dma_wait3A_128 = tpu.memref_slice %arg6[%add3A_106, %dma_wait3A_127] : memref<100352x16xf32, #tpu.memory_space<vmem_shared>> -> memref<128x16xf32, #tpu.memory_space<vmem_shared>>
        %dma_wait3A_129 = arith.constant 0 : i32
        %dma_wait3A_130 = arith.constant 0 : i32
        %dma_wait3A_131 = tpu.memref_slice %arg8[%run_scoped3A_107, %run_scoped3A_108, %dma_wait3A_129, %dma_wait3A_130] : memref<2x4x128x16xf32, #tpu.memory_space<vmem>> -> memref<1x1x128x16xf32, #tpu.memory_space<vmem>>
        %dma_wait3A_132 = tpu.memref_squeeze %dma_wait3A_131 : memref<1x1x128x16xf32, #tpu.memory_space<vmem>> -> memref<128x16xf32, #tpu.memory_space<vmem>>
        tpu.wait_dma2 semaphore(%run_scoped3A_109 : memref<!tpu.dma_semaphore, #tpu.memory_space<semaphore_mem>>) src(%dma_wait3A_132 : memref<128x16xf32, #tpu.memory_space<vmem>>) dst(%dma_wait3A_128 : memref<128x16xf32, #tpu.memory_space<vmem_shared>>)
        tpu.yield
      }) : () -> ()
    }
    %scan3A_5 = arith.constant 49 : i32
    %barrier3A = arith.constant 0 : index
    tpu.barrier barrier_id(%barrier3A)
    %mul3A_6 = arith.constant 784 : i32
    %mul3A_7 = arith.muli %arg1, %mul3A_6 : i32
    %run_scoped3A_8 = arith.constant 0 : i32
    "tpu.region"() ({
      %run_scoped3A_99 = tpu.sem_alloc : memref<!tpu.dma_semaphore, #tpu.memory_space<semaphore_mem>>
      %dma_start3A_100 = arith.constant 0 : i32
      %dma_start3A_101 = arith.constant 0 : i32
      %dma_start3A_102 = arith.constant 0 : i32
      %dma_start3A_103 = tpu.memref_slice %arg7[%run_scoped3A_8, %dma_start3A_100, %dma_start3A_101, %dma_start3A_102] : memref<3x4x2x128xi32, #tpu.memory_space<vmem>> -> memref<1x4x2x128xi32, #tpu.memory_space<vmem>>
      %dma_start3A_104 = tpu.memref_squeeze %dma_start3A_103 : memref<1x4x2x128xi32, #tpu.memory_space<vmem>> -> memref<4x2x128xi32, #tpu.memory_space<vmem>>
      %dma_start3A_105 = arith.constant 0 : i32
      %dma_start3A_106 = arith.constant 0 : i32
      %dma_start3A_107 = tpu.memref_slice %arg2[%arg0, %mul3A_7, %dma_start3A_105, %dma_start3A_106] : memref<2x12544x2x128xi32, #tpu.memory_space<hbm>> -> memref<1x4x2x128xi32, #tpu.memory_space<hbm>>
      %dma_start3A_108 = tpu.memref_squeeze %dma_start3A_107 : memref<1x4x2x128xi32, #tpu.memory_space<hbm>> -> memref<4x2x128xi32, #tpu.memory_space<hbm>>
      %dma_start3A_109 = arith.constant 0 : i32
      %dma_start3A_110 = arith.constant 0 : i32
      %dma_start3A_111 = arith.constant 0 : i32
      %dma_start3A_112 = tpu.memref_slice %arg7[%run_scoped3A_8, %dma_start3A_109, %dma_start3A_110, %dma_start3A_111] : memref<3x4x2x128xi32, #tpu.memory_space<vmem>> -> memref<1x4x2x128xi32, #tpu.memory_space<vmem>>
      %dma_start3A_113 = tpu.memref_squeeze %dma_start3A_112 : memref<1x4x2x128xi32, #tpu.memory_space<vmem>> -> memref<4x2x128xi32, #tpu.memory_space<vmem>>
      %dma_start3A_114 = arith.constant 0 : i32
      %dma_start3A_115 = arith.constant 0 : i32
      %dma_start3A_116 = tpu.memref_slice %arg2[%arg0, %mul3A_7, %dma_start3A_114, %dma_start3A_115] : memref<2x12544x2x128xi32, #tpu.memory_space<hbm>> -> memref<1x4x2x128xi32, #tpu.memory_space<hbm>>
      %dma_start3A_117 = tpu.memref_squeeze %dma_start3A_116 : memref<1x4x2x128xi32, #tpu.memory_space<hbm>> -> memref<4x2x128xi32, #tpu.memory_space<hbm>>
      tpu.enqueue_dma source(%dma_start3A_117 : memref<4x2x128xi32, #tpu.memory_space<hbm>>) target(%dma_start3A_113 : memref<4x2x128xi32, #tpu.memory_space<vmem>>) target_semaphore(%run_scoped3A_99 : memref<!tpu.dma_semaphore, #tpu.memory_space<semaphore_mem>>)
      %dma_wait3A = arith.constant 0 : i32
      %dma_wait3A_118 = arith.constant 0 : i32
      %dma_wait3A_119 = arith.constant 0 : i32
      %dma_wait3A_120 = tpu.memref_slice %arg7[%run_scoped3A_8, %dma_wait3A, %dma_wait3A_118, %dma_wait3A_119] : memref<3x4x2x128xi32, #tpu.memory_space<vmem>> -> memref<1x4x2x128xi32, #tpu.memory_space<vmem>>
      %dma_wait3A_121 = tpu.memref_squeeze %dma_wait3A_120 : memref<1x4x2x128xi32, #tpu.memory_space<vmem>> -> memref<4x2x128xi32, #tpu.memory_space<vmem>>
      %dma_wait3A_122 = arith.constant 0 : i32
      %dma_wait3A_123 = arith.constant 0 : i32
      %dma_wait3A_124 = tpu.memref_slice %arg2[%arg0, %mul3A_7, %dma_wait3A_122, %dma_wait3A_123] : memref<2x12544x2x128xi32, #tpu.memory_space<hbm>> -> memref<1x4x2x128xi32, #tpu.memory_space<hbm>>
      %dma_wait3A_125 = tpu.memref_squeeze %dma_wait3A_124 : memref<1x4x2x128xi32, #tpu.memory_space<hbm>> -> memref<4x2x128xi32, #tpu.memory_space<hbm>>
      %dma_wait3A_126 = arith.constant 0 : i32
      %dma_wait3A_127 = arith.constant 0 : i32
      %dma_wait3A_128 = arith.constant 0 : i32
      %dma_wait3A_129 = tpu.memref_slice %arg7[%run_scoped3A_8, %dma_wait3A_126, %dma_wait3A_127, %dma_wait3A_128] : memref<3x4x2x128xi32, #tpu.memory_space<vmem>> -> memref<1x4x2x128xi32, #tpu.memory_space<vmem>>
      %dma_wait3A_130 = tpu.memref_squeeze %dma_wait3A_129 : memref<1x4x2x128xi32, #tpu.memory_space<vmem>> -> memref<4x2x128xi32, #tpu.memory_space<vmem>>
      %dma_wait3A_131 = arith.constant 0 : i32
      %dma_wait3A_132 = arith.constant 0 : i32
      %dma_wait3A_133 = tpu.memref_slice %arg2[%arg0, %mul3A_7, %dma_wait3A_131, %dma_wait3A_132] : memref<2x12544x2x128xi32, #tpu.memory_space<hbm>> -> memref<1x4x2x128xi32, #tpu.memory_space<hbm>>
      %dma_wait3A_134 = tpu.memref_squeeze %dma_wait3A_133 : memref<1x4x2x128xi32, #tpu.memory_space<hbm>> -> memref<4x2x128xi32, #tpu.memory_space<hbm>>
      tpu.wait_dma2 semaphore(%run_scoped3A_99 : memref<!tpu.dma_semaphore, #tpu.memory_space<semaphore_mem>>) src(%dma_wait3A_134 : memref<4x2x128xi32, #tpu.memory_space<hbm>>) dst(%dma_wait3A_130 : memref<4x2x128xi32, #tpu.memory_space<vmem>>)
      tpu.yield
    }) : () -> ()
    %dma_start3A = arith.constant 0 : i32
    %dma_start3A_9 = arith.constant 0 : i32
    %dma_start3A_10 = arith.constant 0 : i32
    %dma_start3A_11 = arith.constant 0 : i32
    %dma_start3A_12 = arith.constant 0 : i32
    %dma_start3A_13 = arith.constant 0 : i32
    %dma_start3A_14 = arith.constant 0 : i32
    %dma_start3A_15 = tpu.memref_slice %arg8[%dma_start3A_11, %dma_start3A_12, %dma_start3A_13, %dma_start3A_14] : memref<2x4x128x16xf32, #tpu.memory_space<vmem>> -> memref<1x1x128x16xf32, #tpu.memory_space<vmem>>
    %dma_start3A_16 = tpu.memref_squeeze %dma_start3A_15 : memref<1x1x128x16xf32, #tpu.memory_space<vmem>> -> memref<128x16xf32, #tpu.memory_space<vmem>>
    %dma_start3A_17 = arith.constant 0 : i32
    %dma_start3A_18 = tpu.memref_slice %arg7[%dma_start3A, %dma_start3A_9, %dma_start3A_10, %dma_start3A_17] : memref<3x4x2x128xi32, #tpu.memory_space<vmem>> -> memref<1x1x1x128xi32, #tpu.memory_space<vmem>>
    %dma_start3A_19 = tpu.memref_squeeze %dma_start3A_18 : memref<1x1x1x128xi32, #tpu.memory_space<vmem>> -> memref<128xi32, #tpu.memory_space<vmem>>
    %dma_start3A_20 = arith.constant 0 : i32
    %dma_start3A_21 = arith.constant 0 : i32
    %dma_start3A_22 = tpu.memref_slice %arg3[%dma_start3A_20, %dma_start3A_21] : memref<200704x16xf32, #tpu.memory_space<hbm>> -> memref<200704x16xf32, #tpu.memory_space<hbm>>
    tpu.enqueue_indirect_dma source(%dma_start3A_22 : memref<200704x16xf32, #tpu.memory_space<hbm>>) target(%dma_start3A_16 : memref<128x16xf32, #tpu.memory_space<vmem>>) offsets(%dma_start3A_19 : memref<128xi32, #tpu.memory_space<vmem>>) semaphore(%arg9 : memref<!tpu.dma_semaphore, #tpu.memory_space<semaphore_mem>>)
    %dma_start3A_23 = arith.constant 0 : i32
    %dma_start3A_24 = arith.constant 1 : i32
    %dma_start3A_25 = arith.constant 0 : i32
    %dma_start3A_26 = arith.constant 0 : i32
    %dma_start3A_27 = arith.constant 1 : i32
    %dma_start3A_28 = arith.constant 0 : i32
    %dma_start3A_29 = arith.constant 0 : i32
    %dma_start3A_30 = tpu.memref_slice %arg8[%dma_start3A_26, %dma_start3A_27, %dma_start3A_28, %dma_start3A_29] : memref<2x4x128x16xf32, #tpu.memory_space<vmem>> -> memref<1x1x128x16xf32, #tpu.memory_space<vmem>>
    %dma_start3A_31 = tpu.memref_squeeze %dma_start3A_30 : memref<1x1x128x16xf32, #tpu.memory_space<vmem>> -> memref<128x16xf32, #tpu.memory_space<vmem>>
    %dma_start3A_32 = arith.constant 0 : i32
    %dma_start3A_33 = tpu.memref_slice %arg7[%dma_start3A_23, %dma_start3A_24, %dma_start3A_25, %dma_start3A_32] : memref<3x4x2x128xi32, #tpu.memory_space<vmem>> -> memref<1x1x1x128xi32, #tpu.memory_space<vmem>>
    %dma_start3A_34 = tpu.memref_squeeze %dma_start3A_33 : memref<1x1x1x128xi32, #tpu.memory_space<vmem>> -> memref<128xi32, #tpu.memory_space<vmem>>
    %dma_start3A_35 = arith.constant 0 : i32
    %dma_start3A_36 = arith.constant 0 : i32
    %dma_start3A_37 = tpu.memref_slice %arg3[%dma_start3A_35, %dma_start3A_36] : memref<200704x16xf32, #tpu.memory_space<hbm>> -> memref<200704x16xf32, #tpu.memory_space<hbm>>
    tpu.enqueue_indirect_dma source(%dma_start3A_37 : memref<200704x16xf32, #tpu.memory_space<hbm>>) target(%dma_start3A_31 : memref<128x16xf32, #tpu.memory_space<vmem>>) offsets(%dma_start3A_34 : memref<128xi32, #tpu.memory_space<vmem>>) semaphore(%arg9 : memref<!tpu.dma_semaphore, #tpu.memory_space<semaphore_mem>>)
    %dma_start3A_38 = arith.constant 0 : i32
    %dma_start3A_39 = arith.constant 2 : i32
    %dma_start3A_40 = arith.constant 0 : i32
    %dma_start3A_41 = arith.constant 0 : i32
    %dma_start3A_42 = arith.constant 2 : i32
    %dma_start3A_43 = arith.constant 0 : i32
    %dma_start3A_44 = arith.constant 0 : i32
    %dma_start3A_45 = tpu.memref_slice %arg8[%dma_start3A_41, %dma_start3A_42, %dma_start3A_43, %dma_start3A_44] : memref<2x4x128x16xf32, #tpu.memory_space<vmem>> -> memref<1x1x128x16xf32, #tpu.memory_space<vmem>>
    %dma_start3A_46 = tpu.memref_squeeze %dma_start3A_45 : memref<1x1x128x16xf32, #tpu.memory_space<vmem>> -> memref<128x16xf32, #tpu.memory_space<vmem>>
    %dma_start3A_47 = arith.constant 0 : i32
    %dma_start3A_48 = tpu.memref_slice %arg7[%dma_start3A_38, %dma_start3A_39, %dma_start3A_40, %dma_start3A_47] : memref<3x4x2x128xi32, #tpu.memory_space<vmem>> -> memref<1x1x1x128xi32, #tpu.memory_space<vmem>>
    %dma_start3A_49 = tpu.memref_squeeze %dma_start3A_48 : memref<1x1x1x128xi32, #tpu.memory_space<vmem>> -> memref<128xi32, #tpu.memory_space<vmem>>
    %dma_start3A_50 = arith.constant 0 : i32
    %dma_start3A_51 = arith.constant 0 : i32
    %dma_start3A_52 = tpu.memref_slice %arg3[%dma_start3A_50, %dma_start3A_51] : memref<200704x16xf32, #tpu.memory_space<hbm>> -> memref<200704x16xf32, #tpu.memory_space<hbm>>
    tpu.enqueue_indirect_dma source(%dma_start3A_52 : memref<200704x16xf32, #tpu.memory_space<hbm>>) target(%dma_start3A_46 : memref<128x16xf32, #tpu.memory_space<vmem>>) offsets(%dma_start3A_49 : memref<128xi32, #tpu.memory_space<vmem>>) semaphore(%arg9 : memref<!tpu.dma_semaphore, #tpu.memory_space<semaphore_mem>>)
    %dma_start3A_53 = arith.constant 0 : i32
    %dma_start3A_54 = arith.constant 3 : i32
    %dma_start3A_55 = arith.constant 0 : i32
    %dma_start3A_56 = arith.constant 0 : i32
    %dma_start3A_57 = arith.constant 3 : i32
    %dma_start3A_58 = arith.constant 0 : i32
    %dma_start3A_59 = arith.constant 0 : i32
    %dma_start3A_60 = tpu.memref_slice %arg8[%dma_start3A_56, %dma_start3A_57, %dma_start3A_58, %dma_start3A_59] : memref<2x4x128x16xf32, #tpu.memory_space<vmem>> -> memref<1x1x128x16xf32, #tpu.memory_space<vmem>>
    %dma_start3A_61 = tpu.memref_squeeze %dma_start3A_60 : memref<1x1x128x16xf32, #tpu.memory_space<vmem>> -> memref<128x16xf32, #tpu.memory_space<vmem>>
    %dma_start3A_62 = arith.constant 0 : i32
    %dma_start3A_63 = tpu.memref_slice %arg7[%dma_start3A_53, %dma_start3A_54, %dma_start3A_55, %dma_start3A_62] : memref<3x4x2x128xi32, #tpu.memory_space<vmem>> -> memref<1x1x1x128xi32, #tpu.memory_space<vmem>>
    %dma_start3A_64 = tpu.memref_squeeze %dma_start3A_63 : memref<1x1x1x128xi32, #tpu.memory_space<vmem>> -> memref<128xi32, #tpu.memory_space<vmem>>
    %dma_start3A_65 = arith.constant 0 : i32
    %dma_start3A_66 = arith.constant 0 : i32
    %dma_start3A_67 = tpu.memref_slice %arg3[%dma_start3A_65, %dma_start3A_66] : memref<200704x16xf32, #tpu.memory_space<hbm>> -> memref<200704x16xf32, #tpu.memory_space<hbm>>
    tpu.enqueue_indirect_dma source(%dma_start3A_67 : memref<200704x16xf32, #tpu.memory_space<hbm>>) target(%dma_start3A_61 : memref<128x16xf32, #tpu.memory_space<vmem>>) offsets(%dma_start3A_64 : memref<128xi32, #tpu.memory_space<vmem>>) semaphore(%arg9 : memref<!tpu.dma_semaphore, #tpu.memory_space<semaphore_mem>>)
    %add3A = arith.constant 4 : i32
    %add3A_68 = arith.addi %mul3A_7, %add3A : i32
    %dma_start3A_69 = arith.constant 1 : i32
    %dma_start3A_70 = arith.constant 0 : i32
    %dma_start3A_71 = arith.constant 0 : i32
    %dma_start3A_72 = arith.constant 0 : i32
    %dma_start3A_73 = tpu.memref_slice %arg7[%dma_start3A_69, %dma_start3A_70, %dma_start3A_71, %dma_start3A_72] : memref<3x4x2x128xi32, #tpu.memory_space<vmem>> -> memref<1x4x2x128xi32, #tpu.memory_space<vmem>>
    %dma_start3A_74 = tpu.memref_squeeze %dma_start3A_73 : memref<1x4x2x128xi32, #tpu.memory_space<vmem>> -> memref<4x2x128xi32, #tpu.memory_space<vmem>>
    %dma_start3A_75 = arith.constant 0 : i32
    %dma_start3A_76 = arith.constant 0 : i32
    %dma_start3A_77 = tpu.memref_slice %arg2[%arg0, %add3A_68, %dma_start3A_75, %dma_start3A_76] : memref<2x12544x2x128xi32, #tpu.memory_space<hbm>> -> memref<1x4x2x128xi32, #tpu.memory_space<hbm>>
    %dma_start3A_78 = tpu.memref_squeeze %dma_start3A_77 : memref<1x4x2x128xi32, #tpu.memory_space<hbm>> -> memref<4x2x128xi32, #tpu.memory_space<hbm>>
    %dma_start3A_79 = arith.constant 0 : i32
    %dma_start3A_80 = arith.constant 0 : i32
    %dma_start3A_81 = arith.constant 0 : i32
    %dma_start3A_82 = tpu.memref_slice %arg7[%dma_start3A_69, %dma_start3A_79, %dma_start3A_80, %dma_start3A_81] : memref<3x4x2x128xi32, #tpu.memory_space<vmem>> -> memref<1x4x2x128xi32, #tpu.memory_space<vmem>>
    %dma_start3A_83 = tpu.memref_squeeze %dma_start3A_82 : memref<1x4x2x128xi32, #tpu.memory_space<vmem>> -> memref<4x2x128xi32, #tpu.memory_space<vmem>>
    %dma_start3A_84 = arith.constant 0 : i32
    %dma_start3A_85 = arith.constant 0 : i32
    %dma_start3A_86 = tpu.memref_slice %arg2[%arg0, %add3A_68, %dma_start3A_84, %dma_start3A_85] : memref<2x12544x2x128xi32, #tpu.memory_space<hbm>> -> memref<1x4x2x128xi32, #tpu.memory_space<hbm>>
    %dma_start3A_87 = tpu.memref_squeeze %dma_start3A_86 : memref<1x4x2x128xi32, #tpu.memory_space<hbm>> -> memref<4x2x128xi32, #tpu.memory_space<hbm>>
    tpu.enqueue_dma source(%dma_start3A_87 : memref<4x2x128xi32, #tpu.memory_space<hbm>>) target(%dma_start3A_83 : memref<4x2x128xi32, #tpu.memory_space<vmem>>) target_semaphore(%arg10 : memref<!tpu.dma_semaphore, #tpu.memory_space<semaphore_mem>>)
    %scan3A_88 = arith.constant 0 : i32
    %scan3A_89 = arith.constant 196 : i32
    %scan3A_90 = arith.addi %scan3A_88, %scan3A_89 : i32
    %scan3A_91 = arith.constant 1 : i32
    scf.for %scan3A_99 = %scan3A_88 to %scan3A_90 step %scan3A_91  : i32 {
      %mul3A_100 = arith.constant 1 : i32
      %mul3A_101 = arith.muli %scan3A_99, %mul3A_100 : i32
      %add3A_102 = arith.constant 0 : i32
      %add3A_103 = arith.addi %add3A_102, %mul3A_101 : i32
      %rem3A = arith.constant 2 : i32
      %rem3A_104 = arith.remsi %add3A_103, %rem3A : i32
      %rem3A_105 = arith.constant 3 : i32
      %rem3A_106 = arith.remsi %add3A_103, %rem3A_105 : i32
      %add3A_107 = arith.constant 1 : i32
      %add3A_108 = arith.addi %add3A_103, %add3A_107 : i32
      %rem3A_109 = arith.constant 3 : i32
      %rem3A_110 = arith.remsi %add3A_108, %rem3A_109 : i32
      %add3A_111 = arith.constant 2 : i32
      %add3A_112 = arith.addi %add3A_103, %add3A_111 : i32
      %rem3A_113 = arith.constant 3 : i32
      %rem3A_114 = arith.remsi %add3A_112, %rem3A_113 : i32
      %add3A_115 = arith.constant 1 : i32
      %add3A_116 = arith.addi %add3A_103, %add3A_115 : i32
      %lt3A = arith.constant 196 : i32
      %lt3A_117 = arith.cmpi slt, %add3A_116, %lt3A : i32
      %convert_element_type3A = arith.extui %lt3A_117 : i1 to i32
      %cond3A = arith.constant 0 : i32
      %cond3A_118 = arith.cmpi ne, %convert_element_type3A, %cond3A : i32
      scf.if %cond3A_118 {
        %add3A_189 = arith.constant 1 : i32
        %add3A_190 = arith.addi %add3A_103, %add3A_189 : i32
        %mul3A_191 = arith.constant 4 : i32
        %mul3A_192 = arith.muli %add3A_190, %mul3A_191 : i32
        %add3A_193 = arith.addi %mul3A_7, %mul3A_192 : i32
        %dma_wait3A_194 = arith.constant 0 : i32
        %dma_wait3A_195 = arith.constant 0 : i32
        %dma_wait3A_196 = arith.constant 0 : i32
        %dma_wait3A_197 = tpu.memref_slice %arg7[%rem3A_110, %dma_wait3A_194, %dma_wait3A_195, %dma_wait3A_196] : memref<3x4x2x128xi32, #tpu.memory_space<vmem>> -> memref<1x4x2x128xi32, #tpu.memory_space<vmem>>
        %dma_wait3A_198 = tpu.memref_squeeze %dma_wait3A_197 : memref<1x4x2x128xi32, #tpu.memory_space<vmem>> -> memref<4x2x128xi32, #tpu.memory_space<vmem>>
        %dma_wait3A_199 = arith.constant 0 : i32
        %dma_wait3A_200 = arith.constant 0 : i32
        %dma_wait3A_201 = tpu.memref_slice %arg2[%arg0, %add3A_193, %dma_wait3A_199, %dma_wait3A_200] : memref<2x12544x2x128xi32, #tpu.memory_space<hbm>> -> memref<1x4x2x128xi32, #tpu.memory_space<hbm>>
        %dma_wait3A_202 = tpu.memref_squeeze %dma_wait3A_201 : memref<1x4x2x128xi32, #tpu.memory_space<hbm>> -> memref<4x2x128xi32, #tpu.memory_space<hbm>>
        %dma_wait3A_203 = arith.constant 0 : i32
        %dma_wait3A_204 = arith.constant 0 : i32
        %dma_wait3A_205 = arith.constant 0 : i32
        %dma_wait3A_206 = tpu.memref_slice %arg7[%rem3A_110, %dma_wait3A_203, %dma_wait3A_204, %dma_wait3A_205] : memref<3x4x2x128xi32, #tpu.memory_space<vmem>> -> memref<1x4x2x128xi32, #tpu.memory_space<vmem>>
        %dma_wait3A_207 = tpu.memref_squeeze %dma_wait3A_206 : memref<1x4x2x128xi32, #tpu.memory_space<vmem>> -> memref<4x2x128xi32, #tpu.memory_space<vmem>>
        %dma_wait3A_208 = arith.constant 0 : i32
        %dma_wait3A_209 = arith.constant 0 : i32
        %dma_wait3A_210 = tpu.memref_slice %arg2[%arg0, %add3A_193, %dma_wait3A_208, %dma_wait3A_209] : memref<2x12544x2x128xi32, #tpu.memory_space<hbm>> -> memref<1x4x2x128xi32, #tpu.memory_space<hbm>>
        %dma_wait3A_211 = tpu.memref_squeeze %dma_wait3A_210 : memref<1x4x2x128xi32, #tpu.memory_space<hbm>> -> memref<4x2x128xi32, #tpu.memory_space<hbm>>
        tpu.wait_dma2 semaphore(%arg10 : memref<!tpu.dma_semaphore, #tpu.memory_space<semaphore_mem>>) src(%dma_wait3A_211 : memref<4x2x128xi32, #tpu.memory_space<hbm>>) dst(%dma_wait3A_207 : memref<4x2x128xi32, #tpu.memory_space<vmem>>)
        %sub3A = arith.constant 1 : i32
        %sub3A_212 = arith.subi %sub3A, %rem3A_104 : i32
        %dma_start3A_213 = arith.constant 0 : i32
        %dma_start3A_214 = arith.constant 0 : i32
        %dma_start3A_215 = arith.constant 0 : i32
        %dma_start3A_216 = arith.constant 0 : i32
        %dma_start3A_217 = arith.constant 0 : i32
        %dma_start3A_218 = tpu.memref_slice %arg8[%sub3A_212, %dma_start3A_215, %dma_start3A_216, %dma_start3A_217] : memref<2x4x128x16xf32, #tpu.memory_space<vmem>> -> memref<1x1x128x16xf32, #tpu.memory_space<vmem>>
        %dma_start3A_219 = tpu.memref_squeeze %dma_start3A_218 : memref<1x1x128x16xf32, #tpu.memory_space<vmem>> -> memref<128x16xf32, #tpu.memory_space<vmem>>
        %dma_start3A_220 = arith.constant 0 : i32
        %dma_start3A_221 = tpu.memref_slice %arg7[%rem3A_110, %dma_start3A_213, %dma_start3A_214, %dma_start3A_220] : memref<3x4x2x128xi32, #tpu.memory_space<vmem>> -> memref<1x1x1x128xi32, #tpu.memory_space<vmem>>
        %dma_start3A_222 = tpu.memref_squeeze %dma_start3A_221 : memref<1x1x1x128xi32, #tpu.memory_space<vmem>> -> memref<128xi32, #tpu.memory_space<vmem>>
        %dma_start3A_223 = arith.constant 0 : i32
        %dma_start3A_224 = arith.constant 0 : i32
        %dma_start3A_225 = tpu.memref_slice %arg3[%dma_start3A_223, %dma_start3A_224] : memref<200704x16xf32, #tpu.memory_space<hbm>> -> memref<200704x16xf32, #tpu.memory_space<hbm>>
        tpu.enqueue_indirect_dma source(%dma_start3A_225 : memref<200704x16xf32, #tpu.memory_space<hbm>>) target(%dma_start3A_219 : memref<128x16xf32, #tpu.memory_space<vmem>>) offsets(%dma_start3A_222 : memref<128xi32, #tpu.memory_space<vmem>>) semaphore(%arg9 : memref<!tpu.dma_semaphore, #tpu.memory_space<semaphore_mem>>)
        %sub3A_226 = arith.constant 1 : i32
        %sub3A_227 = arith.subi %sub3A_226, %rem3A_104 : i32
        %dma_start3A_228 = arith.constant 1 : i32
        %dma_start3A_229 = arith.constant 0 : i32
        %dma_start3A_230 = arith.constant 1 : i32
        %dma_start3A_231 = arith.constant 0 : i32
        %dma_start3A_232 = arith.constant 0 : i32
        %dma_start3A_233 = tpu.memref_slice %arg8[%sub3A_227, %dma_start3A_230, %dma_start3A_231, %dma_start3A_232] : memref<2x4x128x16xf32, #tpu.memory_space<vmem>> -> memref<1x1x128x16xf32, #tpu.memory_space<vmem>>
        %dma_start3A_234 = tpu.memref_squeeze %dma_start3A_233 : memref<1x1x128x16xf32, #tpu.memory_space<vmem>> -> memref<128x16xf32, #tpu.memory_space<vmem>>
        %dma_start3A_235 = arith.constant 0 : i32
        %dma_start3A_236 = tpu.memref_slice %arg7[%rem3A_110, %dma_start3A_228, %dma_start3A_229, %dma_start3A_235] : memref<3x4x2x128xi32, #tpu.memory_space<vmem>> -> memref<1x1x1x128xi32, #tpu.memory_space<vmem>>
        %dma_start3A_237 = tpu.memref_squeeze %dma_start3A_236 : memref<1x1x1x128xi32, #tpu.memory_space<vmem>> -> memref<128xi32, #tpu.memory_space<vmem>>
        %dma_start3A_238 = arith.constant 0 : i32
        %dma_start3A_239 = arith.constant 0 : i32
        %dma_start3A_240 = tpu.memref_slice %arg3[%dma_start3A_238, %dma_start3A_239] : memref<200704x16xf32, #tpu.memory_space<hbm>> -> memref<200704x16xf32, #tpu.memory_space<hbm>>
        tpu.enqueue_indirect_dma source(%dma_start3A_240 : memref<200704x16xf32, #tpu.memory_space<hbm>>) target(%dma_start3A_234 : memref<128x16xf32, #tpu.memory_space<vmem>>) offsets(%dma_start3A_237 : memref<128xi32, #tpu.memory_space<vmem>>) semaphore(%arg9 : memref<!tpu.dma_semaphore, #tpu.memory_space<semaphore_mem>>)
        %sub3A_241 = arith.constant 1 : i32
        %sub3A_242 = arith.subi %sub3A_241, %rem3A_104 : i32
        %dma_start3A_243 = arith.constant 2 : i32
        %dma_start3A_244 = arith.constant 0 : i32
        %dma_start3A_245 = arith.constant 2 : i32
        %dma_start3A_246 = arith.constant 0 : i32
        %dma_start3A_247 = arith.constant 0 : i32
        %dma_start3A_248 = tpu.memref_slice %arg8[%sub3A_242, %dma_start3A_245, %dma_start3A_246, %dma_start3A_247] : memref<2x4x128x16xf32, #tpu.memory_space<vmem>> -> memref<1x1x128x16xf32, #tpu.memory_space<vmem>>
        %dma_start3A_249 = tpu.memref_squeeze %dma_start3A_248 : memref<1x1x128x16xf32, #tpu.memory_space<vmem>> -> memref<128x16xf32, #tpu.memory_space<vmem>>
        %dma_start3A_250 = arith.constant 0 : i32
        %dma_start3A_251 = tpu.memref_slice %arg7[%rem3A_110, %dma_start3A_243, %dma_start3A_244, %dma_start3A_250] : memref<3x4x2x128xi32, #tpu.memory_space<vmem>> -> memref<1x1x1x128xi32, #tpu.memory_space<vmem>>
        %dma_start3A_252 = tpu.memref_squeeze %dma_start3A_251 : memref<1x1x1x128xi32, #tpu.memory_space<vmem>> -> memref<128xi32, #tpu.memory_space<vmem>>
        %dma_start3A_253 = arith.constant 0 : i32
        %dma_start3A_254 = arith.constant 0 : i32
        %dma_start3A_255 = tpu.memref_slice %arg3[%dma_start3A_253, %dma_start3A_254] : memref<200704x16xf32, #tpu.memory_space<hbm>> -> memref<200704x16xf32, #tpu.memory_space<hbm>>
        tpu.enqueue_indirect_dma source(%dma_start3A_255 : memref<200704x16xf32, #tpu.memory_space<hbm>>) target(%dma_start3A_249 : memref<128x16xf32, #tpu.memory_space<vmem>>) offsets(%dma_start3A_252 : memref<128xi32, #tpu.memory_space<vmem>>) semaphore(%arg9 : memref<!tpu.dma_semaphore, #tpu.memory_space<semaphore_mem>>)
        %sub3A_256 = arith.constant 1 : i32
        %sub3A_257 = arith.subi %sub3A_256, %rem3A_104 : i32
        %dma_start3A_258 = arith.constant 3 : i32
        %dma_start3A_259 = arith.constant 0 : i32
        %dma_start3A_260 = arith.constant 3 : i32
        %dma_start3A_261 = arith.constant 0 : i32
        %dma_start3A_262 = arith.constant 0 : i32
        %dma_start3A_263 = tpu.memref_slice %arg8[%sub3A_257, %dma_start3A_260, %dma_start3A_261, %dma_start3A_262] : memref<2x4x128x16xf32, #tpu.memory_space<vmem>> -> memref<1x1x128x16xf32, #tpu.memory_space<vmem>>
        %dma_start3A_264 = tpu.memref_squeeze %dma_start3A_263 : memref<1x1x128x16xf32, #tpu.memory_space<vmem>> -> memref<128x16xf32, #tpu.memory_space<vmem>>
        %dma_start3A_265 = arith.constant 0 : i32
        %dma_start3A_266 = tpu.memref_slice %arg7[%rem3A_110, %dma_start3A_258, %dma_start3A_259, %dma_start3A_265] : memref<3x4x2x128xi32, #tpu.memory_space<vmem>> -> memref<1x1x1x128xi32, #tpu.memory_space<vmem>>
        %dma_start3A_267 = tpu.memref_squeeze %dma_start3A_266 : memref<1x1x1x128xi32, #tpu.memory_space<vmem>> -> memref<128xi32, #tpu.memory_space<vmem>>
        %dma_start3A_268 = arith.constant 0 : i32
        %dma_start3A_269 = arith.constant 0 : i32
        %dma_start3A_270 = tpu.memref_slice %arg3[%dma_start3A_268, %dma_start3A_269] : memref<200704x16xf32, #tpu.memory_space<hbm>> -> memref<200704x16xf32, #tpu.memory_space<hbm>>
        tpu.enqueue_indirect_dma source(%dma_start3A_270 : memref<200704x16xf32, #tpu.memory_space<hbm>>) target(%dma_start3A_264 : memref<128x16xf32, #tpu.memory_space<vmem>>) offsets(%dma_start3A_267 : memref<128xi32, #tpu.memory_space<vmem>>) semaphore(%arg9 : memref<!tpu.dma_semaphore, #tpu.memory_space<semaphore_mem>>)
      } else {
      }
      %add3A_119 = arith.constant 2 : i32
      %add3A_120 = arith.addi %add3A_103, %add3A_119 : i32
      %lt3A_121 = arith.constant 196 : i32
      %lt3A_122 = arith.cmpi slt, %add3A_120, %lt3A_121 : i32
      %convert_element_type3A_123 = arith.extui %lt3A_122 : i1 to i32
      %cond3A_124 = arith.constant 0 : i32
      %cond3A_125 = arith.cmpi ne, %convert_element_type3A_123, %cond3A_124 : i32
      scf.if %cond3A_125 {
        %add3A_189 = arith.constant 2 : i32
        %add3A_190 = arith.addi %add3A_103, %add3A_189 : i32
        %mul3A_191 = arith.constant 4 : i32
        %mul3A_192 = arith.muli %add3A_190, %mul3A_191 : i32
        %add3A_193 = arith.addi %mul3A_7, %mul3A_192 : i32
        %dma_start3A_194 = arith.constant 0 : i32
        %dma_start3A_195 = arith.constant 0 : i32
        %dma_start3A_196 = arith.constant 0 : i32
        %dma_start3A_197 = tpu.memref_slice %arg7[%rem3A_114, %dma_start3A_194, %dma_start3A_195, %dma_start3A_196] : memref<3x4x2x128xi32, #tpu.memory_space<vmem>> -> memref<1x4x2x128xi32, #tpu.memory_space<vmem>>
        %dma_start3A_198 = tpu.memref_squeeze %dma_start3A_197 : memref<1x4x2x128xi32, #tpu.memory_space<vmem>> -> memref<4x2x128xi32, #tpu.memory_space<vmem>>
        %dma_start3A_199 = arith.constant 0 : i32
        %dma_start3A_200 = arith.constant 0 : i32
        %dma_start3A_201 = tpu.memref_slice %arg2[%arg0, %add3A_193, %dma_start3A_199, %dma_start3A_200] : memref<2x12544x2x128xi32, #tpu.memory_space<hbm>> -> memref<1x4x2x128xi32, #tpu.memory_space<hbm>>
        %dma_start3A_202 = tpu.memref_squeeze %dma_start3A_201 : memref<1x4x2x128xi32, #tpu.memory_space<hbm>> -> memref<4x2x128xi32, #tpu.memory_space<hbm>>
        %dma_start3A_203 = arith.constant 0 : i32
        %dma_start3A_204 = arith.constant 0 : i32
        %dma_start3A_205 = arith.constant 0 : i32
        %dma_start3A_206 = tpu.memref_slice %arg7[%rem3A_114, %dma_start3A_203, %dma_start3A_204, %dma_start3A_205] : memref<3x4x2x128xi32, #tpu.memory_space<vmem>> -> memref<1x4x2x128xi32, #tpu.memory_space<vmem>>
        %dma_start3A_207 = tpu.memref_squeeze %dma_start3A_206 : memref<1x4x2x128xi32, #tpu.memory_space<vmem>> -> memref<4x2x128xi32, #tpu.memory_space<vmem>>
        %dma_start3A_208 = arith.constant 0 : i32
        %dma_start3A_209 = arith.constant 0 : i32
        %dma_start3A_210 = tpu.memref_slice %arg2[%arg0, %add3A_193, %dma_start3A_208, %dma_start3A_209] : memref<2x12544x2x128xi32, #tpu.memory_space<hbm>> -> memref<1x4x2x128xi32, #tpu.memory_space<hbm>>
        %dma_start3A_211 = tpu.memref_squeeze %dma_start3A_210 : memref<1x4x2x128xi32, #tpu.memory_space<hbm>> -> memref<4x2x128xi32, #tpu.memory_space<hbm>>
        tpu.enqueue_dma source(%dma_start3A_211 : memref<4x2x128xi32, #tpu.memory_space<hbm>>) target(%dma_start3A_207 : memref<4x2x128xi32, #tpu.memory_space<vmem>>) target_semaphore(%arg10 : memref<!tpu.dma_semaphore, #tpu.memory_space<semaphore_mem>>)
      } else {
      }
      %dma_wait3A = arith.constant 0 : i32
      %dma_wait3A_126 = arith.constant 0 : i32
      %dma_wait3A_127 = arith.constant 0 : i32
      %dma_wait3A_128 = arith.constant 0 : i32
      %dma_wait3A_129 = arith.constant 0 : i32
      %dma_wait3A_130 = tpu.memref_slice %arg8[%rem3A_104, %dma_wait3A_127, %dma_wait3A_128, %dma_wait3A_129] : memref<2x4x128x16xf32, #tpu.memory_space<vmem>> -> memref<1x1x128x16xf32, #tpu.memory_space<vmem>>
      %dma_wait3A_131 = tpu.memref_squeeze %dma_wait3A_130 : memref<1x1x128x16xf32, #tpu.memory_space<vmem>> -> memref<128x16xf32, #tpu.memory_space<vmem>>
      %dma_wait3A_132 = arith.constant 0 : i32
      %dma_wait3A_133 = tpu.memref_slice %arg7[%rem3A_106, %dma_wait3A, %dma_wait3A_126, %dma_wait3A_132] : memref<3x4x2x128xi32, #tpu.memory_space<vmem>> -> memref<1x1x1x128xi32, #tpu.memory_space<vmem>>
      %dma_wait3A_134 = tpu.memref_squeeze %dma_wait3A_133 : memref<1x1x1x128xi32, #tpu.memory_space<vmem>> -> memref<128xi32, #tpu.memory_space<vmem>>
      %dma_wait3A_135 = arith.constant 0 : i32
      %dma_wait3A_136 = arith.constant 0 : i32
      %dma_wait3A_137 = tpu.memref_slice %arg3[%dma_wait3A_135, %dma_wait3A_136] : memref<200704x16xf32, #tpu.memory_space<hbm>> -> memref<200704x16xf32, #tpu.memory_space<hbm>>
      tpu.wait_indirect_dma semaphore(%arg9 : memref<!tpu.dma_semaphore, #tpu.memory_space<semaphore_mem>>) src(%dma_wait3A_137 : memref<200704x16xf32, #tpu.memory_space<hbm>>) dst(%dma_wait3A_131 : memref<128x16xf32, #tpu.memory_space<vmem>>)
      %run_scoped3A_138 = arith.constant 0 : i32
      %run_scoped3A_139 = arith.constant 0 : i32
      %run_scoped3A_140 = arith.constant 1 : i32
      "tpu.region"() ({
        %run_scoped3A_189 = tpu.sem_alloc : memref<!tpu.dma_semaphore, #tpu.memory_space<semaphore_mem>>
        %dma_start3A_190 = arith.constant 0 : i32
        %dma_start3A_191 = arith.constant 0 : i32
        %dma_start3A_192 = tpu.memref_slice %arg8[%rem3A_104, %run_scoped3A_138, %dma_start3A_190, %dma_start3A_191] : memref<2x4x128x16xf32, #tpu.memory_space<vmem>> -> memref<1x1x128x16xf32, #tpu.memory_space<vmem>>
        %dma_start3A_193 = tpu.memref_squeeze %dma_start3A_192 : memref<1x1x128x16xf32, #tpu.memory_space<vmem>> -> memref<128x16xf32, #tpu.memory_space<vmem>>
        %dma_start3A_194 = arith.constant 0 : i32
        %dma_start3A_195 = tpu.memref_slice %arg7[%rem3A_106, %run_scoped3A_139, %run_scoped3A_140, %dma_start3A_194] : memref<3x4x2x128xi32, #tpu.memory_space<vmem>> -> memref<1x1x1x128xi32, #tpu.memory_space<vmem>>
        %dma_start3A_196 = tpu.memref_squeeze %dma_start3A_195 : memref<1x1x1x128xi32, #tpu.memory_space<vmem>> -> memref<128xi32, #tpu.memory_space<vmem>>
        %dma_start3A_197 = arith.constant 0 : i32
        %dma_start3A_198 = arith.constant 0 : i32
        %dma_start3A_199 = tpu.memref_slice %arg6[%dma_start3A_197, %dma_start3A_198] : memref<100352x16xf32, #tpu.memory_space<vmem_shared>> -> memref<100352x16xf32, #tpu.memory_space<vmem_shared>>
        tpu.enqueue_indirect_dma source(%dma_start3A_193 : memref<128x16xf32, #tpu.memory_space<vmem>>) target(%dma_start3A_199 : memref<100352x16xf32, #tpu.memory_space<vmem_shared>>) offsets(%dma_start3A_196 : memref<128xi32, #tpu.memory_space<vmem>>) semaphore(%run_scoped3A_189 : memref<!tpu.dma_semaphore, #tpu.memory_space<semaphore_mem>>) {add = true}
        %dma_wait3A_200 = arith.constant 0 : i32
        %dma_wait3A_201 = arith.constant 0 : i32
        %dma_wait3A_202 = tpu.memref_slice %arg8[%rem3A_104, %run_scoped3A_138, %dma_wait3A_200, %dma_wait3A_201] : memref<2x4x128x16xf32, #tpu.memory_space<vmem>> -> memref<1x1x128x16xf32, #tpu.memory_space<vmem>>
        %dma_wait3A_203 = tpu.memref_squeeze %dma_wait3A_202 : memref<1x1x128x16xf32, #tpu.memory_space<vmem>> -> memref<128x16xf32, #tpu.memory_space<vmem>>
        %dma_wait3A_204 = arith.constant 0 : i32
        %dma_wait3A_205 = tpu.memref_slice %arg7[%rem3A_106, %run_scoped3A_139, %run_scoped3A_140, %dma_wait3A_204] : memref<3x4x2x128xi32, #tpu.memory_space<vmem>> -> memref<1x1x1x128xi32, #tpu.memory_space<vmem>>
        %dma_wait3A_206 = tpu.memref_squeeze %dma_wait3A_205 : memref<1x1x1x128xi32, #tpu.memory_space<vmem>> -> memref<128xi32, #tpu.memory_space<vmem>>
        %dma_wait3A_207 = arith.constant 0 : i32
        %dma_wait3A_208 = arith.constant 0 : i32
        %dma_wait3A_209 = tpu.memref_slice %arg6[%dma_wait3A_207, %dma_wait3A_208] : memref<100352x16xf32, #tpu.memory_space<vmem_shared>> -> memref<100352x16xf32, #tpu.memory_space<vmem_shared>>
        tpu.wait_indirect_dma semaphore(%run_scoped3A_189 : memref<!tpu.dma_semaphore, #tpu.memory_space<semaphore_mem>>) src(%dma_wait3A_203 : memref<128x16xf32, #tpu.memory_space<vmem>>) dst(%dma_wait3A_209 : memref<100352x16xf32, #tpu.memory_space<vmem_shared>>)
        tpu.yield
      }) : () -> ()
      %dma_wait3A_141 = arith.constant 1 : i32
      %dma_wait3A_142 = arith.constant 0 : i32
      %dma_wait3A_143 = arith.constant 1 : i32
      %dma_wait3A_144 = arith.constant 0 : i32
      %dma_wait3A_145 = arith.constant 0 : i32
      %dma_wait3A_146 = tpu.memref_slice %arg8[%rem3A_104, %dma_wait3A_143, %dma_wait3A_144, %dma_wait3A_145] : memref<2x4x128x16xf32, #tpu.memory_space<vmem>> -> memref<1x1x128x16xf32, #tpu.memory_space<vmem>>
      %dma_wait3A_147 = tpu.memref_squeeze %dma_wait3A_146 : memref<1x1x128x16xf32, #tpu.memory_space<vmem>> -> memref<128x16xf32, #tpu.memory_space<vmem>>
      %dma_wait3A_148 = arith.constant 0 : i32
      %dma_wait3A_149 = tpu.memref_slice %arg7[%rem3A_106, %dma_wait3A_141, %dma_wait3A_142, %dma_wait3A_148] : memref<3x4x2x128xi32, #tpu.memory_space<vmem>> -> memref<1x1x1x128xi32, #tpu.memory_space<vmem>>
      %dma_wait3A_150 = tpu.memref_squeeze %dma_wait3A_149 : memref<1x1x1x128xi32, #tpu.memory_space<vmem>> -> memref<128xi32, #tpu.memory_space<vmem>>
      %dma_wait3A_151 = arith.constant 0 : i32
      %dma_wait3A_152 = arith.constant 0 : i32
      %dma_wait3A_153 = tpu.memref_slice %arg3[%dma_wait3A_151, %dma_wait3A_152] : memref<200704x16xf32, #tpu.memory_space<hbm>> -> memref<200704x16xf32, #tpu.memory_space<hbm>>
      tpu.wait_indirect_dma semaphore(%arg9 : memref<!tpu.dma_semaphore, #tpu.memory_space<semaphore_mem>>) src(%dma_wait3A_153 : memref<200704x16xf32, #tpu.memory_space<hbm>>) dst(%dma_wait3A_147 : memref<128x16xf32, #tpu.memory_space<vmem>>)
      %run_scoped3A_154 = arith.constant 1 : i32
      %run_scoped3A_155 = arith.constant 1 : i32
      %run_scoped3A_156 = arith.constant 1 : i32
      "tpu.region"() ({
        %run_scoped3A_189 = tpu.sem_alloc : memref<!tpu.dma_semaphore, #tpu.memory_space<semaphore_mem>>
        %dma_start3A_190 = arith.constant 0 : i32
        %dma_start3A_191 = arith.constant 0 : i32
        %dma_start3A_192 = tpu.memref_slice %arg8[%rem3A_104, %run_scoped3A_154, %dma_start3A_190, %dma_start3A_191] : memref<2x4x128x16xf32, #tpu.memory_space<vmem>> -> memref<1x1x128x16xf32, #tpu.memory_space<vmem>>
        %dma_start3A_193 = tpu.memref_squeeze %dma_start3A_192 : memref<1x1x128x16xf32, #tpu.memory_space<vmem>> -> memref<128x16xf32, #tpu.memory_space<vmem>>
        %dma_start3A_194 = arith.constant 0 : i32
        %dma_start3A_195 = tpu.memref_slice %arg7[%rem3A_106, %run_scoped3A_155, %run_scoped3A_156, %dma_start3A_194] : memref<3x4x2x128xi32, #tpu.memory_space<vmem>> -> memref<1x1x1x128xi32, #tpu.memory_space<vmem>>
        %dma_start3A_196 = tpu.memref_squeeze %dma_start3A_195 : memref<1x1x1x128xi32, #tpu.memory_space<vmem>> -> memref<128xi32, #tpu.memory_space<vmem>>
        %dma_start3A_197 = arith.constant 0 : i32
        %dma_start3A_198 = arith.constant 0 : i32
        %dma_start3A_199 = tpu.memref_slice %arg6[%dma_start3A_197, %dma_start3A_198] : memref<100352x16xf32, #tpu.memory_space<vmem_shared>> -> memref<100352x16xf32, #tpu.memory_space<vmem_shared>>
        tpu.enqueue_indirect_dma source(%dma_start3A_193 : memref<128x16xf32, #tpu.memory_space<vmem>>) target(%dma_start3A_199 : memref<100352x16xf32, #tpu.memory_space<vmem_shared>>) offsets(%dma_start3A_196 : memref<128xi32, #tpu.memory_space<vmem>>) semaphore(%run_scoped3A_189 : memref<!tpu.dma_semaphore, #tpu.memory_space<semaphore_mem>>) {add = true}
        %dma_wait3A_200 = arith.constant 0 : i32
        %dma_wait3A_201 = arith.constant 0 : i32
        %dma_wait3A_202 = tpu.memref_slice %arg8[%rem3A_104, %run_scoped3A_154, %dma_wait3A_200, %dma_wait3A_201] : memref<2x4x128x16xf32, #tpu.memory_space<vmem>> -> memref<1x1x128x16xf32, #tpu.memory_space<vmem>>
        %dma_wait3A_203 = tpu.memref_squeeze %dma_wait3A_202 : memref<1x1x128x16xf32, #tpu.memory_space<vmem>> -> memref<128x16xf32, #tpu.memory_space<vmem>>
        %dma_wait3A_204 = arith.constant 0 : i32
        %dma_wait3A_205 = tpu.memref_slice %arg7[%rem3A_106, %run_scoped3A_155, %run_scoped3A_156, %dma_wait3A_204] : memref<3x4x2x128xi32, #tpu.memory_space<vmem>> -> memref<1x1x1x128xi32, #tpu.memory_space<vmem>>
        %dma_wait3A_206 = tpu.memref_squeeze %dma_wait3A_205 : memref<1x1x1x128xi32, #tpu.memory_space<vmem>> -> memref<128xi32, #tpu.memory_space<vmem>>
        %dma_wait3A_207 = arith.constant 0 : i32
        %dma_wait3A_208 = arith.constant 0 : i32
        %dma_wait3A_209 = tpu.memref_slice %arg6[%dma_wait3A_207, %dma_wait3A_208] : memref<100352x16xf32, #tpu.memory_space<vmem_shared>> -> memref<100352x16xf32, #tpu.memory_space<vmem_shared>>
        tpu.wait_indirect_dma semaphore(%run_scoped3A_189 : memref<!tpu.dma_semaphore, #tpu.memory_space<semaphore_mem>>) src(%dma_wait3A_203 : memref<128x16xf32, #tpu.memory_space<vmem>>) dst(%dma_wait3A_209 : memref<100352x16xf32, #tpu.memory_space<vmem_shared>>)
        tpu.yield
      }) : () -> ()
      %dma_wait3A_157 = arith.constant 2 : i32
      %dma_wait3A_158 = arith.constant 0 : i32
      %dma_wait3A_159 = arith.constant 2 : i32
      %dma_wait3A_160 = arith.constant 0 : i32
      %dma_wait3A_161 = arith.constant 0 : i32
      %dma_wait3A_162 = tpu.memref_slice %arg8[%rem3A_104, %dma_wait3A_159, %dma_wait3A_160, %dma_wait3A_161] : memref<2x4x128x16xf32, #tpu.memory_space<vmem>> -> memref<1x1x128x16xf32, #tpu.memory_space<vmem>>
      %dma_wait3A_163 = tpu.memref_squeeze %dma_wait3A_162 : memref<1x1x128x16xf32, #tpu.memory_space<vmem>> -> memref<128x16xf32, #tpu.memory_space<vmem>>
      %dma_wait3A_164 = arith.constant 0 : i32
      %dma_wait3A_165 = tpu.memref_slice %arg7[%rem3A_106, %dma_wait3A_157, %dma_wait3A_158, %dma_wait3A_164] : memref<3x4x2x128xi32, #tpu.memory_space<vmem>> -> memref<1x1x1x128xi32, #tpu.memory_space<vmem>>
      %dma_wait3A_166 = tpu.memref_squeeze %dma_wait3A_165 : memref<1x1x1x128xi32, #tpu.memory_space<vmem>> -> memref<128xi32, #tpu.memory_space<vmem>>
      %dma_wait3A_167 = arith.constant 0 : i32
      %dma_wait3A_168 = arith.constant 0 : i32
      %dma_wait3A_169 = tpu.memref_slice %arg3[%dma_wait3A_167, %dma_wait3A_168] : memref<200704x16xf32, #tpu.memory_space<hbm>> -> memref<200704x16xf32, #tpu.memory_space<hbm>>
      tpu.wait_indirect_dma semaphore(%arg9 : memref<!tpu.dma_semaphore, #tpu.memory_space<semaphore_mem>>) src(%dma_wait3A_169 : memref<200704x16xf32, #tpu.memory_space<hbm>>) dst(%dma_wait3A_163 : memref<128x16xf32, #tpu.memory_space<vmem>>)
      %run_scoped3A_170 = arith.constant 2 : i32
      %run_scoped3A_171 = arith.constant 2 : i32
      %run_scoped3A_172 = arith.constant 1 : i32
      "tpu.region"() ({
        %run_scoped3A_189 = tpu.sem_alloc : memref<!tpu.dma_semaphore, #tpu.memory_space<semaphore_mem>>
        %dma_start3A_190 = arith.constant 0 : i32
        %dma_start3A_191 = arith.constant 0 : i32
        %dma_start3A_192 = tpu.memref_slice %arg8[%rem3A_104, %run_scoped3A_170, %dma_start3A_190, %dma_start3A_191] : memref<2x4x128x16xf32, #tpu.memory_space<vmem>> -> memref<1x1x128x16xf32, #tpu.memory_space<vmem>>
        %dma_start3A_193 = tpu.memref_squeeze %dma_start3A_192 : memref<1x1x128x16xf32, #tpu.memory_space<vmem>> -> memref<128x16xf32, #tpu.memory_space<vmem>>
        %dma_start3A_194 = arith.constant 0 : i32
        %dma_start3A_195 = tpu.memref_slice %arg7[%rem3A_106, %run_scoped3A_171, %run_scoped3A_172, %dma_start3A_194] : memref<3x4x2x128xi32, #tpu.memory_space<vmem>> -> memref<1x1x1x128xi32, #tpu.memory_space<vmem>>
        %dma_start3A_196 = tpu.memref_squeeze %dma_start3A_195 : memref<1x1x1x128xi32, #tpu.memory_space<vmem>> -> memref<128xi32, #tpu.memory_space<vmem>>
        %dma_start3A_197 = arith.constant 0 : i32
        %dma_start3A_198 = arith.constant 0 : i32
        %dma_start3A_199 = tpu.memref_slice %arg6[%dma_start3A_197, %dma_start3A_198] : memref<100352x16xf32, #tpu.memory_space<vmem_shared>> -> memref<100352x16xf32, #tpu.memory_space<vmem_shared>>
        tpu.enqueue_indirect_dma source(%dma_start3A_193 : memref<128x16xf32, #tpu.memory_space<vmem>>) target(%dma_start3A_199 : memref<100352x16xf32, #tpu.memory_space<vmem_shared>>) offsets(%dma_start3A_196 : memref<128xi32, #tpu.memory_space<vmem>>) semaphore(%run_scoped3A_189 : memref<!tpu.dma_semaphore, #tpu.memory_space<semaphore_mem>>) {add = true}
        %dma_wait3A_200 = arith.constant 0 : i32
        %dma_wait3A_201 = arith.constant 0 : i32
        %dma_wait3A_202 = tpu.memref_slice %arg8[%rem3A_104, %run_scoped3A_170, %dma_wait3A_200, %dma_wait3A_201] : memref<2x4x128x16xf32, #tpu.memory_space<vmem>> -> memref<1x1x128x16xf32, #tpu.memory_space<vmem>>
        %dma_wait3A_203 = tpu.memref_squeeze %dma_wait3A_202 : memref<1x1x128x16xf32, #tpu.memory_space<vmem>> -> memref<128x16xf32, #tpu.memory_space<vmem>>
        %dma_wait3A_204 = arith.constant 0 : i32
        %dma_wait3A_205 = tpu.memref_slice %arg7[%rem3A_106, %run_scoped3A_171, %run_scoped3A_172, %dma_wait3A_204] : memref<3x4x2x128xi32, #tpu.memory_space<vmem>> -> memref<1x1x1x128xi32, #tpu.memory_space<vmem>>
        %dma_wait3A_206 = tpu.memref_squeeze %dma_wait3A_205 : memref<1x1x1x128xi32, #tpu.memory_space<vmem>> -> memref<128xi32, #tpu.memory_space<vmem>>
        %dma_wait3A_207 = arith.constant 0 : i32
        %dma_wait3A_208 = arith.constant 0 : i32
        %dma_wait3A_209 = tpu.memref_slice %arg6[%dma_wait3A_207, %dma_wait3A_208] : memref<100352x16xf32, #tpu.memory_space<vmem_shared>> -> memref<100352x16xf32, #tpu.memory_space<vmem_shared>>
        tpu.wait_indirect_dma semaphore(%run_scoped3A_189 : memref<!tpu.dma_semaphore, #tpu.memory_space<semaphore_mem>>) src(%dma_wait3A_203 : memref<128x16xf32, #tpu.memory_space<vmem>>) dst(%dma_wait3A_209 : memref<100352x16xf32, #tpu.memory_space<vmem_shared>>)
        tpu.yield
      }) : () -> ()
      %dma_wait3A_173 = arith.constant 3 : i32
      %dma_wait3A_174 = arith.constant 0 : i32
      %dma_wait3A_175 = arith.constant 3 : i32
      %dma_wait3A_176 = arith.constant 0 : i32
      %dma_wait3A_177 = arith.constant 0 : i32
      %dma_wait3A_178 = tpu.memref_slice %arg8[%rem3A_104, %dma_wait3A_175, %dma_wait3A_176, %dma_wait3A_177] : memref<2x4x128x16xf32, #tpu.memory_space<vmem>> -> memref<1x1x128x16xf32, #tpu.memory_space<vmem>>
      %dma_wait3A_179 = tpu.memref_squeeze %dma_wait3A_178 : memref<1x1x128x16xf32, #tpu.memory_space<vmem>> -> memref<128x16xf32, #tpu.memory_space<vmem>>
      %dma_wait3A_180 = arith.constant 0 : i32
      %dma_wait3A_181 = tpu.memref_slice %arg7[%rem3A_106, %dma_wait3A_173, %dma_wait3A_174, %dma_wait3A_180] : memref<3x4x2x128xi32, #tpu.memory_space<vmem>> -> memref<1x1x1x128xi32, #tpu.memory_space<vmem>>
      %dma_wait3A_182 = tpu.memref_squeeze %dma_wait3A_181 : memref<1x1x1x128xi32, #tpu.memory_space<vmem>> -> memref<128xi32, #tpu.memory_space<vmem>>
      %dma_wait3A_183 = arith.constant 0 : i32
      %dma_wait3A_184 = arith.constant 0 : i32
      %dma_wait3A_185 = tpu.memref_slice %arg3[%dma_wait3A_183, %dma_wait3A_184] : memref<200704x16xf32, #tpu.memory_space<hbm>> -> memref<200704x16xf32, #tpu.memory_space<hbm>>
      tpu.wait_indirect_dma semaphore(%arg9 : memref<!tpu.dma_semaphore, #tpu.memory_space<semaphore_mem>>) src(%dma_wait3A_185 : memref<200704x16xf32, #tpu.memory_space<hbm>>) dst(%dma_wait3A_179 : memref<128x16xf32, #tpu.memory_space<vmem>>)
      %run_scoped3A_186 = arith.constant 3 : i32
      %run_scoped3A_187 = arith.constant 3 : i32
      %run_scoped3A_188 = arith.constant 1 : i32
      "tpu.region"() ({
        %run_scoped3A_189 = tpu.sem_alloc : memref<!tpu.dma_semaphore, #tpu.memory_space<semaphore_mem>>
        %dma_start3A_190 = arith.constant 0 : i32
        %dma_start3A_191 = arith.constant 0 : i32
        %dma_start3A_192 = tpu.memref_slice %arg8[%rem3A_104, %run_scoped3A_186, %dma_start3A_190, %dma_start3A_191] : memref<2x4x128x16xf32, #tpu.memory_space<vmem>> -> memref<1x1x128x16xf32, #tpu.memory_space<vmem>>
        %dma_start3A_193 = tpu.memref_squeeze %dma_start3A_192 : memref<1x1x128x16xf32, #tpu.memory_space<vmem>> -> memref<128x16xf32, #tpu.memory_space<vmem>>
        %dma_start3A_194 = arith.constant 0 : i32
        %dma_start3A_195 = tpu.memref_slice %arg7[%rem3A_106, %run_scoped3A_187, %run_scoped3A_188, %dma_start3A_194] : memref<3x4x2x128xi32, #tpu.memory_space<vmem>> -> memref<1x1x1x128xi32, #tpu.memory_space<vmem>>
        %dma_start3A_196 = tpu.memref_squeeze %dma_start3A_195 : memref<1x1x1x128xi32, #tpu.memory_space<vmem>> -> memref<128xi32, #tpu.memory_space<vmem>>
        %dma_start3A_197 = arith.constant 0 : i32
        %dma_start3A_198 = arith.constant 0 : i32
        %dma_start3A_199 = tpu.memref_slice %arg6[%dma_start3A_197, %dma_start3A_198] : memref<100352x16xf32, #tpu.memory_space<vmem_shared>> -> memref<100352x16xf32, #tpu.memory_space<vmem_shared>>
        tpu.enqueue_indirect_dma source(%dma_start3A_193 : memref<128x16xf32, #tpu.memory_space<vmem>>) target(%dma_start3A_199 : memref<100352x16xf32, #tpu.memory_space<vmem_shared>>) offsets(%dma_start3A_196 : memref<128xi32, #tpu.memory_space<vmem>>) semaphore(%run_scoped3A_189 : memref<!tpu.dma_semaphore, #tpu.memory_space<semaphore_mem>>) {add = true}
        %dma_wait3A_200 = arith.constant 0 : i32
        %dma_wait3A_201 = arith.constant 0 : i32
        %dma_wait3A_202 = tpu.memref_slice %arg8[%rem3A_104, %run_scoped3A_186, %dma_wait3A_200, %dma_wait3A_201] : memref<2x4x128x16xf32, #tpu.memory_space<vmem>> -> memref<1x1x128x16xf32, #tpu.memory_space<vmem>>
        %dma_wait3A_203 = tpu.memref_squeeze %dma_wait3A_202 : memref<1x1x128x16xf32, #tpu.memory_space<vmem>> -> memref<128x16xf32, #tpu.memory_space<vmem>>
        %dma_wait3A_204 = arith.constant 0 : i32
        %dma_wait3A_205 = tpu.memref_slice %arg7[%rem3A_106, %run_scoped3A_187, %run_scoped3A_188, %dma_wait3A_204] : memref<3x4x2x128xi32, #tpu.memory_space<vmem>> -> memref<1x1x1x128xi32, #tpu.memory_space<vmem>>
        %dma_wait3A_206 = tpu.memref_squeeze %dma_wait3A_205 : memref<1x1x1x128xi32, #tpu.memory_space<vmem>> -> memref<128xi32, #tpu.memory_space<vmem>>
        %dma_wait3A_207 = arith.constant 0 : i32
        %dma_wait3A_208 = arith.constant 0 : i32
        %dma_wait3A_209 = tpu.memref_slice %arg6[%dma_wait3A_207, %dma_wait3A_208] : memref<100352x16xf32, #tpu.memory_space<vmem_shared>> -> memref<100352x16xf32, #tpu.memory_space<vmem_shared>>
        tpu.wait_indirect_dma semaphore(%run_scoped3A_189 : memref<!tpu.dma_semaphore, #tpu.memory_space<semaphore_mem>>) src(%dma_wait3A_203 : memref<128x16xf32, #tpu.memory_space<vmem>>) dst(%dma_wait3A_209 : memref<100352x16xf32, #tpu.memory_space<vmem_shared>>)
        tpu.yield
      }) : () -> ()
    }
    %scan3A_92 = arith.constant 196 : i32
    %barrier3A_93 = arith.constant 0 : index
    tpu.barrier barrier_id(%barrier3A_93)
    %scan3A_94 = arith.constant 0 : i32
    %scan3A_95 = arith.constant 49 : i32
    %scan3A_96 = arith.addi %scan3A_94, %scan3A_95 : i32
    %scan3A_97 = arith.constant 1 : i32
    scf.for %scan3A_99 = %scan3A_94 to %scan3A_96 step %scan3A_97  : i32 {
      %mul3A_100 = arith.constant 1 : i32
      %mul3A_101 = arith.muli %scan3A_99, %mul3A_100 : i32
      %add3A_102 = arith.constant 0 : i32
      %add3A_103 = arith.addi %add3A_102, %mul3A_101 : i32
      %mul3A_104 = arith.constant 128 : i32
      %mul3A_105 = arith.muli %add3A_103, %mul3A_104 : i32
      %add3A_106 = arith.addi %mul3A_0, %mul3A_105 : i32
      %run_scoped3A_107 = arith.constant 0 : i32
      %run_scoped3A_108 = arith.constant 0 : i32
      "tpu.region"() ({
        %run_scoped3A_111 = tpu.sem_alloc : memref<!tpu.dma_semaphore, #tpu.memory_space<semaphore_mem>>
        %dma_start3A_112 = arith.constant 0 : i32
        %dma_start3A_113 = arith.constant 0 : i32
        %dma_start3A_114 = tpu.memref_slice %arg8[%run_scoped3A_107, %run_scoped3A_108, %dma_start3A_112, %dma_start3A_113] : memref<2x4x128x16xf32, #tpu.memory_space<vmem>> -> memref<1x1x128x16xf32, #tpu.memory_space<vmem>>
        %dma_start3A_115 = tpu.memref_squeeze %dma_start3A_114 : memref<1x1x128x16xf32, #tpu.memory_space<vmem>> -> memref<128x16xf32, #tpu.memory_space<vmem>>
        %dma_start3A_116 = arith.constant 0 : i32
        %dma_start3A_117 = tpu.memref_slice %arg6[%add3A_106, %dma_start3A_116] : memref<100352x16xf32, #tpu.memory_space<vmem_shared>> -> memref<128x16xf32, #tpu.memory_space<vmem_shared>>
        %dma_start3A_118 = arith.constant 0 : i32
        %dma_start3A_119 = arith.constant 0 : i32
        %dma_start3A_120 = tpu.memref_slice %arg8[%run_scoped3A_107, %run_scoped3A_108, %dma_start3A_118, %dma_start3A_119] : memref<2x4x128x16xf32, #tpu.memory_space<vmem>> -> memref<1x1x128x16xf32, #tpu.memory_space<vmem>>
        %dma_start3A_121 = tpu.memref_squeeze %dma_start3A_120 : memref<1x1x128x16xf32, #tpu.memory_space<vmem>> -> memref<128x16xf32, #tpu.memory_space<vmem>>
        %dma_start3A_122 = arith.constant 0 : i32
        %dma_start3A_123 = tpu.memref_slice %arg6[%add3A_106, %dma_start3A_122] : memref<100352x16xf32, #tpu.memory_space<vmem_shared>> -> memref<128x16xf32, #tpu.memory_space<vmem_shared>>
        tpu.enqueue_dma source(%dma_start3A_123 : memref<128x16xf32, #tpu.memory_space<vmem_shared>>) target(%dma_start3A_121 : memref<128x16xf32, #tpu.memory_space<vmem>>) target_semaphore(%run_scoped3A_111 : memref<!tpu.dma_semaphore, #tpu.memory_space<semaphore_mem>>)
        %dma_wait3A = arith.constant 0 : i32
        %dma_wait3A_124 = arith.constant 0 : i32
        %dma_wait3A_125 = tpu.memref_slice %arg8[%run_scoped3A_107, %run_scoped3A_108, %dma_wait3A, %dma_wait3A_124] : memref<2x4x128x16xf32, #tpu.memory_space<vmem>> -> memref<1x1x128x16xf32, #tpu.memory_space<vmem>>
        %dma_wait3A_126 = tpu.memref_squeeze %dma_wait3A_125 : memref<1x1x128x16xf32, #tpu.memory_space<vmem>> -> memref<128x16xf32, #tpu.memory_space<vmem>>
        %dma_wait3A_127 = arith.constant 0 : i32
        %dma_wait3A_128 = tpu.memref_slice %arg6[%add3A_106, %dma_wait3A_127] : memref<100352x16xf32, #tpu.memory_space<vmem_shared>> -> memref<128x16xf32, #tpu.memory_space<vmem_shared>>
        %dma_wait3A_129 = arith.constant 0 : i32
        %dma_wait3A_130 = arith.constant 0 : i32
        %dma_wait3A_131 = tpu.memref_slice %arg8[%run_scoped3A_107, %run_scoped3A_108, %dma_wait3A_129, %dma_wait3A_130] : memref<2x4x128x16xf32, #tpu.memory_space<vmem>> -> memref<1x1x128x16xf32, #tpu.memory_space<vmem>>
        %dma_wait3A_132 = tpu.memref_squeeze %dma_wait3A_131 : memref<1x1x128x16xf32, #tpu.memory_space<vmem>> -> memref<128x16xf32, #tpu.memory_space<vmem>>
        %dma_wait3A_133 = arith.constant 0 : i32
        %dma_wait3A_134 = tpu.memref_slice %arg6[%add3A_106, %dma_wait3A_133] : memref<100352x16xf32, #tpu.memory_space<vmem_shared>> -> memref<128x16xf32, #tpu.memory_space<vmem_shared>>
        tpu.wait_dma2 semaphore(%run_scoped3A_111 : memref<!tpu.dma_semaphore, #tpu.memory_space<semaphore_mem>>) src(%dma_wait3A_134 : memref<128x16xf32, #tpu.memory_space<vmem_shared>>) dst(%dma_wait3A_132 : memref<128x16xf32, #tpu.memory_space<vmem>>)
        tpu.yield
      }) : () -> ()
      %run_scoped3A_109 = arith.constant 0 : i32
      %run_scoped3A_110 = arith.constant 0 : i32
      "tpu.region"() ({
        %run_scoped3A_111 = tpu.sem_alloc : memref<!tpu.dma_semaphore, #tpu.memory_space<semaphore_mem>>
        %dma_start3A_112 = arith.constant 0 : i32
        %dma_start3A_113 = arith.constant 0 : i32
        %dma_start3A_114 = tpu.memref_slice %arg8[%run_scoped3A_109, %run_scoped3A_110, %dma_start3A_112, %dma_start3A_113] : memref<2x4x128x16xf32, #tpu.memory_space<vmem>> -> memref<1x1x128x16xf32, #tpu.memory_space<vmem>>
        %dma_start3A_115 = tpu.memref_squeeze %dma_start3A_114 : memref<1x1x128x16xf32, #tpu.memory_space<vmem>> -> memref<128x16xf32, #tpu.memory_space<vmem>>
        %dma_start3A_116 = arith.constant 0 : i32
        %dma_start3A_117 = tpu.memref_slice %arg5[%arg0, %add3A_106, %dma_start3A_116] : memref<2x100352x16xf32, #tpu.memory_space<hbm>> -> memref<1x128x16xf32, #tpu.memory_space<hbm>>
        %dma_start3A_118 = tpu.memref_squeeze %dma_start3A_117 : memref<1x128x16xf32, #tpu.memory_space<hbm>> -> memref<128x16xf32, #tpu.memory_space<hbm>>
        %dma_start3A_119 = arith.constant 0 : i32
        %dma_start3A_120 = tpu.memref_slice %arg5[%arg0, %add3A_106, %dma_start3A_119] : memref<2x100352x16xf32, #tpu.memory_space<hbm>> -> memref<1x128x16xf32, #tpu.memory_space<hbm>>
        %dma_start3A_121 = tpu.memref_squeeze %dma_start3A_120 : memref<1x128x16xf32, #tpu.memory_space<hbm>> -> memref<128x16xf32, #tpu.memory_space<hbm>>
        %dma_start3A_122 = arith.constant 0 : i32
        %dma_start3A_123 = arith.constant 0 : i32
        %dma_start3A_124 = tpu.memref_slice %arg8[%run_scoped3A_109, %run_scoped3A_110, %dma_start3A_122, %dma_start3A_123] : memref<2x4x128x16xf32, #tpu.memory_space<vmem>> -> memref<1x1x128x16xf32, #tpu.memory_space<vmem>>
        %dma_start3A_125 = tpu.memref_squeeze %dma_start3A_124 : memref<1x1x128x16xf32, #tpu.memory_space<vmem>> -> memref<128x16xf32, #tpu.memory_space<vmem>>
        tpu.enqueue_dma source(%dma_start3A_125 : memref<128x16xf32, #tpu.memory_space<vmem>>) target(%dma_start3A_121 : memref<128x16xf32, #tpu.memory_space<hbm>>) target_semaphore(%run_scoped3A_111 : memref<!tpu.dma_semaphore, #tpu.memory_space<semaphore_mem>>)
        %dma_wait3A = arith.constant 0 : i32
        %dma_wait3A_126 = arith.constant 0 : i32
        %dma_wait3A_127 = tpu.memref_slice %arg8[%run_scoped3A_109, %run_scoped3A_110, %dma_wait3A, %dma_wait3A_126] : memref<2x4x128x16xf32, #tpu.memory_space<vmem>> -> memref<1x1x128x16xf32, #tpu.memory_space<vmem>>
        %dma_wait3A_128 = tpu.memref_squeeze %dma_wait3A_127 : memref<1x1x128x16xf32, #tpu.memory_space<vmem>> -> memref<128x16xf32, #tpu.memory_space<vmem>>
        %dma_wait3A_129 = arith.constant 0 : i32
        %dma_wait3A_130 = tpu.memref_slice %arg5[%arg0, %add3A_106, %dma_wait3A_129] : memref<2x100352x16xf32, #tpu.memory_space<hbm>> -> memref<1x128x16xf32, #tpu.memory_space<hbm>>
        %dma_wait3A_131 = tpu.memref_squeeze %dma_wait3A_130 : memref<1x128x16xf32, #tpu.memory_space<hbm>> -> memref<128x16xf32, #tpu.memory_space<hbm>>
        %dma_wait3A_132 = arith.constant 0 : i32
        %dma_wait3A_133 = tpu.memref_slice %arg5[%arg0, %add3A_106, %dma_wait3A_132] : memref<2x100352x16xf32, #tpu.memory_space<hbm>> -> memref<1x128x16xf32, #tpu.memory_space<hbm>>
        %dma_wait3A_134 = tpu.memref_squeeze %dma_wait3A_133 : memref<1x128x16xf32, #tpu.memory_space<hbm>> -> memref<128x16xf32, #tpu.memory_space<hbm>>
        %dma_wait3A_135 = arith.constant 0 : i32
        %dma_wait3A_136 = arith.constant 0 : i32
        %dma_wait3A_137 = tpu.memref_slice %arg8[%run_scoped3A_109, %run_scoped3A_110, %dma_wait3A_135, %dma_wait3A_136] : memref<2x4x128x16xf32, #tpu.memory_space<vmem>> -> memref<1x1x128x16xf32, #tpu.memory_space<vmem>>
        %dma_wait3A_138 = tpu.memref_squeeze %dma_wait3A_137 : memref<1x1x128x16xf32, #tpu.memory_space<vmem>> -> memref<128x16xf32, #tpu.memory_space<vmem>>
        tpu.wait_dma2 semaphore(%run_scoped3A_111 : memref<!tpu.dma_semaphore, #tpu.memory_space<semaphore_mem>>) src(%dma_wait3A_138 : memref<128x16xf32, #tpu.memory_space<vmem>>) dst(%dma_wait3A_134 : memref<128x16xf32, #tpu.memory_space<hbm>>)
        tpu.yield
      }) : () -> ()
    }
    %scan3A_98 = arith.constant 49 : i32
    return
  }
}

#map = affine_map<(d0, d1) -> (0, 0, 0)>
#map1 = affine_map<(d0, d1) -> (0)>
#map2 = affine_map<(d0, d1) -> (0, 0)>
module attributes {stable_mosaic.version = 14 : i64} {
  func.func @body(%arg0: i32, %arg1: i32, %arg2: memref<2x6272x128xi32, #tpu.memory_space<hbm>>, %arg3: memref<128xf32, #tpu.memory_space<hbm>>, %arg4: memref<6272xf32, #tpu.memory_space<hbm>>, %arg5: memref<2x100352xf32, #tpu.memory_space<hbm>>, %arg6: memref<100352xf32, #tpu.memory_space<vmem_shared>>, %arg7: memref<8x128xi32, #tpu.memory_space<vmem>>, %arg8: memref<128xf32, #tpu.memory_space<vmem>>, %arg9: memref<6272xf32, #tpu.memory_space<vmem>>) attributes {dimension_semantics = [#tpu.dimension_semantics<core_parallel>, #tpu.dimension_semantics<subcore_parallel>], iteration_bounds = array<i64: 2, 16>, scalar_prefetch = 0 : i64, scratch_operands = 4 : i64, tpu.core_type = #tpu.core_type<sc_vector_subcore>, window_params = [{transform_indices = #map}, {transform_indices = #map1}, {transform_indices = #map1}, {transform_indices = #map2}]} {
    %mul3A = arith.constant 6272 : i32
    %mul3A_0 = arith.muli %arg1, %mul3A : i32
    "tpu.region"() ({
      %run_scoped3A = tpu.sem_alloc : memref<!tpu.dma_semaphore, #tpu.memory_space<semaphore_mem>>
      tpu.enqueue_dma source(%arg4 : memref<6272xf32, #tpu.memory_space<hbm>>) target(%arg9 : memref<6272xf32, #tpu.memory_space<vmem>>) target_semaphore(%run_scoped3A : memref<!tpu.dma_semaphore, #tpu.memory_space<semaphore_mem>>)
      tpu.wait_dma2 semaphore(%run_scoped3A : memref<!tpu.dma_semaphore, #tpu.memory_space<semaphore_mem>>) src(%arg4 : memref<6272xf32, #tpu.memory_space<hbm>>) dst(%arg9 : memref<6272xf32, #tpu.memory_space<vmem>>)
      tpu.yield
    }) : () -> ()
    "tpu.region"() ({
      %run_scoped3A = tpu.sem_alloc : memref<!tpu.dma_semaphore, #tpu.memory_space<semaphore_mem>>
      %dma_start3A = tpu.memref_slice %arg6[%mul3A_0] : memref<100352xf32, #tpu.memory_space<vmem_shared>> -> memref<6272xf32, #tpu.memory_space<vmem_shared>>
      %dma_start3A_8 = tpu.memref_slice %arg6[%mul3A_0] : memref<100352xf32, #tpu.memory_space<vmem_shared>> -> memref<6272xf32, #tpu.memory_space<vmem_shared>>
      tpu.enqueue_dma source(%arg9 : memref<6272xf32, #tpu.memory_space<vmem>>) target(%dma_start3A_8 : memref<6272xf32, #tpu.memory_space<vmem_shared>>) target_semaphore(%run_scoped3A : memref<!tpu.dma_semaphore, #tpu.memory_space<semaphore_mem>>)
      %dma_wait3A = tpu.memref_slice %arg6[%mul3A_0] : memref<100352xf32, #tpu.memory_space<vmem_shared>> -> memref<6272xf32, #tpu.memory_space<vmem_shared>>
      %dma_wait3A_9 = tpu.memref_slice %arg6[%mul3A_0] : memref<100352xf32, #tpu.memory_space<vmem_shared>> -> memref<6272xf32, #tpu.memory_space<vmem_shared>>
      tpu.wait_dma2 semaphore(%run_scoped3A : memref<!tpu.dma_semaphore, #tpu.memory_space<semaphore_mem>>) src(%arg9 : memref<6272xf32, #tpu.memory_space<vmem>>) dst(%dma_wait3A_9 : memref<6272xf32, #tpu.memory_space<vmem_shared>>)
      tpu.yield
    }) : () -> ()
    "tpu.region"() ({
      %run_scoped3A = tpu.sem_alloc : memref<!tpu.dma_semaphore, #tpu.memory_space<semaphore_mem>>
      tpu.enqueue_dma source(%arg3 : memref<128xf32, #tpu.memory_space<hbm>>) target(%arg8 : memref<128xf32, #tpu.memory_space<vmem>>) target_semaphore(%run_scoped3A : memref<!tpu.dma_semaphore, #tpu.memory_space<semaphore_mem>>)
      tpu.wait_dma2 semaphore(%run_scoped3A : memref<!tpu.dma_semaphore, #tpu.memory_space<semaphore_mem>>) src(%arg3 : memref<128xf32, #tpu.memory_space<hbm>>) dst(%arg8 : memref<128xf32, #tpu.memory_space<vmem>>)
      tpu.yield
    }) : () -> ()
    %barrier3A = arith.constant 0 : index
    tpu.barrier barrier_id(%barrier3A)
    %mul3A_1 = arith.constant 392 : i32
    %mul3A_2 = arith.muli %arg1, %mul3A_1 : i32
    %scan3A = arith.constant 0 : i32
    %scan3A_3 = arith.constant 49 : i32
    %scan3A_4 = arith.addi %scan3A, %scan3A_3 : i32
    %scan3A_5 = arith.constant 1 : i32
    scf.for %scan3A_8 = %scan3A to %scan3A_4 step %scan3A_5  : i32 {
      %mul3A_9 = arith.constant 1 : i32
      %mul3A_10 = arith.muli %scan3A_8, %mul3A_9 : i32
      %add3A = arith.constant 0 : i32
      %add3A_11 = arith.addi %add3A, %mul3A_10 : i32
      %mul3A_12 = arith.constant 8 : i32
      %mul3A_13 = arith.muli %add3A_11, %mul3A_12 : i32
      %add3A_14 = arith.addi %mul3A_2, %mul3A_13 : i32
      "tpu.region"() ({
        %run_scoped3A_22 = tpu.sem_alloc : memref<!tpu.dma_semaphore, #tpu.memory_space<semaphore_mem>>
        %dma_start3A = arith.constant 0 : i32
        %dma_start3A_23 = tpu.memref_slice %arg2[%arg0, %add3A_14, %dma_start3A] : memref<2x6272x128xi32, #tpu.memory_space<hbm>> -> memref<1x8x128xi32, #tpu.memory_space<hbm>>
        %dma_start3A_24 = tpu.memref_squeeze %dma_start3A_23 : memref<1x8x128xi32, #tpu.memory_space<hbm>> -> memref<8x128xi32, #tpu.memory_space<hbm>>
        %dma_start3A_25 = arith.constant 0 : i32
        %dma_start3A_26 = tpu.memref_slice %arg2[%arg0, %add3A_14, %dma_start3A_25] : memref<2x6272x128xi32, #tpu.memory_space<hbm>> -> memref<1x8x128xi32, #tpu.memory_space<hbm>>
        %dma_start3A_27 = tpu.memref_squeeze %dma_start3A_26 : memref<1x8x128xi32, #tpu.memory_space<hbm>> -> memref<8x128xi32, #tpu.memory_space<hbm>>
        tpu.enqueue_dma source(%dma_start3A_27 : memref<8x128xi32, #tpu.memory_space<hbm>>) target(%arg7 : memref<8x128xi32, #tpu.memory_space<vmem>>) target_semaphore(%run_scoped3A_22 : memref<!tpu.dma_semaphore, #tpu.memory_space<semaphore_mem>>)
        %dma_wait3A = arith.constant 0 : i32
        %dma_wait3A_28 = tpu.memref_slice %arg2[%arg0, %add3A_14, %dma_wait3A] : memref<2x6272x128xi32, #tpu.memory_space<hbm>> -> memref<1x8x128xi32, #tpu.memory_space<hbm>>
        %dma_wait3A_29 = tpu.memref_squeeze %dma_wait3A_28 : memref<1x8x128xi32, #tpu.memory_space<hbm>> -> memref<8x128xi32, #tpu.memory_space<hbm>>
        %dma_wait3A_30 = arith.constant 0 : i32
        %dma_wait3A_31 = tpu.memref_slice %arg2[%arg0, %add3A_14, %dma_wait3A_30] : memref<2x6272x128xi32, #tpu.memory_space<hbm>> -> memref<1x8x128xi32, #tpu.memory_space<hbm>>
        %dma_wait3A_32 = tpu.memref_squeeze %dma_wait3A_31 : memref<1x8x128xi32, #tpu.memory_space<hbm>> -> memref<8x128xi32, #tpu.memory_space<hbm>>
        tpu.wait_dma2 semaphore(%run_scoped3A_22 : memref<!tpu.dma_semaphore, #tpu.memory_space<semaphore_mem>>) src(%dma_wait3A_32 : memref<8x128xi32, #tpu.memory_space<hbm>>) dst(%arg7 : memref<8x128xi32, #tpu.memory_space<vmem>>)
        tpu.yield
      }) : () -> ()
      %run_scoped3A = arith.constant 0 : i32
      "tpu.region"() ({
        %run_scoped3A_22 = tpu.sem_alloc : memref<!tpu.dma_semaphore, #tpu.memory_space<semaphore_mem>>
        %dma_start3A = arith.constant 0 : i32
        %dma_start3A_23 = tpu.memref_slice %arg7[%run_scoped3A, %dma_start3A] : memref<8x128xi32, #tpu.memory_space<vmem>> -> memref<1x128xi32, #tpu.memory_space<vmem>>
        %dma_start3A_24 = tpu.memref_squeeze %dma_start3A_23 : memref<1x128xi32, #tpu.memory_space<vmem>> -> memref<128xi32, #tpu.memory_space<vmem>>
        %dma_start3A_25 = arith.constant 0 : i32
        %dma_start3A_26 = tpu.memref_slice %arg6[%dma_start3A_25] : memref<100352xf32, #tpu.memory_space<vmem_shared>> -> memref<100352xf32, #tpu.memory_space<vmem_shared>>
        tpu.enqueue_indirect_dma source(%arg8 : memref<128xf32, #tpu.memory_space<vmem>>) target(%dma_start3A_26 : memref<100352xf32, #tpu.memory_space<vmem_shared>>) offsets(%dma_start3A_24 : memref<128xi32, #tpu.memory_space<vmem>>) semaphore(%run_scoped3A_22 : memref<!tpu.dma_semaphore, #tpu.memory_space<semaphore_mem>>) {add = true}
        %dma_wait3A = arith.constant 0 : i32
        %dma_wait3A_27 = tpu.memref_slice %arg7[%run_scoped3A, %dma_wait3A] : memref<8x128xi32, #tpu.memory_space<vmem>> -> memref<1x128xi32, #tpu.memory_space<vmem>>
        %dma_wait3A_28 = tpu.memref_squeeze %dma_wait3A_27 : memref<1x128xi32, #tpu.memory_space<vmem>> -> memref<128xi32, #tpu.memory_space<vmem>>
        %dma_wait3A_29 = arith.constant 0 : i32
        %dma_wait3A_30 = tpu.memref_slice %arg6[%dma_wait3A_29] : memref<100352xf32, #tpu.memory_space<vmem_shared>> -> memref<100352xf32, #tpu.memory_space<vmem_shared>>
        tpu.wait_indirect_dma semaphore(%run_scoped3A_22 : memref<!tpu.dma_semaphore, #tpu.memory_space<semaphore_mem>>) src(%arg8 : memref<128xf32, #tpu.memory_space<vmem>>) dst(%dma_wait3A_30 : memref<100352xf32, #tpu.memory_space<vmem_shared>>)
        tpu.yield
      }) : () -> ()
      %run_scoped3A_15 = arith.constant 1 : i32
      "tpu.region"() ({
        %run_scoped3A_22 = tpu.sem_alloc : memref<!tpu.dma_semaphore, #tpu.memory_space<semaphore_mem>>
        %dma_start3A = arith.constant 0 : i32
        %dma_start3A_23 = tpu.memref_slice %arg7[%run_scoped3A_15, %dma_start3A] : memref<8x128xi32, #tpu.memory_space<vmem>> -> memref<1x128xi32, #tpu.memory_space<vmem>>
        %dma_start3A_24 = tpu.memref_squeeze %dma_start3A_23 : memref<1x128xi32, #tpu.memory_space<vmem>> -> memref<128xi32, #tpu.memory_space<vmem>>
        %dma_start3A_25 = arith.constant 0 : i32
        %dma_start3A_26 = tpu.memref_slice %arg6[%dma_start3A_25] : memref<100352xf32, #tpu.memory_space<vmem_shared>> -> memref<100352xf32, #tpu.memory_space<vmem_shared>>
        tpu.enqueue_indirect_dma source(%arg8 : memref<128xf32, #tpu.memory_space<vmem>>) target(%dma_start3A_26 : memref<100352xf32, #tpu.memory_space<vmem_shared>>) offsets(%dma_start3A_24 : memref<128xi32, #tpu.memory_space<vmem>>) semaphore(%run_scoped3A_22 : memref<!tpu.dma_semaphore, #tpu.memory_space<semaphore_mem>>) {add = true}
        %dma_wait3A = arith.constant 0 : i32
        %dma_wait3A_27 = tpu.memref_slice %arg7[%run_scoped3A_15, %dma_wait3A] : memref<8x128xi32, #tpu.memory_space<vmem>> -> memref<1x128xi32, #tpu.memory_space<vmem>>
        %dma_wait3A_28 = tpu.memref_squeeze %dma_wait3A_27 : memref<1x128xi32, #tpu.memory_space<vmem>> -> memref<128xi32, #tpu.memory_space<vmem>>
        %dma_wait3A_29 = arith.constant 0 : i32
        %dma_wait3A_30 = tpu.memref_slice %arg6[%dma_wait3A_29] : memref<100352xf32, #tpu.memory_space<vmem_shared>> -> memref<100352xf32, #tpu.memory_space<vmem_shared>>
        tpu.wait_indirect_dma semaphore(%run_scoped3A_22 : memref<!tpu.dma_semaphore, #tpu.memory_space<semaphore_mem>>) src(%arg8 : memref<128xf32, #tpu.memory_space<vmem>>) dst(%dma_wait3A_30 : memref<100352xf32, #tpu.memory_space<vmem_shared>>)
        tpu.yield
      }) : () -> ()
      %run_scoped3A_16 = arith.constant 2 : i32
      "tpu.region"() ({
        %run_scoped3A_22 = tpu.sem_alloc : memref<!tpu.dma_semaphore, #tpu.memory_space<semaphore_mem>>
        %dma_start3A = arith.constant 0 : i32
        %dma_start3A_23 = tpu.memref_slice %arg7[%run_scoped3A_16, %dma_start3A] : memref<8x128xi32, #tpu.memory_space<vmem>> -> memref<1x128xi32, #tpu.memory_space<vmem>>
        %dma_start3A_24 = tpu.memref_squeeze %dma_start3A_23 : memref<1x128xi32, #tpu.memory_space<vmem>> -> memref<128xi32, #tpu.memory_space<vmem>>
        %dma_start3A_25 = arith.constant 0 : i32
        %dma_start3A_26 = tpu.memref_slice %arg6[%dma_start3A_25] : memref<100352xf32, #tpu.memory_space<vmem_shared>> -> memref<100352xf32, #tpu.memory_space<vmem_shared>>
        tpu.enqueue_indirect_dma source(%arg8 : memref<128xf32, #tpu.memory_space<vmem>>) target(%dma_start3A_26 : memref<100352xf32, #tpu.memory_space<vmem_shared>>) offsets(%dma_start3A_24 : memref<128xi32, #tpu.memory_space<vmem>>) semaphore(%run_scoped3A_22 : memref<!tpu.dma_semaphore, #tpu.memory_space<semaphore_mem>>) {add = true}
        %dma_wait3A = arith.constant 0 : i32
        %dma_wait3A_27 = tpu.memref_slice %arg7[%run_scoped3A_16, %dma_wait3A] : memref<8x128xi32, #tpu.memory_space<vmem>> -> memref<1x128xi32, #tpu.memory_space<vmem>>
        %dma_wait3A_28 = tpu.memref_squeeze %dma_wait3A_27 : memref<1x128xi32, #tpu.memory_space<vmem>> -> memref<128xi32, #tpu.memory_space<vmem>>
        %dma_wait3A_29 = arith.constant 0 : i32
        %dma_wait3A_30 = tpu.memref_slice %arg6[%dma_wait3A_29] : memref<100352xf32, #tpu.memory_space<vmem_shared>> -> memref<100352xf32, #tpu.memory_space<vmem_shared>>
        tpu.wait_indirect_dma semaphore(%run_scoped3A_22 : memref<!tpu.dma_semaphore, #tpu.memory_space<semaphore_mem>>) src(%arg8 : memref<128xf32, #tpu.memory_space<vmem>>) dst(%dma_wait3A_30 : memref<100352xf32, #tpu.memory_space<vmem_shared>>)
        tpu.yield
      }) : () -> ()
      %run_scoped3A_17 = arith.constant 3 : i32
      "tpu.region"() ({
        %run_scoped3A_22 = tpu.sem_alloc : memref<!tpu.dma_semaphore, #tpu.memory_space<semaphore_mem>>
        %dma_start3A = arith.constant 0 : i32
        %dma_start3A_23 = tpu.memref_slice %arg7[%run_scoped3A_17, %dma_start3A] : memref<8x128xi32, #tpu.memory_space<vmem>> -> memref<1x128xi32, #tpu.memory_space<vmem>>
        %dma_start3A_24 = tpu.memref_squeeze %dma_start3A_23 : memref<1x128xi32, #tpu.memory_space<vmem>> -> memref<128xi32, #tpu.memory_space<vmem>>
        %dma_start3A_25 = arith.constant 0 : i32
        %dma_start3A_26 = tpu.memref_slice %arg6[%dma_start3A_25] : memref<100352xf32, #tpu.memory_space<vmem_shared>> -> memref<100352xf32, #tpu.memory_space<vmem_shared>>
        tpu.enqueue_indirect_dma source(%arg8 : memref<128xf32, #tpu.memory_space<vmem>>) target(%dma_start3A_26 : memref<100352xf32, #tpu.memory_space<vmem_shared>>) offsets(%dma_start3A_24 : memref<128xi32, #tpu.memory_space<vmem>>) semaphore(%run_scoped3A_22 : memref<!tpu.dma_semaphore, #tpu.memory_space<semaphore_mem>>) {add = true}
        %dma_wait3A = arith.constant 0 : i32
        %dma_wait3A_27 = tpu.memref_slice %arg7[%run_scoped3A_17, %dma_wait3A] : memref<8x128xi32, #tpu.memory_space<vmem>> -> memref<1x128xi32, #tpu.memory_space<vmem>>
        %dma_wait3A_28 = tpu.memref_squeeze %dma_wait3A_27 : memref<1x128xi32, #tpu.memory_space<vmem>> -> memref<128xi32, #tpu.memory_space<vmem>>
        %dma_wait3A_29 = arith.constant 0 : i32
        %dma_wait3A_30 = tpu.memref_slice %arg6[%dma_wait3A_29] : memref<100352xf32, #tpu.memory_space<vmem_shared>> -> memref<100352xf32, #tpu.memory_space<vmem_shared>>
        tpu.wait_indirect_dma semaphore(%run_scoped3A_22 : memref<!tpu.dma_semaphore, #tpu.memory_space<semaphore_mem>>) src(%arg8 : memref<128xf32, #tpu.memory_space<vmem>>) dst(%dma_wait3A_30 : memref<100352xf32, #tpu.memory_space<vmem_shared>>)
        tpu.yield
      }) : () -> ()
      %run_scoped3A_18 = arith.constant 4 : i32
      "tpu.region"() ({
        %run_scoped3A_22 = tpu.sem_alloc : memref<!tpu.dma_semaphore, #tpu.memory_space<semaphore_mem>>
        %dma_start3A = arith.constant 0 : i32
        %dma_start3A_23 = tpu.memref_slice %arg7[%run_scoped3A_18, %dma_start3A] : memref<8x128xi32, #tpu.memory_space<vmem>> -> memref<1x128xi32, #tpu.memory_space<vmem>>
        %dma_start3A_24 = tpu.memref_squeeze %dma_start3A_23 : memref<1x128xi32, #tpu.memory_space<vmem>> -> memref<128xi32, #tpu.memory_space<vmem>>
        %dma_start3A_25 = arith.constant 0 : i32
        %dma_start3A_26 = tpu.memref_slice %arg6[%dma_start3A_25] : memref<100352xf32, #tpu.memory_space<vmem_shared>> -> memref<100352xf32, #tpu.memory_space<vmem_shared>>
        tpu.enqueue_indirect_dma source(%arg8 : memref<128xf32, #tpu.memory_space<vmem>>) target(%dma_start3A_26 : memref<100352xf32, #tpu.memory_space<vmem_shared>>) offsets(%dma_start3A_24 : memref<128xi32, #tpu.memory_space<vmem>>) semaphore(%run_scoped3A_22 : memref<!tpu.dma_semaphore, #tpu.memory_space<semaphore_mem>>) {add = true}
        %dma_wait3A = arith.constant 0 : i32
        %dma_wait3A_27 = tpu.memref_slice %arg7[%run_scoped3A_18, %dma_wait3A] : memref<8x128xi32, #tpu.memory_space<vmem>> -> memref<1x128xi32, #tpu.memory_space<vmem>>
        %dma_wait3A_28 = tpu.memref_squeeze %dma_wait3A_27 : memref<1x128xi32, #tpu.memory_space<vmem>> -> memref<128xi32, #tpu.memory_space<vmem>>
        %dma_wait3A_29 = arith.constant 0 : i32
        %dma_wait3A_30 = tpu.memref_slice %arg6[%dma_wait3A_29] : memref<100352xf32, #tpu.memory_space<vmem_shared>> -> memref<100352xf32, #tpu.memory_space<vmem_shared>>
        tpu.wait_indirect_dma semaphore(%run_scoped3A_22 : memref<!tpu.dma_semaphore, #tpu.memory_space<semaphore_mem>>) src(%arg8 : memref<128xf32, #tpu.memory_space<vmem>>) dst(%dma_wait3A_30 : memref<100352xf32, #tpu.memory_space<vmem_shared>>)
        tpu.yield
      }) : () -> ()
      %run_scoped3A_19 = arith.constant 5 : i32
      "tpu.region"() ({
        %run_scoped3A_22 = tpu.sem_alloc : memref<!tpu.dma_semaphore, #tpu.memory_space<semaphore_mem>>
        %dma_start3A = arith.constant 0 : i32
        %dma_start3A_23 = tpu.memref_slice %arg7[%run_scoped3A_19, %dma_start3A] : memref<8x128xi32, #tpu.memory_space<vmem>> -> memref<1x128xi32, #tpu.memory_space<vmem>>
        %dma_start3A_24 = tpu.memref_squeeze %dma_start3A_23 : memref<1x128xi32, #tpu.memory_space<vmem>> -> memref<128xi32, #tpu.memory_space<vmem>>
        %dma_start3A_25 = arith.constant 0 : i32
        %dma_start3A_26 = tpu.memref_slice %arg6[%dma_start3A_25] : memref<100352xf32, #tpu.memory_space<vmem_shared>> -> memref<100352xf32, #tpu.memory_space<vmem_shared>>
        tpu.enqueue_indirect_dma source(%arg8 : memref<128xf32, #tpu.memory_space<vmem>>) target(%dma_start3A_26 : memref<100352xf32, #tpu.memory_space<vmem_shared>>) offsets(%dma_start3A_24 : memref<128xi32, #tpu.memory_space<vmem>>) semaphore(%run_scoped3A_22 : memref<!tpu.dma_semaphore, #tpu.memory_space<semaphore_mem>>) {add = true}
        %dma_wait3A = arith.constant 0 : i32
        %dma_wait3A_27 = tpu.memref_slice %arg7[%run_scoped3A_19, %dma_wait3A] : memref<8x128xi32, #tpu.memory_space<vmem>> -> memref<1x128xi32, #tpu.memory_space<vmem>>
        %dma_wait3A_28 = tpu.memref_squeeze %dma_wait3A_27 : memref<1x128xi32, #tpu.memory_space<vmem>> -> memref<128xi32, #tpu.memory_space<vmem>>
        %dma_wait3A_29 = arith.constant 0 : i32
        %dma_wait3A_30 = tpu.memref_slice %arg6[%dma_wait3A_29] : memref<100352xf32, #tpu.memory_space<vmem_shared>> -> memref<100352xf32, #tpu.memory_space<vmem_shared>>
        tpu.wait_indirect_dma semaphore(%run_scoped3A_22 : memref<!tpu.dma_semaphore, #tpu.memory_space<semaphore_mem>>) src(%arg8 : memref<128xf32, #tpu.memory_space<vmem>>) dst(%dma_wait3A_30 : memref<100352xf32, #tpu.memory_space<vmem_shared>>)
        tpu.yield
      }) : () -> ()
      %run_scoped3A_20 = arith.constant 6 : i32
      "tpu.region"() ({
        %run_scoped3A_22 = tpu.sem_alloc : memref<!tpu.dma_semaphore, #tpu.memory_space<semaphore_mem>>
        %dma_start3A = arith.constant 0 : i32
        %dma_start3A_23 = tpu.memref_slice %arg7[%run_scoped3A_20, %dma_start3A] : memref<8x128xi32, #tpu.memory_space<vmem>> -> memref<1x128xi32, #tpu.memory_space<vmem>>
        %dma_start3A_24 = tpu.memref_squeeze %dma_start3A_23 : memref<1x128xi32, #tpu.memory_space<vmem>> -> memref<128xi32, #tpu.memory_space<vmem>>
        %dma_start3A_25 = arith.constant 0 : i32
        %dma_start3A_26 = tpu.memref_slice %arg6[%dma_start3A_25] : memref<100352xf32, #tpu.memory_space<vmem_shared>> -> memref<100352xf32, #tpu.memory_space<vmem_shared>>
        tpu.enqueue_indirect_dma source(%arg8 : memref<128xf32, #tpu.memory_space<vmem>>) target(%dma_start3A_26 : memref<100352xf32, #tpu.memory_space<vmem_shared>>) offsets(%dma_start3A_24 : memref<128xi32, #tpu.memory_space<vmem>>) semaphore(%run_scoped3A_22 : memref<!tpu.dma_semaphore, #tpu.memory_space<semaphore_mem>>) {add = true}
        %dma_wait3A = arith.constant 0 : i32
        %dma_wait3A_27 = tpu.memref_slice %arg7[%run_scoped3A_20, %dma_wait3A] : memref<8x128xi32, #tpu.memory_space<vmem>> -> memref<1x128xi32, #tpu.memory_space<vmem>>
        %dma_wait3A_28 = tpu.memref_squeeze %dma_wait3A_27 : memref<1x128xi32, #tpu.memory_space<vmem>> -> memref<128xi32, #tpu.memory_space<vmem>>
        %dma_wait3A_29 = arith.constant 0 : i32
        %dma_wait3A_30 = tpu.memref_slice %arg6[%dma_wait3A_29] : memref<100352xf32, #tpu.memory_space<vmem_shared>> -> memref<100352xf32, #tpu.memory_space<vmem_shared>>
        tpu.wait_indirect_dma semaphore(%run_scoped3A_22 : memref<!tpu.dma_semaphore, #tpu.memory_space<semaphore_mem>>) src(%arg8 : memref<128xf32, #tpu.memory_space<vmem>>) dst(%dma_wait3A_30 : memref<100352xf32, #tpu.memory_space<vmem_shared>>)
        tpu.yield
      }) : () -> ()
      %run_scoped3A_21 = arith.constant 7 : i32
      "tpu.region"() ({
        %run_scoped3A_22 = tpu.sem_alloc : memref<!tpu.dma_semaphore, #tpu.memory_space<semaphore_mem>>
        %dma_start3A = arith.constant 0 : i32
        %dma_start3A_23 = tpu.memref_slice %arg7[%run_scoped3A_21, %dma_start3A] : memref<8x128xi32, #tpu.memory_space<vmem>> -> memref<1x128xi32, #tpu.memory_space<vmem>>
        %dma_start3A_24 = tpu.memref_squeeze %dma_start3A_23 : memref<1x128xi32, #tpu.memory_space<vmem>> -> memref<128xi32, #tpu.memory_space<vmem>>
        %dma_start3A_25 = arith.constant 0 : i32
        %dma_start3A_26 = tpu.memref_slice %arg6[%dma_start3A_25] : memref<100352xf32, #tpu.memory_space<vmem_shared>> -> memref<100352xf32, #tpu.memory_space<vmem_shared>>
        tpu.enqueue_indirect_dma source(%arg8 : memref<128xf32, #tpu.memory_space<vmem>>) target(%dma_start3A_26 : memref<100352xf32, #tpu.memory_space<vmem_shared>>) offsets(%dma_start3A_24 : memref<128xi32, #tpu.memory_space<vmem>>) semaphore(%run_scoped3A_22 : memref<!tpu.dma_semaphore, #tpu.memory_space<semaphore_mem>>) {add = true}
        %dma_wait3A = arith.constant 0 : i32
        %dma_wait3A_27 = tpu.memref_slice %arg7[%run_scoped3A_21, %dma_wait3A] : memref<8x128xi32, #tpu.memory_space<vmem>> -> memref<1x128xi32, #tpu.memory_space<vmem>>
        %dma_wait3A_28 = tpu.memref_squeeze %dma_wait3A_27 : memref<1x128xi32, #tpu.memory_space<vmem>> -> memref<128xi32, #tpu.memory_space<vmem>>
        %dma_wait3A_29 = arith.constant 0 : i32
        %dma_wait3A_30 = tpu.memref_slice %arg6[%dma_wait3A_29] : memref<100352xf32, #tpu.memory_space<vmem_shared>> -> memref<100352xf32, #tpu.memory_space<vmem_shared>>
        tpu.wait_indirect_dma semaphore(%run_scoped3A_22 : memref<!tpu.dma_semaphore, #tpu.memory_space<semaphore_mem>>) src(%arg8 : memref<128xf32, #tpu.memory_space<vmem>>) dst(%dma_wait3A_30 : memref<100352xf32, #tpu.memory_space<vmem_shared>>)
        tpu.yield
      }) : () -> ()
    }
    %scan3A_6 = arith.constant 49 : i32
    %barrier3A_7 = arith.constant 0 : index
    tpu.barrier barrier_id(%barrier3A_7)
    "tpu.region"() ({
      %run_scoped3A = tpu.sem_alloc : memref<!tpu.dma_semaphore, #tpu.memory_space<semaphore_mem>>
      %dma_start3A = tpu.memref_slice %arg6[%mul3A_0] : memref<100352xf32, #tpu.memory_space<vmem_shared>> -> memref<6272xf32, #tpu.memory_space<vmem_shared>>
      %dma_start3A_8 = tpu.memref_slice %arg6[%mul3A_0] : memref<100352xf32, #tpu.memory_space<vmem_shared>> -> memref<6272xf32, #tpu.memory_space<vmem_shared>>
      tpu.enqueue_dma source(%dma_start3A_8 : memref<6272xf32, #tpu.memory_space<vmem_shared>>) target(%arg9 : memref<6272xf32, #tpu.memory_space<vmem>>) target_semaphore(%run_scoped3A : memref<!tpu.dma_semaphore, #tpu.memory_space<semaphore_mem>>)
      %dma_wait3A = tpu.memref_slice %arg6[%mul3A_0] : memref<100352xf32, #tpu.memory_space<vmem_shared>> -> memref<6272xf32, #tpu.memory_space<vmem_shared>>
      %dma_wait3A_9 = tpu.memref_slice %arg6[%mul3A_0] : memref<100352xf32, #tpu.memory_space<vmem_shared>> -> memref<6272xf32, #tpu.memory_space<vmem_shared>>
      tpu.wait_dma2 semaphore(%run_scoped3A : memref<!tpu.dma_semaphore, #tpu.memory_space<semaphore_mem>>) src(%dma_wait3A_9 : memref<6272xf32, #tpu.memory_space<vmem_shared>>) dst(%arg9 : memref<6272xf32, #tpu.memory_space<vmem>>)
      tpu.yield
    }) : () -> ()
    "tpu.region"() ({
      %run_scoped3A = tpu.sem_alloc : memref<!tpu.dma_semaphore, #tpu.memory_space<semaphore_mem>>
      %dma_start3A = tpu.memref_slice %arg5[%arg0, %mul3A_0] : memref<2x100352xf32, #tpu.memory_space<hbm>> -> memref<1x6272xf32, #tpu.memory_space<hbm>>
      %dma_start3A_8 = tpu.memref_squeeze %dma_start3A : memref<1x6272xf32, #tpu.memory_space<hbm>> -> memref<6272xf32, #tpu.memory_space<hbm>>
      %dma_start3A_9 = tpu.memref_slice %arg5[%arg0, %mul3A_0] : memref<2x100352xf32, #tpu.memory_space<hbm>> -> memref<1x6272xf32, #tpu.memory_space<hbm>>
      %dma_start3A_10 = tpu.memref_squeeze %dma_start3A_9 : memref<1x6272xf32, #tpu.memory_space<hbm>> -> memref<6272xf32, #tpu.memory_space<hbm>>
      tpu.enqueue_dma source(%arg9 : memref<6272xf32, #tpu.memory_space<vmem>>) target(%dma_start3A_10 : memref<6272xf32, #tpu.memory_space<hbm>>) target_semaphore(%run_scoped3A : memref<!tpu.dma_semaphore, #tpu.memory_space<semaphore_mem>>)
      %dma_wait3A = tpu.memref_slice %arg5[%arg0, %mul3A_0] : memref<2x100352xf32, #tpu.memory_space<hbm>> -> memref<1x6272xf32, #tpu.memory_space<hbm>>
      %dma_wait3A_11 = tpu.memref_squeeze %dma_wait3A : memref<1x6272xf32, #tpu.memory_space<hbm>> -> memref<6272xf32, #tpu.memory_space<hbm>>
      %dma_wait3A_12 = tpu.memref_slice %arg5[%arg0, %mul3A_0] : memref<2x100352xf32, #tpu.memory_space<hbm>> -> memref<1x6272xf32, #tpu.memory_space<hbm>>
      %dma_wait3A_13 = tpu.memref_squeeze %dma_wait3A_12 : memref<1x6272xf32, #tpu.memory_space<hbm>> -> memref<6272xf32, #tpu.memory_space<hbm>>
      tpu.wait_dma2 semaphore(%run_scoped3A : memref<!tpu.dma_semaphore, #tpu.memory_space<semaphore_mem>>) src(%arg9 : memref<6272xf32, #tpu.memory_space<vmem>>) dst(%dma_wait3A_13 : memref<6272xf32, #tpu.memory_space<hbm>>)
      tpu.yield
    }) : () -> ()
    return
  }
}

#map = affine_map<(d0, d1) -> (0, 0, 0, 0)>
#map1 = affine_map<(d0, d1) -> (0, 0)>
#map2 = affine_map<(d0, d1) -> (0, 0, 0)>
module attributes {stable_mosaic.version = 14 : i64} {
  func.func @body(%arg0: i32, %arg1: i32, %arg2: memref<2x6272x2x128xi32, #tpu.memory_space<hbm>>, %arg3: memref<100352x16xf32, #tpu.memory_space<hbm>>, %arg4: memref<128x16xf32, #tpu.memory_space<hbm>>, %arg5: memref<2x100352x16xf32, #tpu.memory_space<hbm>>, %arg6: memref<100352x16xf32, #tpu.memory_space<vmem_shared>>, %arg7: memref<3x4x2x128xi32, #tpu.memory_space<vmem>>, %arg8: memref<2x4x128x16xf32, #tpu.memory_space<vmem>>, %arg9: memref<!tpu.dma_semaphore, #tpu.memory_space<semaphore_mem>>, %arg10: memref<!tpu.dma_semaphore, #tpu.memory_space<semaphore_mem>>) attributes {dimension_semantics = [#tpu.dimension_semantics<core_parallel>, #tpu.dimension_semantics<subcore_parallel>], iteration_bounds = array<i64: 2, 16>, scalar_prefetch = 0 : i64, scratch_operands = 5 : i64, tpu.core_type = #tpu.core_type<sc_vector_subcore>, window_params = [{transform_indices = #map}, {transform_indices = #map1}, {transform_indices = #map1}, {transform_indices = #map2}]} {
    %mul3A = arith.constant 6272 : i32
    %mul3A_0 = arith.muli %arg1, %mul3A : i32
    %run_scoped3A = arith.constant 0 : i32
    %run_scoped3A_1 = arith.constant 0 : i32
    "tpu.region"() ({
      %run_scoped3A_99 = tpu.sem_alloc : memref<!tpu.dma_semaphore, #tpu.memory_space<semaphore_mem>>
      %dma_start3A_100 = arith.constant 0 : i32
      %dma_start3A_101 = arith.constant 0 : i32
      %dma_start3A_102 = tpu.memref_slice %arg8[%run_scoped3A, %run_scoped3A_1, %dma_start3A_100, %dma_start3A_101] : memref<2x4x128x16xf32, #tpu.memory_space<vmem>> -> memref<1x1x128x16xf32, #tpu.memory_space<vmem>>
      %dma_start3A_103 = tpu.memref_squeeze %dma_start3A_102 : memref<1x1x128x16xf32, #tpu.memory_space<vmem>> -> memref<128x16xf32, #tpu.memory_space<vmem>>
      %dma_start3A_104 = arith.constant 0 : i32
      %dma_start3A_105 = arith.constant 0 : i32
      %dma_start3A_106 = tpu.memref_slice %arg8[%run_scoped3A, %run_scoped3A_1, %dma_start3A_104, %dma_start3A_105] : memref<2x4x128x16xf32, #tpu.memory_space<vmem>> -> memref<1x1x128x16xf32, #tpu.memory_space<vmem>>
      %dma_start3A_107 = tpu.memref_squeeze %dma_start3A_106 : memref<1x1x128x16xf32, #tpu.memory_space<vmem>> -> memref<128x16xf32, #tpu.memory_space<vmem>>
      tpu.enqueue_dma source(%arg4 : memref<128x16xf32, #tpu.memory_space<hbm>>) target(%dma_start3A_107 : memref<128x16xf32, #tpu.memory_space<vmem>>) target_semaphore(%run_scoped3A_99 : memref<!tpu.dma_semaphore, #tpu.memory_space<semaphore_mem>>)
      %dma_wait3A = arith.constant 0 : i32
      %dma_wait3A_108 = arith.constant 0 : i32
      %dma_wait3A_109 = tpu.memref_slice %arg8[%run_scoped3A, %run_scoped3A_1, %dma_wait3A, %dma_wait3A_108] : memref<2x4x128x16xf32, #tpu.memory_space<vmem>> -> memref<1x1x128x16xf32, #tpu.memory_space<vmem>>
      %dma_wait3A_110 = tpu.memref_squeeze %dma_wait3A_109 : memref<1x1x128x16xf32, #tpu.memory_space<vmem>> -> memref<128x16xf32, #tpu.memory_space<vmem>>
      %dma_wait3A_111 = arith.constant 0 : i32
      %dma_wait3A_112 = arith.constant 0 : i32
      %dma_wait3A_113 = tpu.memref_slice %arg8[%run_scoped3A, %run_scoped3A_1, %dma_wait3A_111, %dma_wait3A_112] : memref<2x4x128x16xf32, #tpu.memory_space<vmem>> -> memref<1x1x128x16xf32, #tpu.memory_space<vmem>>
      %dma_wait3A_114 = tpu.memref_squeeze %dma_wait3A_113 : memref<1x1x128x16xf32, #tpu.memory_space<vmem>> -> memref<128x16xf32, #tpu.memory_space<vmem>>
      tpu.wait_dma2 semaphore(%run_scoped3A_99 : memref<!tpu.dma_semaphore, #tpu.memory_space<semaphore_mem>>) src(%arg4 : memref<128x16xf32, #tpu.memory_space<hbm>>) dst(%dma_wait3A_114 : memref<128x16xf32, #tpu.memory_space<vmem>>)
      tpu.yield
    }) : () -> ()
    %scan3A = arith.constant 0 : i32
    %scan3A_2 = arith.constant 49 : i32
    %scan3A_3 = arith.addi %scan3A, %scan3A_2 : i32
    %scan3A_4 = arith.constant 1 : i32
    scf.for %scan3A_99 = %scan3A to %scan3A_3 step %scan3A_4  : i32 {
      %mul3A_100 = arith.constant 1 : i32
      %mul3A_101 = arith.muli %scan3A_99, %mul3A_100 : i32
      %add3A_102 = arith.constant 0 : i32
      %add3A_103 = arith.addi %add3A_102, %mul3A_101 : i32
      %mul3A_104 = arith.constant 128 : i32
      %mul3A_105 = arith.muli %add3A_103, %mul3A_104 : i32
      %add3A_106 = arith.addi %mul3A_0, %mul3A_105 : i32
      %run_scoped3A_107 = arith.constant 0 : i32
      %run_scoped3A_108 = arith.constant 0 : i32
      "tpu.region"() ({
        %run_scoped3A_109 = tpu.sem_alloc : memref<!tpu.dma_semaphore, #tpu.memory_space<semaphore_mem>>
        %dma_start3A_110 = arith.constant 0 : i32
        %dma_start3A_111 = arith.constant 0 : i32
        %dma_start3A_112 = tpu.memref_slice %arg8[%run_scoped3A_107, %run_scoped3A_108, %dma_start3A_110, %dma_start3A_111] : memref<2x4x128x16xf32, #tpu.memory_space<vmem>> -> memref<1x1x128x16xf32, #tpu.memory_space<vmem>>
        %dma_start3A_113 = tpu.memref_squeeze %dma_start3A_112 : memref<1x1x128x16xf32, #tpu.memory_space<vmem>> -> memref<128x16xf32, #tpu.memory_space<vmem>>
        %dma_start3A_114 = arith.constant 0 : i32
        %dma_start3A_115 = tpu.memref_slice %arg6[%add3A_106, %dma_start3A_114] : memref<100352x16xf32, #tpu.memory_space<vmem_shared>> -> memref<128x16xf32, #tpu.memory_space<vmem_shared>>
        %dma_start3A_116 = arith.constant 0 : i32
        %dma_start3A_117 = tpu.memref_slice %arg6[%add3A_106, %dma_start3A_116] : memref<100352x16xf32, #tpu.memory_space<vmem_shared>> -> memref<128x16xf32, #tpu.memory_space<vmem_shared>>
        %dma_start3A_118 = arith.constant 0 : i32
        %dma_start3A_119 = arith.constant 0 : i32
        %dma_start3A_120 = tpu.memref_slice %arg8[%run_scoped3A_107, %run_scoped3A_108, %dma_start3A_118, %dma_start3A_119] : memref<2x4x128x16xf32, #tpu.memory_space<vmem>> -> memref<1x1x128x16xf32, #tpu.memory_space<vmem>>
        %dma_start3A_121 = tpu.memref_squeeze %dma_start3A_120 : memref<1x1x128x16xf32, #tpu.memory_space<vmem>> -> memref<128x16xf32, #tpu.memory_space<vmem>>
        tpu.enqueue_dma source(%dma_start3A_121 : memref<128x16xf32, #tpu.memory_space<vmem>>) target(%dma_start3A_117 : memref<128x16xf32, #tpu.memory_space<vmem_shared>>) target_semaphore(%run_scoped3A_109 : memref<!tpu.dma_semaphore, #tpu.memory_space<semaphore_mem>>)
        %dma_wait3A = arith.constant 0 : i32
        %dma_wait3A_122 = arith.constant 0 : i32
        %dma_wait3A_123 = tpu.memref_slice %arg8[%run_scoped3A_107, %run_scoped3A_108, %dma_wait3A, %dma_wait3A_122] : memref<2x4x128x16xf32, #tpu.memory_space<vmem>> -> memref<1x1x128x16xf32, #tpu.memory_space<vmem>>
        %dma_wait3A_124 = tpu.memref_squeeze %dma_wait3A_123 : memref<1x1x128x16xf32, #tpu.memory_space<vmem>> -> memref<128x16xf32, #tpu.memory_space<vmem>>
        %dma_wait3A_125 = arith.constant 0 : i32
        %dma_wait3A_126 = tpu.memref_slice %arg6[%add3A_106, %dma_wait3A_125] : memref<100352x16xf32, #tpu.memory_space<vmem_shared>> -> memref<128x16xf32, #tpu.memory_space<vmem_shared>>
        %dma_wait3A_127 = arith.constant 0 : i32
        %dma_wait3A_128 = tpu.memref_slice %arg6[%add3A_106, %dma_wait3A_127] : memref<100352x16xf32, #tpu.memory_space<vmem_shared>> -> memref<128x16xf32, #tpu.memory_space<vmem_shared>>
        %dma_wait3A_129 = arith.constant 0 : i32
        %dma_wait3A_130 = arith.constant 0 : i32
        %dma_wait3A_131 = tpu.memref_slice %arg8[%run_scoped3A_107, %run_scoped3A_108, %dma_wait3A_129, %dma_wait3A_130] : memref<2x4x128x16xf32, #tpu.memory_space<vmem>> -> memref<1x1x128x16xf32, #tpu.memory_space<vmem>>
        %dma_wait3A_132 = tpu.memref_squeeze %dma_wait3A_131 : memref<1x1x128x16xf32, #tpu.memory_space<vmem>> -> memref<128x16xf32, #tpu.memory_space<vmem>>
        tpu.wait_dma2 semaphore(%run_scoped3A_109 : memref<!tpu.dma_semaphore, #tpu.memory_space<semaphore_mem>>) src(%dma_wait3A_132 : memref<128x16xf32, #tpu.memory_space<vmem>>) dst(%dma_wait3A_128 : memref<128x16xf32, #tpu.memory_space<vmem_shared>>)
        tpu.yield
      }) : () -> ()
    }
    %scan3A_5 = arith.constant 49 : i32
    %barrier3A = arith.constant 0 : index
    tpu.barrier barrier_id(%barrier3A)
    %mul3A_6 = arith.constant 392 : i32
    %mul3A_7 = arith.muli %arg1, %mul3A_6 : i32
    %run_scoped3A_8 = arith.constant 0 : i32
    "tpu.region"() ({
      %run_scoped3A_99 = tpu.sem_alloc : memref<!tpu.dma_semaphore, #tpu.memory_space<semaphore_mem>>
      %dma_start3A_100 = arith.constant 0 : i32
      %dma_start3A_101 = arith.constant 0 : i32
      %dma_start3A_102 = arith.constant 0 : i32
      %dma_start3A_103 = tpu.memref_slice %arg7[%run_scoped3A_8, %dma_start3A_100, %dma_start3A_101, %dma_start3A_102] : memref<3x4x2x128xi32, #tpu.memory_space<vmem>> -> memref<1x4x2x128xi32, #tpu.memory_space<vmem>>
      %dma_start3A_104 = tpu.memref_squeeze %dma_start3A_103 : memref<1x4x2x128xi32, #tpu.memory_space<vmem>> -> memref<4x2x128xi32, #tpu.memory_space<vmem>>
      %dma_start3A_105 = arith.constant 0 : i32
      %dma_start3A_106 = arith.constant 0 : i32
      %dma_start3A_107 = tpu.memref_slice %arg2[%arg0, %mul3A_7, %dma_start3A_105, %dma_start3A_106] : memref<2x6272x2x128xi32, #tpu.memory_space<hbm>> -> memref<1x4x2x128xi32, #tpu.memory_space<hbm>>
      %dma_start3A_108 = tpu.memref_squeeze %dma_start3A_107 : memref<1x4x2x128xi32, #tpu.memory_space<hbm>> -> memref<4x2x128xi32, #tpu.memory_space<hbm>>
      %dma_start3A_109 = arith.constant 0 : i32
      %dma_start3A_110 = arith.constant 0 : i32
      %dma_start3A_111 = arith.constant 0 : i32
      %dma_start3A_112 = tpu.memref_slice %arg7[%run_scoped3A_8, %dma_start3A_109, %dma_start3A_110, %dma_start3A_111] : memref<3x4x2x128xi32, #tpu.memory_space<vmem>> -> memref<1x4x2x128xi32, #tpu.memory_space<vmem>>
      %dma_start3A_113 = tpu.memref_squeeze %dma_start3A_112 : memref<1x4x2x128xi32, #tpu.memory_space<vmem>> -> memref<4x2x128xi32, #tpu.memory_space<vmem>>
      %dma_start3A_114 = arith.constant 0 : i32
      %dma_start3A_115 = arith.constant 0 : i32
      %dma_start3A_116 = tpu.memref_slice %arg2[%arg0, %mul3A_7, %dma_start3A_114, %dma_start3A_115] : memref<2x6272x2x128xi32, #tpu.memory_space<hbm>> -> memref<1x4x2x128xi32, #tpu.memory_space<hbm>>
      %dma_start3A_117 = tpu.memref_squeeze %dma_start3A_116 : memref<1x4x2x128xi32, #tpu.memory_space<hbm>> -> memref<4x2x128xi32, #tpu.memory_space<hbm>>
      tpu.enqueue_dma source(%dma_start3A_117 : memref<4x2x128xi32, #tpu.memory_space<hbm>>) target(%dma_start3A_113 : memref<4x2x128xi32, #tpu.memory_space<vmem>>) target_semaphore(%run_scoped3A_99 : memref<!tpu.dma_semaphore, #tpu.memory_space<semaphore_mem>>)
      %dma_wait3A = arith.constant 0 : i32
      %dma_wait3A_118 = arith.constant 0 : i32
      %dma_wait3A_119 = arith.constant 0 : i32
      %dma_wait3A_120 = tpu.memref_slice %arg7[%run_scoped3A_8, %dma_wait3A, %dma_wait3A_118, %dma_wait3A_119] : memref<3x4x2x128xi32, #tpu.memory_space<vmem>> -> memref<1x4x2x128xi32, #tpu.memory_space<vmem>>
      %dma_wait3A_121 = tpu.memref_squeeze %dma_wait3A_120 : memref<1x4x2x128xi32, #tpu.memory_space<vmem>> -> memref<4x2x128xi32, #tpu.memory_space<vmem>>
      %dma_wait3A_122 = arith.constant 0 : i32
      %dma_wait3A_123 = arith.constant 0 : i32
      %dma_wait3A_124 = tpu.memref_slice %arg2[%arg0, %mul3A_7, %dma_wait3A_122, %dma_wait3A_123] : memref<2x6272x2x128xi32, #tpu.memory_space<hbm>> -> memref<1x4x2x128xi32, #tpu.memory_space<hbm>>
      %dma_wait3A_125 = tpu.memref_squeeze %dma_wait3A_124 : memref<1x4x2x128xi32, #tpu.memory_space<hbm>> -> memref<4x2x128xi32, #tpu.memory_space<hbm>>
      %dma_wait3A_126 = arith.constant 0 : i32
      %dma_wait3A_127 = arith.constant 0 : i32
      %dma_wait3A_128 = arith.constant 0 : i32
      %dma_wait3A_129 = tpu.memref_slice %arg7[%run_scoped3A_8, %dma_wait3A_126, %dma_wait3A_127, %dma_wait3A_128] : memref<3x4x2x128xi32, #tpu.memory_space<vmem>> -> memref<1x4x2x128xi32, #tpu.memory_space<vmem>>
      %dma_wait3A_130 = tpu.memref_squeeze %dma_wait3A_129 : memref<1x4x2x128xi32, #tpu.memory_space<vmem>> -> memref<4x2x128xi32, #tpu.memory_space<vmem>>
      %dma_wait3A_131 = arith.constant 0 : i32
      %dma_wait3A_132 = arith.constant 0 : i32
      %dma_wait3A_133 = tpu.memref_slice %arg2[%arg0, %mul3A_7, %dma_wait3A_131, %dma_wait3A_132] : memref<2x6272x2x128xi32, #tpu.memory_space<hbm>> -> memref<1x4x2x128xi32, #tpu.memory_space<hbm>>
      %dma_wait3A_134 = tpu.memref_squeeze %dma_wait3A_133 : memref<1x4x2x128xi32, #tpu.memory_space<hbm>> -> memref<4x2x128xi32, #tpu.memory_space<hbm>>
      tpu.wait_dma2 semaphore(%run_scoped3A_99 : memref<!tpu.dma_semaphore, #tpu.memory_space<semaphore_mem>>) src(%dma_wait3A_134 : memref<4x2x128xi32, #tpu.memory_space<hbm>>) dst(%dma_wait3A_130 : memref<4x2x128xi32, #tpu.memory_space<vmem>>)
      tpu.yield
    }) : () -> ()
    %dma_start3A = arith.constant 0 : i32
    %dma_start3A_9 = arith.constant 0 : i32
    %dma_start3A_10 = arith.constant 0 : i32
    %dma_start3A_11 = arith.constant 0 : i32
    %dma_start3A_12 = arith.constant 0 : i32
    %dma_start3A_13 = arith.constant 0 : i32
    %dma_start3A_14 = arith.constant 0 : i32
    %dma_start3A_15 = tpu.memref_slice %arg8[%dma_start3A_11, %dma_start3A_12, %dma_start3A_13, %dma_start3A_14] : memref<2x4x128x16xf32, #tpu.memory_space<vmem>> -> memref<1x1x128x16xf32, #tpu.memory_space<vmem>>
    %dma_start3A_16 = tpu.memref_squeeze %dma_start3A_15 : memref<1x1x128x16xf32, #tpu.memory_space<vmem>> -> memref<128x16xf32, #tpu.memory_space<vmem>>
    %dma_start3A_17 = arith.constant 0 : i32
    %dma_start3A_18 = tpu.memref_slice %arg7[%dma_start3A, %dma_start3A_9, %dma_start3A_10, %dma_start3A_17] : memref<3x4x2x128xi32, #tpu.memory_space<vmem>> -> memref<1x1x1x128xi32, #tpu.memory_space<vmem>>
    %dma_start3A_19 = tpu.memref_squeeze %dma_start3A_18 : memref<1x1x1x128xi32, #tpu.memory_space<vmem>> -> memref<128xi32, #tpu.memory_space<vmem>>
    %dma_start3A_20 = arith.constant 0 : i32
    %dma_start3A_21 = arith.constant 0 : i32
    %dma_start3A_22 = tpu.memref_slice %arg3[%dma_start3A_20, %dma_start3A_21] : memref<100352x16xf32, #tpu.memory_space<hbm>> -> memref<100352x16xf32, #tpu.memory_space<hbm>>
    tpu.enqueue_indirect_dma source(%dma_start3A_22 : memref<100352x16xf32, #tpu.memory_space<hbm>>) target(%dma_start3A_16 : memref<128x16xf32, #tpu.memory_space<vmem>>) offsets(%dma_start3A_19 : memref<128xi32, #tpu.memory_space<vmem>>) semaphore(%arg9 : memref<!tpu.dma_semaphore, #tpu.memory_space<semaphore_mem>>)
    %dma_start3A_23 = arith.constant 0 : i32
    %dma_start3A_24 = arith.constant 1 : i32
    %dma_start3A_25 = arith.constant 0 : i32
    %dma_start3A_26 = arith.constant 0 : i32
    %dma_start3A_27 = arith.constant 1 : i32
    %dma_start3A_28 = arith.constant 0 : i32
    %dma_start3A_29 = arith.constant 0 : i32
    %dma_start3A_30 = tpu.memref_slice %arg8[%dma_start3A_26, %dma_start3A_27, %dma_start3A_28, %dma_start3A_29] : memref<2x4x128x16xf32, #tpu.memory_space<vmem>> -> memref<1x1x128x16xf32, #tpu.memory_space<vmem>>
    %dma_start3A_31 = tpu.memref_squeeze %dma_start3A_30 : memref<1x1x128x16xf32, #tpu.memory_space<vmem>> -> memref<128x16xf32, #tpu.memory_space<vmem>>
    %dma_start3A_32 = arith.constant 0 : i32
    %dma_start3A_33 = tpu.memref_slice %arg7[%dma_start3A_23, %dma_start3A_24, %dma_start3A_25, %dma_start3A_32] : memref<3x4x2x128xi32, #tpu.memory_space<vmem>> -> memref<1x1x1x128xi32, #tpu.memory_space<vmem>>
    %dma_start3A_34 = tpu.memref_squeeze %dma_start3A_33 : memref<1x1x1x128xi32, #tpu.memory_space<vmem>> -> memref<128xi32, #tpu.memory_space<vmem>>
    %dma_start3A_35 = arith.constant 0 : i32
    %dma_start3A_36 = arith.constant 0 : i32
    %dma_start3A_37 = tpu.memref_slice %arg3[%dma_start3A_35, %dma_start3A_36] : memref<100352x16xf32, #tpu.memory_space<hbm>> -> memref<100352x16xf32, #tpu.memory_space<hbm>>
    tpu.enqueue_indirect_dma source(%dma_start3A_37 : memref<100352x16xf32, #tpu.memory_space<hbm>>) target(%dma_start3A_31 : memref<128x16xf32, #tpu.memory_space<vmem>>) offsets(%dma_start3A_34 : memref<128xi32, #tpu.memory_space<vmem>>) semaphore(%arg9 : memref<!tpu.dma_semaphore, #tpu.memory_space<semaphore_mem>>)
    %dma_start3A_38 = arith.constant 0 : i32
    %dma_start3A_39 = arith.constant 2 : i32
    %dma_start3A_40 = arith.constant 0 : i32
    %dma_start3A_41 = arith.constant 0 : i32
    %dma_start3A_42 = arith.constant 2 : i32
    %dma_start3A_43 = arith.constant 0 : i32
    %dma_start3A_44 = arith.constant 0 : i32
    %dma_start3A_45 = tpu.memref_slice %arg8[%dma_start3A_41, %dma_start3A_42, %dma_start3A_43, %dma_start3A_44] : memref<2x4x128x16xf32, #tpu.memory_space<vmem>> -> memref<1x1x128x16xf32, #tpu.memory_space<vmem>>
    %dma_start3A_46 = tpu.memref_squeeze %dma_start3A_45 : memref<1x1x128x16xf32, #tpu.memory_space<vmem>> -> memref<128x16xf32, #tpu.memory_space<vmem>>
    %dma_start3A_47 = arith.constant 0 : i32
    %dma_start3A_48 = tpu.memref_slice %arg7[%dma_start3A_38, %dma_start3A_39, %dma_start3A_40, %dma_start3A_47] : memref<3x4x2x128xi32, #tpu.memory_space<vmem>> -> memref<1x1x1x128xi32, #tpu.memory_space<vmem>>
    %dma_start3A_49 = tpu.memref_squeeze %dma_start3A_48 : memref<1x1x1x128xi32, #tpu.memory_space<vmem>> -> memref<128xi32, #tpu.memory_space<vmem>>
    %dma_start3A_50 = arith.constant 0 : i32
    %dma_start3A_51 = arith.constant 0 : i32
    %dma_start3A_52 = tpu.memref_slice %arg3[%dma_start3A_50, %dma_start3A_51] : memref<100352x16xf32, #tpu.memory_space<hbm>> -> memref<100352x16xf32, #tpu.memory_space<hbm>>
    tpu.enqueue_indirect_dma source(%dma_start3A_52 : memref<100352x16xf32, #tpu.memory_space<hbm>>) target(%dma_start3A_46 : memref<128x16xf32, #tpu.memory_space<vmem>>) offsets(%dma_start3A_49 : memref<128xi32, #tpu.memory_space<vmem>>) semaphore(%arg9 : memref<!tpu.dma_semaphore, #tpu.memory_space<semaphore_mem>>)
    %dma_start3A_53 = arith.constant 0 : i32
    %dma_start3A_54 = arith.constant 3 : i32
    %dma_start3A_55 = arith.constant 0 : i32
    %dma_start3A_56 = arith.constant 0 : i32
    %dma_start3A_57 = arith.constant 3 : i32
    %dma_start3A_58 = arith.constant 0 : i32
    %dma_start3A_59 = arith.constant 0 : i32
    %dma_start3A_60 = tpu.memref_slice %arg8[%dma_start3A_56, %dma_start3A_57, %dma_start3A_58, %dma_start3A_59] : memref<2x4x128x16xf32, #tpu.memory_space<vmem>> -> memref<1x1x128x16xf32, #tpu.memory_space<vmem>>
    %dma_start3A_61 = tpu.memref_squeeze %dma_start3A_60 : memref<1x1x128x16xf32, #tpu.memory_space<vmem>> -> memref<128x16xf32, #tpu.memory_space<vmem>>
    %dma_start3A_62 = arith.constant 0 : i32
    %dma_start3A_63 = tpu.memref_slice %arg7[%dma_start3A_53, %dma_start3A_54, %dma_start3A_55, %dma_start3A_62] : memref<3x4x2x128xi32, #tpu.memory_space<vmem>> -> memref<1x1x1x128xi32, #tpu.memory_space<vmem>>
    %dma_start3A_64 = tpu.memref_squeeze %dma_start3A_63 : memref<1x1x1x128xi32, #tpu.memory_space<vmem>> -> memref<128xi32, #tpu.memory_space<vmem>>
    %dma_start3A_65 = arith.constant 0 : i32
    %dma_start3A_66 = arith.constant 0 : i32
    %dma_start3A_67 = tpu.memref_slice %arg3[%dma_start3A_65, %dma_start3A_66] : memref<100352x16xf32, #tpu.memory_space<hbm>> -> memref<100352x16xf32, #tpu.memory_space<hbm>>
    tpu.enqueue_indirect_dma source(%dma_start3A_67 : memref<100352x16xf32, #tpu.memory_space<hbm>>) target(%dma_start3A_61 : memref<128x16xf32, #tpu.memory_space<vmem>>) offsets(%dma_start3A_64 : memref<128xi32, #tpu.memory_space<vmem>>) semaphore(%arg9 : memref<!tpu.dma_semaphore, #tpu.memory_space<semaphore_mem>>)
    %add3A = arith.constant 4 : i32
    %add3A_68 = arith.addi %mul3A_7, %add3A : i32
    %dma_start3A_69 = arith.constant 1 : i32
    %dma_start3A_70 = arith.constant 0 : i32
    %dma_start3A_71 = arith.constant 0 : i32
    %dma_start3A_72 = arith.constant 0 : i32
    %dma_start3A_73 = tpu.memref_slice %arg7[%dma_start3A_69, %dma_start3A_70, %dma_start3A_71, %dma_start3A_72] : memref<3x4x2x128xi32, #tpu.memory_space<vmem>> -> memref<1x4x2x128xi32, #tpu.memory_space<vmem>>
    %dma_start3A_74 = tpu.memref_squeeze %dma_start3A_73 : memref<1x4x2x128xi32, #tpu.memory_space<vmem>> -> memref<4x2x128xi32, #tpu.memory_space<vmem>>
    %dma_start3A_75 = arith.constant 0 : i32
    %dma_start3A_76 = arith.constant 0 : i32
    %dma_start3A_77 = tpu.memref_slice %arg2[%arg0, %add3A_68, %dma_start3A_75, %dma_start3A_76] : memref<2x6272x2x128xi32, #tpu.memory_space<hbm>> -> memref<1x4x2x128xi32, #tpu.memory_space<hbm>>
    %dma_start3A_78 = tpu.memref_squeeze %dma_start3A_77 : memref<1x4x2x128xi32, #tpu.memory_space<hbm>> -> memref<4x2x128xi32, #tpu.memory_space<hbm>>
    %dma_start3A_79 = arith.constant 0 : i32
    %dma_start3A_80 = arith.constant 0 : i32
    %dma_start3A_81 = arith.constant 0 : i32
    %dma_start3A_82 = tpu.memref_slice %arg7[%dma_start3A_69, %dma_start3A_79, %dma_start3A_80, %dma_start3A_81] : memref<3x4x2x128xi32, #tpu.memory_space<vmem>> -> memref<1x4x2x128xi32, #tpu.memory_space<vmem>>
    %dma_start3A_83 = tpu.memref_squeeze %dma_start3A_82 : memref<1x4x2x128xi32, #tpu.memory_space<vmem>> -> memref<4x2x128xi32, #tpu.memory_space<vmem>>
    %dma_start3A_84 = arith.constant 0 : i32
    %dma_start3A_85 = arith.constant 0 : i32
    %dma_start3A_86 = tpu.memref_slice %arg2[%arg0, %add3A_68, %dma_start3A_84, %dma_start3A_85] : memref<2x6272x2x128xi32, #tpu.memory_space<hbm>> -> memref<1x4x2x128xi32, #tpu.memory_space<hbm>>
    %dma_start3A_87 = tpu.memref_squeeze %dma_start3A_86 : memref<1x4x2x128xi32, #tpu.memory_space<hbm>> -> memref<4x2x128xi32, #tpu.memory_space<hbm>>
    tpu.enqueue_dma source(%dma_start3A_87 : memref<4x2x128xi32, #tpu.memory_space<hbm>>) target(%dma_start3A_83 : memref<4x2x128xi32, #tpu.memory_space<vmem>>) target_semaphore(%arg10 : memref<!tpu.dma_semaphore, #tpu.memory_space<semaphore_mem>>)
    %scan3A_88 = arith.constant 0 : i32
    %scan3A_89 = arith.constant 98 : i32
    %scan3A_90 = arith.addi %scan3A_88, %scan3A_89 : i32
    %scan3A_91 = arith.constant 1 : i32
    scf.for %scan3A_99 = %scan3A_88 to %scan3A_90 step %scan3A_91  : i32 {
      %mul3A_100 = arith.constant 1 : i32
      %mul3A_101 = arith.muli %scan3A_99, %mul3A_100 : i32
      %add3A_102 = arith.constant 0 : i32
      %add3A_103 = arith.addi %add3A_102, %mul3A_101 : i32
      %rem3A = arith.constant 2 : i32
      %rem3A_104 = arith.remsi %add3A_103, %rem3A : i32
      %rem3A_105 = arith.constant 3 : i32
      %rem3A_106 = arith.remsi %add3A_103, %rem3A_105 : i32
      %add3A_107 = arith.constant 1 : i32
      %add3A_108 = arith.addi %add3A_103, %add3A_107 : i32
      %rem3A_109 = arith.constant 3 : i32
      %rem3A_110 = arith.remsi %add3A_108, %rem3A_109 : i32
      %add3A_111 = arith.constant 2 : i32
      %add3A_112 = arith.addi %add3A_103, %add3A_111 : i32
      %rem3A_113 = arith.constant 3 : i32
      %rem3A_114 = arith.remsi %add3A_112, %rem3A_113 : i32
      %add3A_115 = arith.constant 1 : i32
      %add3A_116 = arith.addi %add3A_103, %add3A_115 : i32
      %lt3A = arith.constant 98 : i32
      %lt3A_117 = arith.cmpi slt, %add3A_116, %lt3A : i32
      %convert_element_type3A = arith.extui %lt3A_117 : i1 to i32
      %cond3A = arith.constant 0 : i32
      %cond3A_118 = arith.cmpi ne, %convert_element_type3A, %cond3A : i32
      scf.if %cond3A_118 {
        %add3A_189 = arith.constant 1 : i32
        %add3A_190 = arith.addi %add3A_103, %add3A_189 : i32
        %mul3A_191 = arith.constant 4 : i32
        %mul3A_192 = arith.muli %add3A_190, %mul3A_191 : i32
        %add3A_193 = arith.addi %mul3A_7, %mul3A_192 : i32
        %dma_wait3A_194 = arith.constant 0 : i32
        %dma_wait3A_195 = arith.constant 0 : i32
        %dma_wait3A_196 = arith.constant 0 : i32
        %dma_wait3A_197 = tpu.memref_slice %arg7[%rem3A_110, %dma_wait3A_194, %dma_wait3A_195, %dma_wait3A_196] : memref<3x4x2x128xi32, #tpu.memory_space<vmem>> -> memref<1x4x2x128xi32, #tpu.memory_space<vmem>>
        %dma_wait3A_198 = tpu.memref_squeeze %dma_wait3A_197 : memref<1x4x2x128xi32, #tpu.memory_space<vmem>> -> memref<4x2x128xi32, #tpu.memory_space<vmem>>
        %dma_wait3A_199 = arith.constant 0 : i32
        %dma_wait3A_200 = arith.constant 0 : i32
        %dma_wait3A_201 = tpu.memref_slice %arg2[%arg0, %add3A_193, %dma_wait3A_199, %dma_wait3A_200] : memref<2x6272x2x128xi32, #tpu.memory_space<hbm>> -> memref<1x4x2x128xi32, #tpu.memory_space<hbm>>
        %dma_wait3A_202 = tpu.memref_squeeze %dma_wait3A_201 : memref<1x4x2x128xi32, #tpu.memory_space<hbm>> -> memref<4x2x128xi32, #tpu.memory_space<hbm>>
        %dma_wait3A_203 = arith.constant 0 : i32
        %dma_wait3A_204 = arith.constant 0 : i32
        %dma_wait3A_205 = arith.constant 0 : i32
        %dma_wait3A_206 = tpu.memref_slice %arg7[%rem3A_110, %dma_wait3A_203, %dma_wait3A_204, %dma_wait3A_205] : memref<3x4x2x128xi32, #tpu.memory_space<vmem>> -> memref<1x4x2x128xi32, #tpu.memory_space<vmem>>
        %dma_wait3A_207 = tpu.memref_squeeze %dma_wait3A_206 : memref<1x4x2x128xi32, #tpu.memory_space<vmem>> -> memref<4x2x128xi32, #tpu.memory_space<vmem>>
        %dma_wait3A_208 = arith.constant 0 : i32
        %dma_wait3A_209 = arith.constant 0 : i32
        %dma_wait3A_210 = tpu.memref_slice %arg2[%arg0, %add3A_193, %dma_wait3A_208, %dma_wait3A_209] : memref<2x6272x2x128xi32, #tpu.memory_space<hbm>> -> memref<1x4x2x128xi32, #tpu.memory_space<hbm>>
        %dma_wait3A_211 = tpu.memref_squeeze %dma_wait3A_210 : memref<1x4x2x128xi32, #tpu.memory_space<hbm>> -> memref<4x2x128xi32, #tpu.memory_space<hbm>>
        tpu.wait_dma2 semaphore(%arg10 : memref<!tpu.dma_semaphore, #tpu.memory_space<semaphore_mem>>) src(%dma_wait3A_211 : memref<4x2x128xi32, #tpu.memory_space<hbm>>) dst(%dma_wait3A_207 : memref<4x2x128xi32, #tpu.memory_space<vmem>>)
        %sub3A = arith.constant 1 : i32
        %sub3A_212 = arith.subi %sub3A, %rem3A_104 : i32
        %dma_start3A_213 = arith.constant 0 : i32
        %dma_start3A_214 = arith.constant 0 : i32
        %dma_start3A_215 = arith.constant 0 : i32
        %dma_start3A_216 = arith.constant 0 : i32
        %dma_start3A_217 = arith.constant 0 : i32
        %dma_start3A_218 = tpu.memref_slice %arg8[%sub3A_212, %dma_start3A_215, %dma_start3A_216, %dma_start3A_217] : memref<2x4x128x16xf32, #tpu.memory_space<vmem>> -> memref<1x1x128x16xf32, #tpu.memory_space<vmem>>
        %dma_start3A_219 = tpu.memref_squeeze %dma_start3A_218 : memref<1x1x128x16xf32, #tpu.memory_space<vmem>> -> memref<128x16xf32, #tpu.memory_space<vmem>>
        %dma_start3A_220 = arith.constant 0 : i32
        %dma_start3A_221 = tpu.memref_slice %arg7[%rem3A_110, %dma_start3A_213, %dma_start3A_214, %dma_start3A_220] : memref<3x4x2x128xi32, #tpu.memory_space<vmem>> -> memref<1x1x1x128xi32, #tpu.memory_space<vmem>>
        %dma_start3A_222 = tpu.memref_squeeze %dma_start3A_221 : memref<1x1x1x128xi32, #tpu.memory_space<vmem>> -> memref<128xi32, #tpu.memory_space<vmem>>
        %dma_start3A_223 = arith.constant 0 : i32
        %dma_start3A_224 = arith.constant 0 : i32
        %dma_start3A_225 = tpu.memref_slice %arg3[%dma_start3A_223, %dma_start3A_224] : memref<100352x16xf32, #tpu.memory_space<hbm>> -> memref<100352x16xf32, #tpu.memory_space<hbm>>
        tpu.enqueue_indirect_dma source(%dma_start3A_225 : memref<100352x16xf32, #tpu.memory_space<hbm>>) target(%dma_start3A_219 : memref<128x16xf32, #tpu.memory_space<vmem>>) offsets(%dma_start3A_222 : memref<128xi32, #tpu.memory_space<vmem>>) semaphore(%arg9 : memref<!tpu.dma_semaphore, #tpu.memory_space<semaphore_mem>>)
        %sub3A_226 = arith.constant 1 : i32
        %sub3A_227 = arith.subi %sub3A_226, %rem3A_104 : i32
        %dma_start3A_228 = arith.constant 1 : i32
        %dma_start3A_229 = arith.constant 0 : i32
        %dma_start3A_230 = arith.constant 1 : i32
        %dma_start3A_231 = arith.constant 0 : i32
        %dma_start3A_232 = arith.constant 0 : i32
        %dma_start3A_233 = tpu.memref_slice %arg8[%sub3A_227, %dma_start3A_230, %dma_start3A_231, %dma_start3A_232] : memref<2x4x128x16xf32, #tpu.memory_space<vmem>> -> memref<1x1x128x16xf32, #tpu.memory_space<vmem>>
        %dma_start3A_234 = tpu.memref_squeeze %dma_start3A_233 : memref<1x1x128x16xf32, #tpu.memory_space<vmem>> -> memref<128x16xf32, #tpu.memory_space<vmem>>
        %dma_start3A_235 = arith.constant 0 : i32
        %dma_start3A_236 = tpu.memref_slice %arg7[%rem3A_110, %dma_start3A_228, %dma_start3A_229, %dma_start3A_235] : memref<3x4x2x128xi32, #tpu.memory_space<vmem>> -> memref<1x1x1x128xi32, #tpu.memory_space<vmem>>
        %dma_start3A_237 = tpu.memref_squeeze %dma_start3A_236 : memref<1x1x1x128xi32, #tpu.memory_space<vmem>> -> memref<128xi32, #tpu.memory_space<vmem>>
        %dma_start3A_238 = arith.constant 0 : i32
        %dma_start3A_239 = arith.constant 0 : i32
        %dma_start3A_240 = tpu.memref_slice %arg3[%dma_start3A_238, %dma_start3A_239] : memref<100352x16xf32, #tpu.memory_space<hbm>> -> memref<100352x16xf32, #tpu.memory_space<hbm>>
        tpu.enqueue_indirect_dma source(%dma_start3A_240 : memref<100352x16xf32, #tpu.memory_space<hbm>>) target(%dma_start3A_234 : memref<128x16xf32, #tpu.memory_space<vmem>>) offsets(%dma_start3A_237 : memref<128xi32, #tpu.memory_space<vmem>>) semaphore(%arg9 : memref<!tpu.dma_semaphore, #tpu.memory_space<semaphore_mem>>)
        %sub3A_241 = arith.constant 1 : i32
        %sub3A_242 = arith.subi %sub3A_241, %rem3A_104 : i32
        %dma_start3A_243 = arith.constant 2 : i32
        %dma_start3A_244 = arith.constant 0 : i32
        %dma_start3A_245 = arith.constant 2 : i32
        %dma_start3A_246 = arith.constant 0 : i32
        %dma_start3A_247 = arith.constant 0 : i32
        %dma_start3A_248 = tpu.memref_slice %arg8[%sub3A_242, %dma_start3A_245, %dma_start3A_246, %dma_start3A_247] : memref<2x4x128x16xf32, #tpu.memory_space<vmem>> -> memref<1x1x128x16xf32, #tpu.memory_space<vmem>>
        %dma_start3A_249 = tpu.memref_squeeze %dma_start3A_248 : memref<1x1x128x16xf32, #tpu.memory_space<vmem>> -> memref<128x16xf32, #tpu.memory_space<vmem>>
        %dma_start3A_250 = arith.constant 0 : i32
        %dma_start3A_251 = tpu.memref_slice %arg7[%rem3A_110, %dma_start3A_243, %dma_start3A_244, %dma_start3A_250] : memref<3x4x2x128xi32, #tpu.memory_space<vmem>> -> memref<1x1x1x128xi32, #tpu.memory_space<vmem>>
        %dma_start3A_252 = tpu.memref_squeeze %dma_start3A_251 : memref<1x1x1x128xi32, #tpu.memory_space<vmem>> -> memref<128xi32, #tpu.memory_space<vmem>>
        %dma_start3A_253 = arith.constant 0 : i32
        %dma_start3A_254 = arith.constant 0 : i32
        %dma_start3A_255 = tpu.memref_slice %arg3[%dma_start3A_253, %dma_start3A_254] : memref<100352x16xf32, #tpu.memory_space<hbm>> -> memref<100352x16xf32, #tpu.memory_space<hbm>>
        tpu.enqueue_indirect_dma source(%dma_start3A_255 : memref<100352x16xf32, #tpu.memory_space<hbm>>) target(%dma_start3A_249 : memref<128x16xf32, #tpu.memory_space<vmem>>) offsets(%dma_start3A_252 : memref<128xi32, #tpu.memory_space<vmem>>) semaphore(%arg9 : memref<!tpu.dma_semaphore, #tpu.memory_space<semaphore_mem>>)
        %sub3A_256 = arith.constant 1 : i32
        %sub3A_257 = arith.subi %sub3A_256, %rem3A_104 : i32
        %dma_start3A_258 = arith.constant 3 : i32
        %dma_start3A_259 = arith.constant 0 : i32
        %dma_start3A_260 = arith.constant 3 : i32
        %dma_start3A_261 = arith.constant 0 : i32
        %dma_start3A_262 = arith.constant 0 : i32
        %dma_start3A_263 = tpu.memref_slice %arg8[%sub3A_257, %dma_start3A_260, %dma_start3A_261, %dma_start3A_262] : memref<2x4x128x16xf32, #tpu.memory_space<vmem>> -> memref<1x1x128x16xf32, #tpu.memory_space<vmem>>
        %dma_start3A_264 = tpu.memref_squeeze %dma_start3A_263 : memref<1x1x128x16xf32, #tpu.memory_space<vmem>> -> memref<128x16xf32, #tpu.memory_space<vmem>>
        %dma_start3A_265 = arith.constant 0 : i32
        %dma_start3A_266 = tpu.memref_slice %arg7[%rem3A_110, %dma_start3A_258, %dma_start3A_259, %dma_start3A_265] : memref<3x4x2x128xi32, #tpu.memory_space<vmem>> -> memref<1x1x1x128xi32, #tpu.memory_space<vmem>>
        %dma_start3A_267 = tpu.memref_squeeze %dma_start3A_266 : memref<1x1x1x128xi32, #tpu.memory_space<vmem>> -> memref<128xi32, #tpu.memory_space<vmem>>
        %dma_start3A_268 = arith.constant 0 : i32
        %dma_start3A_269 = arith.constant 0 : i32
        %dma_start3A_270 = tpu.memref_slice %arg3[%dma_start3A_268, %dma_start3A_269] : memref<100352x16xf32, #tpu.memory_space<hbm>> -> memref<100352x16xf32, #tpu.memory_space<hbm>>
        tpu.enqueue_indirect_dma source(%dma_start3A_270 : memref<100352x16xf32, #tpu.memory_space<hbm>>) target(%dma_start3A_264 : memref<128x16xf32, #tpu.memory_space<vmem>>) offsets(%dma_start3A_267 : memref<128xi32, #tpu.memory_space<vmem>>) semaphore(%arg9 : memref<!tpu.dma_semaphore, #tpu.memory_space<semaphore_mem>>)
      } else {
      }
      %add3A_119 = arith.constant 2 : i32
      %add3A_120 = arith.addi %add3A_103, %add3A_119 : i32
      %lt3A_121 = arith.constant 98 : i32
      %lt3A_122 = arith.cmpi slt, %add3A_120, %lt3A_121 : i32
      %convert_element_type3A_123 = arith.extui %lt3A_122 : i1 to i32
      %cond3A_124 = arith.constant 0 : i32
      %cond3A_125 = arith.cmpi ne, %convert_element_type3A_123, %cond3A_124 : i32
      scf.if %cond3A_125 {
        %add3A_189 = arith.constant 2 : i32
        %add3A_190 = arith.addi %add3A_103, %add3A_189 : i32
        %mul3A_191 = arith.constant 4 : i32
        %mul3A_192 = arith.muli %add3A_190, %mul3A_191 : i32
        %add3A_193 = arith.addi %mul3A_7, %mul3A_192 : i32
        %dma_start3A_194 = arith.constant 0 : i32
        %dma_start3A_195 = arith.constant 0 : i32
        %dma_start3A_196 = arith.constant 0 : i32
        %dma_start3A_197 = tpu.memref_slice %arg7[%rem3A_114, %dma_start3A_194, %dma_start3A_195, %dma_start3A_196] : memref<3x4x2x128xi32, #tpu.memory_space<vmem>> -> memref<1x4x2x128xi32, #tpu.memory_space<vmem>>
        %dma_start3A_198 = tpu.memref_squeeze %dma_start3A_197 : memref<1x4x2x128xi32, #tpu.memory_space<vmem>> -> memref<4x2x128xi32, #tpu.memory_space<vmem>>
        %dma_start3A_199 = arith.constant 0 : i32
        %dma_start3A_200 = arith.constant 0 : i32
        %dma_start3A_201 = tpu.memref_slice %arg2[%arg0, %add3A_193, %dma_start3A_199, %dma_start3A_200] : memref<2x6272x2x128xi32, #tpu.memory_space<hbm>> -> memref<1x4x2x128xi32, #tpu.memory_space<hbm>>
        %dma_start3A_202 = tpu.memref_squeeze %dma_start3A_201 : memref<1x4x2x128xi32, #tpu.memory_space<hbm>> -> memref<4x2x128xi32, #tpu.memory_space<hbm>>
        %dma_start3A_203 = arith.constant 0 : i32
        %dma_start3A_204 = arith.constant 0 : i32
        %dma_start3A_205 = arith.constant 0 : i32
        %dma_start3A_206 = tpu.memref_slice %arg7[%rem3A_114, %dma_start3A_203, %dma_start3A_204, %dma_start3A_205] : memref<3x4x2x128xi32, #tpu.memory_space<vmem>> -> memref<1x4x2x128xi32, #tpu.memory_space<vmem>>
        %dma_start3A_207 = tpu.memref_squeeze %dma_start3A_206 : memref<1x4x2x128xi32, #tpu.memory_space<vmem>> -> memref<4x2x128xi32, #tpu.memory_space<vmem>>
        %dma_start3A_208 = arith.constant 0 : i32
        %dma_start3A_209 = arith.constant 0 : i32
        %dma_start3A_210 = tpu.memref_slice %arg2[%arg0, %add3A_193, %dma_start3A_208, %dma_start3A_209] : memref<2x6272x2x128xi32, #tpu.memory_space<hbm>> -> memref<1x4x2x128xi32, #tpu.memory_space<hbm>>
        %dma_start3A_211 = tpu.memref_squeeze %dma_start3A_210 : memref<1x4x2x128xi32, #tpu.memory_space<hbm>> -> memref<4x2x128xi32, #tpu.memory_space<hbm>>
        tpu.enqueue_dma source(%dma_start3A_211 : memref<4x2x128xi32, #tpu.memory_space<hbm>>) target(%dma_start3A_207 : memref<4x2x128xi32, #tpu.memory_space<vmem>>) target_semaphore(%arg10 : memref<!tpu.dma_semaphore, #tpu.memory_space<semaphore_mem>>)
      } else {
      }
      %dma_wait3A = arith.constant 0 : i32
      %dma_wait3A_126 = arith.constant 0 : i32
      %dma_wait3A_127 = arith.constant 0 : i32
      %dma_wait3A_128 = arith.constant 0 : i32
      %dma_wait3A_129 = arith.constant 0 : i32
      %dma_wait3A_130 = tpu.memref_slice %arg8[%rem3A_104, %dma_wait3A_127, %dma_wait3A_128, %dma_wait3A_129] : memref<2x4x128x16xf32, #tpu.memory_space<vmem>> -> memref<1x1x128x16xf32, #tpu.memory_space<vmem>>
      %dma_wait3A_131 = tpu.memref_squeeze %dma_wait3A_130 : memref<1x1x128x16xf32, #tpu.memory_space<vmem>> -> memref<128x16xf32, #tpu.memory_space<vmem>>
      %dma_wait3A_132 = arith.constant 0 : i32
      %dma_wait3A_133 = tpu.memref_slice %arg7[%rem3A_106, %dma_wait3A, %dma_wait3A_126, %dma_wait3A_132] : memref<3x4x2x128xi32, #tpu.memory_space<vmem>> -> memref<1x1x1x128xi32, #tpu.memory_space<vmem>>
      %dma_wait3A_134 = tpu.memref_squeeze %dma_wait3A_133 : memref<1x1x1x128xi32, #tpu.memory_space<vmem>> -> memref<128xi32, #tpu.memory_space<vmem>>
      %dma_wait3A_135 = arith.constant 0 : i32
      %dma_wait3A_136 = arith.constant 0 : i32
      %dma_wait3A_137 = tpu.memref_slice %arg3[%dma_wait3A_135, %dma_wait3A_136] : memref<100352x16xf32, #tpu.memory_space<hbm>> -> memref<100352x16xf32, #tpu.memory_space<hbm>>
      tpu.wait_indirect_dma semaphore(%arg9 : memref<!tpu.dma_semaphore, #tpu.memory_space<semaphore_mem>>) src(%dma_wait3A_137 : memref<100352x16xf32, #tpu.memory_space<hbm>>) dst(%dma_wait3A_131 : memref<128x16xf32, #tpu.memory_space<vmem>>)
      %run_scoped3A_138 = arith.constant 0 : i32
      %run_scoped3A_139 = arith.constant 0 : i32
      %run_scoped3A_140 = arith.constant 1 : i32
      "tpu.region"() ({
        %run_scoped3A_189 = tpu.sem_alloc : memref<!tpu.dma_semaphore, #tpu.memory_space<semaphore_mem>>
        %dma_start3A_190 = arith.constant 0 : i32
        %dma_start3A_191 = arith.constant 0 : i32
        %dma_start3A_192 = tpu.memref_slice %arg8[%rem3A_104, %run_scoped3A_138, %dma_start3A_190, %dma_start3A_191] : memref<2x4x128x16xf32, #tpu.memory_space<vmem>> -> memref<1x1x128x16xf32, #tpu.memory_space<vmem>>
        %dma_start3A_193 = tpu.memref_squeeze %dma_start3A_192 : memref<1x1x128x16xf32, #tpu.memory_space<vmem>> -> memref<128x16xf32, #tpu.memory_space<vmem>>
        %dma_start3A_194 = arith.constant 0 : i32
        %dma_start3A_195 = tpu.memref_slice %arg7[%rem3A_106, %run_scoped3A_139, %run_scoped3A_140, %dma_start3A_194] : memref<3x4x2x128xi32, #tpu.memory_space<vmem>> -> memref<1x1x1x128xi32, #tpu.memory_space<vmem>>
        %dma_start3A_196 = tpu.memref_squeeze %dma_start3A_195 : memref<1x1x1x128xi32, #tpu.memory_space<vmem>> -> memref<128xi32, #tpu.memory_space<vmem>>
        %dma_start3A_197 = arith.constant 0 : i32
        %dma_start3A_198 = arith.constant 0 : i32
        %dma_start3A_199 = tpu.memref_slice %arg6[%dma_start3A_197, %dma_start3A_198] : memref<100352x16xf32, #tpu.memory_space<vmem_shared>> -> memref<100352x16xf32, #tpu.memory_space<vmem_shared>>
        tpu.enqueue_indirect_dma source(%dma_start3A_193 : memref<128x16xf32, #tpu.memory_space<vmem>>) target(%dma_start3A_199 : memref<100352x16xf32, #tpu.memory_space<vmem_shared>>) offsets(%dma_start3A_196 : memref<128xi32, #tpu.memory_space<vmem>>) semaphore(%run_scoped3A_189 : memref<!tpu.dma_semaphore, #tpu.memory_space<semaphore_mem>>) {add = true}
        %dma_wait3A_200 = arith.constant 0 : i32
        %dma_wait3A_201 = arith.constant 0 : i32
        %dma_wait3A_202 = tpu.memref_slice %arg8[%rem3A_104, %run_scoped3A_138, %dma_wait3A_200, %dma_wait3A_201] : memref<2x4x128x16xf32, #tpu.memory_space<vmem>> -> memref<1x1x128x16xf32, #tpu.memory_space<vmem>>
        %dma_wait3A_203 = tpu.memref_squeeze %dma_wait3A_202 : memref<1x1x128x16xf32, #tpu.memory_space<vmem>> -> memref<128x16xf32, #tpu.memory_space<vmem>>
        %dma_wait3A_204 = arith.constant 0 : i32
        %dma_wait3A_205 = tpu.memref_slice %arg7[%rem3A_106, %run_scoped3A_139, %run_scoped3A_140, %dma_wait3A_204] : memref<3x4x2x128xi32, #tpu.memory_space<vmem>> -> memref<1x1x1x128xi32, #tpu.memory_space<vmem>>
        %dma_wait3A_206 = tpu.memref_squeeze %dma_wait3A_205 : memref<1x1x1x128xi32, #tpu.memory_space<vmem>> -> memref<128xi32, #tpu.memory_space<vmem>>
        %dma_wait3A_207 = arith.constant 0 : i32
        %dma_wait3A_208 = arith.constant 0 : i32
        %dma_wait3A_209 = tpu.memref_slice %arg6[%dma_wait3A_207, %dma_wait3A_208] : memref<100352x16xf32, #tpu.memory_space<vmem_shared>> -> memref<100352x16xf32, #tpu.memory_space<vmem_shared>>
        tpu.wait_indirect_dma semaphore(%run_scoped3A_189 : memref<!tpu.dma_semaphore, #tpu.memory_space<semaphore_mem>>) src(%dma_wait3A_203 : memref<128x16xf32, #tpu.memory_space<vmem>>) dst(%dma_wait3A_209 : memref<100352x16xf32, #tpu.memory_space<vmem_shared>>)
        tpu.yield
      }) : () -> ()
      %dma_wait3A_141 = arith.constant 1 : i32
      %dma_wait3A_142 = arith.constant 0 : i32
      %dma_wait3A_143 = arith.constant 1 : i32
      %dma_wait3A_144 = arith.constant 0 : i32
      %dma_wait3A_145 = arith.constant 0 : i32
      %dma_wait3A_146 = tpu.memref_slice %arg8[%rem3A_104, %dma_wait3A_143, %dma_wait3A_144, %dma_wait3A_145] : memref<2x4x128x16xf32, #tpu.memory_space<vmem>> -> memref<1x1x128x16xf32, #tpu.memory_space<vmem>>
      %dma_wait3A_147 = tpu.memref_squeeze %dma_wait3A_146 : memref<1x1x128x16xf32, #tpu.memory_space<vmem>> -> memref<128x16xf32, #tpu.memory_space<vmem>>
      %dma_wait3A_148 = arith.constant 0 : i32
      %dma_wait3A_149 = tpu.memref_slice %arg7[%rem3A_106, %dma_wait3A_141, %dma_wait3A_142, %dma_wait3A_148] : memref<3x4x2x128xi32, #tpu.memory_space<vmem>> -> memref<1x1x1x128xi32, #tpu.memory_space<vmem>>
      %dma_wait3A_150 = tpu.memref_squeeze %dma_wait3A_149 : memref<1x1x1x128xi32, #tpu.memory_space<vmem>> -> memref<128xi32, #tpu.memory_space<vmem>>
      %dma_wait3A_151 = arith.constant 0 : i32
      %dma_wait3A_152 = arith.constant 0 : i32
      %dma_wait3A_153 = tpu.memref_slice %arg3[%dma_wait3A_151, %dma_wait3A_152] : memref<100352x16xf32, #tpu.memory_space<hbm>> -> memref<100352x16xf32, #tpu.memory_space<hbm>>
      tpu.wait_indirect_dma semaphore(%arg9 : memref<!tpu.dma_semaphore, #tpu.memory_space<semaphore_mem>>) src(%dma_wait3A_153 : memref<100352x16xf32, #tpu.memory_space<hbm>>) dst(%dma_wait3A_147 : memref<128x16xf32, #tpu.memory_space<vmem>>)
      %run_scoped3A_154 = arith.constant 1 : i32
      %run_scoped3A_155 = arith.constant 1 : i32
      %run_scoped3A_156 = arith.constant 1 : i32
      "tpu.region"() ({
        %run_scoped3A_189 = tpu.sem_alloc : memref<!tpu.dma_semaphore, #tpu.memory_space<semaphore_mem>>
        %dma_start3A_190 = arith.constant 0 : i32
        %dma_start3A_191 = arith.constant 0 : i32
        %dma_start3A_192 = tpu.memref_slice %arg8[%rem3A_104, %run_scoped3A_154, %dma_start3A_190, %dma_start3A_191] : memref<2x4x128x16xf32, #tpu.memory_space<vmem>> -> memref<1x1x128x16xf32, #tpu.memory_space<vmem>>
        %dma_start3A_193 = tpu.memref_squeeze %dma_start3A_192 : memref<1x1x128x16xf32, #tpu.memory_space<vmem>> -> memref<128x16xf32, #tpu.memory_space<vmem>>
        %dma_start3A_194 = arith.constant 0 : i32
        %dma_start3A_195 = tpu.memref_slice %arg7[%rem3A_106, %run_scoped3A_155, %run_scoped3A_156, %dma_start3A_194] : memref<3x4x2x128xi32, #tpu.memory_space<vmem>> -> memref<1x1x1x128xi32, #tpu.memory_space<vmem>>
        %dma_start3A_196 = tpu.memref_squeeze %dma_start3A_195 : memref<1x1x1x128xi32, #tpu.memory_space<vmem>> -> memref<128xi32, #tpu.memory_space<vmem>>
        %dma_start3A_197 = arith.constant 0 : i32
        %dma_start3A_198 = arith.constant 0 : i32
        %dma_start3A_199 = tpu.memref_slice %arg6[%dma_start3A_197, %dma_start3A_198] : memref<100352x16xf32, #tpu.memory_space<vmem_shared>> -> memref<100352x16xf32, #tpu.memory_space<vmem_shared>>
        tpu.enqueue_indirect_dma source(%dma_start3A_193 : memref<128x16xf32, #tpu.memory_space<vmem>>) target(%dma_start3A_199 : memref<100352x16xf32, #tpu.memory_space<vmem_shared>>) offsets(%dma_start3A_196 : memref<128xi32, #tpu.memory_space<vmem>>) semaphore(%run_scoped3A_189 : memref<!tpu.dma_semaphore, #tpu.memory_space<semaphore_mem>>) {add = true}
        %dma_wait3A_200 = arith.constant 0 : i32
        %dma_wait3A_201 = arith.constant 0 : i32
        %dma_wait3A_202 = tpu.memref_slice %arg8[%rem3A_104, %run_scoped3A_154, %dma_wait3A_200, %dma_wait3A_201] : memref<2x4x128x16xf32, #tpu.memory_space<vmem>> -> memref<1x1x128x16xf32, #tpu.memory_space<vmem>>
        %dma_wait3A_203 = tpu.memref_squeeze %dma_wait3A_202 : memref<1x1x128x16xf32, #tpu.memory_space<vmem>> -> memref<128x16xf32, #tpu.memory_space<vmem>>
        %dma_wait3A_204 = arith.constant 0 : i32
        %dma_wait3A_205 = tpu.memref_slice %arg7[%rem3A_106, %run_scoped3A_155, %run_scoped3A_156, %dma_wait3A_204] : memref<3x4x2x128xi32, #tpu.memory_space<vmem>> -> memref<1x1x1x128xi32, #tpu.memory_space<vmem>>
        %dma_wait3A_206 = tpu.memref_squeeze %dma_wait3A_205 : memref<1x1x1x128xi32, #tpu.memory_space<vmem>> -> memref<128xi32, #tpu.memory_space<vmem>>
        %dma_wait3A_207 = arith.constant 0 : i32
        %dma_wait3A_208 = arith.constant 0 : i32
        %dma_wait3A_209 = tpu.memref_slice %arg6[%dma_wait3A_207, %dma_wait3A_208] : memref<100352x16xf32, #tpu.memory_space<vmem_shared>> -> memref<100352x16xf32, #tpu.memory_space<vmem_shared>>
        tpu.wait_indirect_dma semaphore(%run_scoped3A_189 : memref<!tpu.dma_semaphore, #tpu.memory_space<semaphore_mem>>) src(%dma_wait3A_203 : memref<128x16xf32, #tpu.memory_space<vmem>>) dst(%dma_wait3A_209 : memref<100352x16xf32, #tpu.memory_space<vmem_shared>>)
        tpu.yield
      }) : () -> ()
      %dma_wait3A_157 = arith.constant 2 : i32
      %dma_wait3A_158 = arith.constant 0 : i32
      %dma_wait3A_159 = arith.constant 2 : i32
      %dma_wait3A_160 = arith.constant 0 : i32
      %dma_wait3A_161 = arith.constant 0 : i32
      %dma_wait3A_162 = tpu.memref_slice %arg8[%rem3A_104, %dma_wait3A_159, %dma_wait3A_160, %dma_wait3A_161] : memref<2x4x128x16xf32, #tpu.memory_space<vmem>> -> memref<1x1x128x16xf32, #tpu.memory_space<vmem>>
      %dma_wait3A_163 = tpu.memref_squeeze %dma_wait3A_162 : memref<1x1x128x16xf32, #tpu.memory_space<vmem>> -> memref<128x16xf32, #tpu.memory_space<vmem>>
      %dma_wait3A_164 = arith.constant 0 : i32
      %dma_wait3A_165 = tpu.memref_slice %arg7[%rem3A_106, %dma_wait3A_157, %dma_wait3A_158, %dma_wait3A_164] : memref<3x4x2x128xi32, #tpu.memory_space<vmem>> -> memref<1x1x1x128xi32, #tpu.memory_space<vmem>>
      %dma_wait3A_166 = tpu.memref_squeeze %dma_wait3A_165 : memref<1x1x1x128xi32, #tpu.memory_space<vmem>> -> memref<128xi32, #tpu.memory_space<vmem>>
      %dma_wait3A_167 = arith.constant 0 : i32
      %dma_wait3A_168 = arith.constant 0 : i32
      %dma_wait3A_169 = tpu.memref_slice %arg3[%dma_wait3A_167, %dma_wait3A_168] : memref<100352x16xf32, #tpu.memory_space<hbm>> -> memref<100352x16xf32, #tpu.memory_space<hbm>>
      tpu.wait_indirect_dma semaphore(%arg9 : memref<!tpu.dma_semaphore, #tpu.memory_space<semaphore_mem>>) src(%dma_wait3A_169 : memref<100352x16xf32, #tpu.memory_space<hbm>>) dst(%dma_wait3A_163 : memref<128x16xf32, #tpu.memory_space<vmem>>)
      %run_scoped3A_170 = arith.constant 2 : i32
      %run_scoped3A_171 = arith.constant 2 : i32
      %run_scoped3A_172 = arith.constant 1 : i32
      "tpu.region"() ({
        %run_scoped3A_189 = tpu.sem_alloc : memref<!tpu.dma_semaphore, #tpu.memory_space<semaphore_mem>>
        %dma_start3A_190 = arith.constant 0 : i32
        %dma_start3A_191 = arith.constant 0 : i32
        %dma_start3A_192 = tpu.memref_slice %arg8[%rem3A_104, %run_scoped3A_170, %dma_start3A_190, %dma_start3A_191] : memref<2x4x128x16xf32, #tpu.memory_space<vmem>> -> memref<1x1x128x16xf32, #tpu.memory_space<vmem>>
        %dma_start3A_193 = tpu.memref_squeeze %dma_start3A_192 : memref<1x1x128x16xf32, #tpu.memory_space<vmem>> -> memref<128x16xf32, #tpu.memory_space<vmem>>
        %dma_start3A_194 = arith.constant 0 : i32
        %dma_start3A_195 = tpu.memref_slice %arg7[%rem3A_106, %run_scoped3A_171, %run_scoped3A_172, %dma_start3A_194] : memref<3x4x2x128xi32, #tpu.memory_space<vmem>> -> memref<1x1x1x128xi32, #tpu.memory_space<vmem>>
        %dma_start3A_196 = tpu.memref_squeeze %dma_start3A_195 : memref<1x1x1x128xi32, #tpu.memory_space<vmem>> -> memref<128xi32, #tpu.memory_space<vmem>>
        %dma_start3A_197 = arith.constant 0 : i32
        %dma_start3A_198 = arith.constant 0 : i32
        %dma_start3A_199 = tpu.memref_slice %arg6[%dma_start3A_197, %dma_start3A_198] : memref<100352x16xf32, #tpu.memory_space<vmem_shared>> -> memref<100352x16xf32, #tpu.memory_space<vmem_shared>>
        tpu.enqueue_indirect_dma source(%dma_start3A_193 : memref<128x16xf32, #tpu.memory_space<vmem>>) target(%dma_start3A_199 : memref<100352x16xf32, #tpu.memory_space<vmem_shared>>) offsets(%dma_start3A_196 : memref<128xi32, #tpu.memory_space<vmem>>) semaphore(%run_scoped3A_189 : memref<!tpu.dma_semaphore, #tpu.memory_space<semaphore_mem>>) {add = true}
        %dma_wait3A_200 = arith.constant 0 : i32
        %dma_wait3A_201 = arith.constant 0 : i32
        %dma_wait3A_202 = tpu.memref_slice %arg8[%rem3A_104, %run_scoped3A_170, %dma_wait3A_200, %dma_wait3A_201] : memref<2x4x128x16xf32, #tpu.memory_space<vmem>> -> memref<1x1x128x16xf32, #tpu.memory_space<vmem>>
        %dma_wait3A_203 = tpu.memref_squeeze %dma_wait3A_202 : memref<1x1x128x16xf32, #tpu.memory_space<vmem>> -> memref<128x16xf32, #tpu.memory_space<vmem>>
        %dma_wait3A_204 = arith.constant 0 : i32
        %dma_wait3A_205 = tpu.memref_slice %arg7[%rem3A_106, %run_scoped3A_171, %run_scoped3A_172, %dma_wait3A_204] : memref<3x4x2x128xi32, #tpu.memory_space<vmem>> -> memref<1x1x1x128xi32, #tpu.memory_space<vmem>>
        %dma_wait3A_206 = tpu.memref_squeeze %dma_wait3A_205 : memref<1x1x1x128xi32, #tpu.memory_space<vmem>> -> memref<128xi32, #tpu.memory_space<vmem>>
        %dma_wait3A_207 = arith.constant 0 : i32
        %dma_wait3A_208 = arith.constant 0 : i32
        %dma_wait3A_209 = tpu.memref_slice %arg6[%dma_wait3A_207, %dma_wait3A_208] : memref<100352x16xf32, #tpu.memory_space<vmem_shared>> -> memref<100352x16xf32, #tpu.memory_space<vmem_shared>>
        tpu.wait_indirect_dma semaphore(%run_scoped3A_189 : memref<!tpu.dma_semaphore, #tpu.memory_space<semaphore_mem>>) src(%dma_wait3A_203 : memref<128x16xf32, #tpu.memory_space<vmem>>) dst(%dma_wait3A_209 : memref<100352x16xf32, #tpu.memory_space<vmem_shared>>)
        tpu.yield
      }) : () -> ()
      %dma_wait3A_173 = arith.constant 3 : i32
      %dma_wait3A_174 = arith.constant 0 : i32
      %dma_wait3A_175 = arith.constant 3 : i32
      %dma_wait3A_176 = arith.constant 0 : i32
      %dma_wait3A_177 = arith.constant 0 : i32
      %dma_wait3A_178 = tpu.memref_slice %arg8[%rem3A_104, %dma_wait3A_175, %dma_wait3A_176, %dma_wait3A_177] : memref<2x4x128x16xf32, #tpu.memory_space<vmem>> -> memref<1x1x128x16xf32, #tpu.memory_space<vmem>>
      %dma_wait3A_179 = tpu.memref_squeeze %dma_wait3A_178 : memref<1x1x128x16xf32, #tpu.memory_space<vmem>> -> memref<128x16xf32, #tpu.memory_space<vmem>>
      %dma_wait3A_180 = arith.constant 0 : i32
      %dma_wait3A_181 = tpu.memref_slice %arg7[%rem3A_106, %dma_wait3A_173, %dma_wait3A_174, %dma_wait3A_180] : memref<3x4x2x128xi32, #tpu.memory_space<vmem>> -> memref<1x1x1x128xi32, #tpu.memory_space<vmem>>
      %dma_wait3A_182 = tpu.memref_squeeze %dma_wait3A_181 : memref<1x1x1x128xi32, #tpu.memory_space<vmem>> -> memref<128xi32, #tpu.memory_space<vmem>>
      %dma_wait3A_183 = arith.constant 0 : i32
      %dma_wait3A_184 = arith.constant 0 : i32
      %dma_wait3A_185 = tpu.memref_slice %arg3[%dma_wait3A_183, %dma_wait3A_184] : memref<100352x16xf32, #tpu.memory_space<hbm>> -> memref<100352x16xf32, #tpu.memory_space<hbm>>
      tpu.wait_indirect_dma semaphore(%arg9 : memref<!tpu.dma_semaphore, #tpu.memory_space<semaphore_mem>>) src(%dma_wait3A_185 : memref<100352x16xf32, #tpu.memory_space<hbm>>) dst(%dma_wait3A_179 : memref<128x16xf32, #tpu.memory_space<vmem>>)
      %run_scoped3A_186 = arith.constant 3 : i32
      %run_scoped3A_187 = arith.constant 3 : i32
      %run_scoped3A_188 = arith.constant 1 : i32
      "tpu.region"() ({
        %run_scoped3A_189 = tpu.sem_alloc : memref<!tpu.dma_semaphore, #tpu.memory_space<semaphore_mem>>
        %dma_start3A_190 = arith.constant 0 : i32
        %dma_start3A_191 = arith.constant 0 : i32
        %dma_start3A_192 = tpu.memref_slice %arg8[%rem3A_104, %run_scoped3A_186, %dma_start3A_190, %dma_start3A_191] : memref<2x4x128x16xf32, #tpu.memory_space<vmem>> -> memref<1x1x128x16xf32, #tpu.memory_space<vmem>>
        %dma_start3A_193 = tpu.memref_squeeze %dma_start3A_192 : memref<1x1x128x16xf32, #tpu.memory_space<vmem>> -> memref<128x16xf32, #tpu.memory_space<vmem>>
        %dma_start3A_194 = arith.constant 0 : i32
        %dma_start3A_195 = tpu.memref_slice %arg7[%rem3A_106, %run_scoped3A_187, %run_scoped3A_188, %dma_start3A_194] : memref<3x4x2x128xi32, #tpu.memory_space<vmem>> -> memref<1x1x1x128xi32, #tpu.memory_space<vmem>>
        %dma_start3A_196 = tpu.memref_squeeze %dma_start3A_195 : memref<1x1x1x128xi32, #tpu.memory_space<vmem>> -> memref<128xi32, #tpu.memory_space<vmem>>
        %dma_start3A_197 = arith.constant 0 : i32
        %dma_start3A_198 = arith.constant 0 : i32
        %dma_start3A_199 = tpu.memref_slice %arg6[%dma_start3A_197, %dma_start3A_198] : memref<100352x16xf32, #tpu.memory_space<vmem_shared>> -> memref<100352x16xf32, #tpu.memory_space<vmem_shared>>
        tpu.enqueue_indirect_dma source(%dma_start3A_193 : memref<128x16xf32, #tpu.memory_space<vmem>>) target(%dma_start3A_199 : memref<100352x16xf32, #tpu.memory_space<vmem_shared>>) offsets(%dma_start3A_196 : memref<128xi32, #tpu.memory_space<vmem>>) semaphore(%run_scoped3A_189 : memref<!tpu.dma_semaphore, #tpu.memory_space<semaphore_mem>>) {add = true}
        %dma_wait3A_200 = arith.constant 0 : i32
        %dma_wait3A_201 = arith.constant 0 : i32
        %dma_wait3A_202 = tpu.memref_slice %arg8[%rem3A_104, %run_scoped3A_186, %dma_wait3A_200, %dma_wait3A_201] : memref<2x4x128x16xf32, #tpu.memory_space<vmem>> -> memref<1x1x128x16xf32, #tpu.memory_space<vmem>>
        %dma_wait3A_203 = tpu.memref_squeeze %dma_wait3A_202 : memref<1x1x128x16xf32, #tpu.memory_space<vmem>> -> memref<128x16xf32, #tpu.memory_space<vmem>>
        %dma_wait3A_204 = arith.constant 0 : i32
        %dma_wait3A_205 = tpu.memref_slice %arg7[%rem3A_106, %run_scoped3A_187, %run_scoped3A_188, %dma_wait3A_204] : memref<3x4x2x128xi32, #tpu.memory_space<vmem>> -> memref<1x1x1x128xi32, #tpu.memory_space<vmem>>
        %dma_wait3A_206 = tpu.memref_squeeze %dma_wait3A_205 : memref<1x1x1x128xi32, #tpu.memory_space<vmem>> -> memref<128xi32, #tpu.memory_space<vmem>>
        %dma_wait3A_207 = arith.constant 0 : i32
        %dma_wait3A_208 = arith.constant 0 : i32
        %dma_wait3A_209 = tpu.memref_slice %arg6[%dma_wait3A_207, %dma_wait3A_208] : memref<100352x16xf32, #tpu.memory_space<vmem_shared>> -> memref<100352x16xf32, #tpu.memory_space<vmem_shared>>
        tpu.wait_indirect_dma semaphore(%run_scoped3A_189 : memref<!tpu.dma_semaphore, #tpu.memory_space<semaphore_mem>>) src(%dma_wait3A_203 : memref<128x16xf32, #tpu.memory_space<vmem>>) dst(%dma_wait3A_209 : memref<100352x16xf32, #tpu.memory_space<vmem_shared>>)
        tpu.yield
      }) : () -> ()
    }
    %scan3A_92 = arith.constant 98 : i32
    %barrier3A_93 = arith.constant 0 : index
    tpu.barrier barrier_id(%barrier3A_93)
    %scan3A_94 = arith.constant 0 : i32
    %scan3A_95 = arith.constant 49 : i32
    %scan3A_96 = arith.addi %scan3A_94, %scan3A_95 : i32
    %scan3A_97 = arith.constant 1 : i32
    scf.for %scan3A_99 = %scan3A_94 to %scan3A_96 step %scan3A_97  : i32 {
      %mul3A_100 = arith.constant 1 : i32
      %mul3A_101 = arith.muli %scan3A_99, %mul3A_100 : i32
      %add3A_102 = arith.constant 0 : i32
      %add3A_103 = arith.addi %add3A_102, %mul3A_101 : i32
      %mul3A_104 = arith.constant 128 : i32
      %mul3A_105 = arith.muli %add3A_103, %mul3A_104 : i32
      %add3A_106 = arith.addi %mul3A_0, %mul3A_105 : i32
      %run_scoped3A_107 = arith.constant 0 : i32
      %run_scoped3A_108 = arith.constant 0 : i32
      "tpu.region"() ({
        %run_scoped3A_111 = tpu.sem_alloc : memref<!tpu.dma_semaphore, #tpu.memory_space<semaphore_mem>>
        %dma_start3A_112 = arith.constant 0 : i32
        %dma_start3A_113 = arith.constant 0 : i32
        %dma_start3A_114 = tpu.memref_slice %arg8[%run_scoped3A_107, %run_scoped3A_108, %dma_start3A_112, %dma_start3A_113] : memref<2x4x128x16xf32, #tpu.memory_space<vmem>> -> memref<1x1x128x16xf32, #tpu.memory_space<vmem>>
        %dma_start3A_115 = tpu.memref_squeeze %dma_start3A_114 : memref<1x1x128x16xf32, #tpu.memory_space<vmem>> -> memref<128x16xf32, #tpu.memory_space<vmem>>
        %dma_start3A_116 = arith.constant 0 : i32
        %dma_start3A_117 = tpu.memref_slice %arg6[%add3A_106, %dma_start3A_116] : memref<100352x16xf32, #tpu.memory_space<vmem_shared>> -> memref<128x16xf32, #tpu.memory_space<vmem_shared>>
        %dma_start3A_118 = arith.constant 0 : i32
        %dma_start3A_119 = arith.constant 0 : i32
        %dma_start3A_120 = tpu.memref_slice %arg8[%run_scoped3A_107, %run_scoped3A_108, %dma_start3A_118, %dma_start3A_119] : memref<2x4x128x16xf32, #tpu.memory_space<vmem>> -> memref<1x1x128x16xf32, #tpu.memory_space<vmem>>
        %dma_start3A_121 = tpu.memref_squeeze %dma_start3A_120 : memref<1x1x128x16xf32, #tpu.memory_space<vmem>> -> memref<128x16xf32, #tpu.memory_space<vmem>>
        %dma_start3A_122 = arith.constant 0 : i32
        %dma_start3A_123 = tpu.memref_slice %arg6[%add3A_106, %dma_start3A_122] : memref<100352x16xf32, #tpu.memory_space<vmem_shared>> -> memref<128x16xf32, #tpu.memory_space<vmem_shared>>
        tpu.enqueue_dma source(%dma_start3A_123 : memref<128x16xf32, #tpu.memory_space<vmem_shared>>) target(%dma_start3A_121 : memref<128x16xf32, #tpu.memory_space<vmem>>) target_semaphore(%run_scoped3A_111 : memref<!tpu.dma_semaphore, #tpu.memory_space<semaphore_mem>>)
        %dma_wait3A = arith.constant 0 : i32
        %dma_wait3A_124 = arith.constant 0 : i32
        %dma_wait3A_125 = tpu.memref_slice %arg8[%run_scoped3A_107, %run_scoped3A_108, %dma_wait3A, %dma_wait3A_124] : memref<2x4x128x16xf32, #tpu.memory_space<vmem>> -> memref<1x1x128x16xf32, #tpu.memory_space<vmem>>
        %dma_wait3A_126 = tpu.memref_squeeze %dma_wait3A_125 : memref<1x1x128x16xf32, #tpu.memory_space<vmem>> -> memref<128x16xf32, #tpu.memory_space<vmem>>
        %dma_wait3A_127 = arith.constant 0 : i32
        %dma_wait3A_128 = tpu.memref_slice %arg6[%add3A_106, %dma_wait3A_127] : memref<100352x16xf32, #tpu.memory_space<vmem_shared>> -> memref<128x16xf32, #tpu.memory_space<vmem_shared>>
        %dma_wait3A_129 = arith.constant 0 : i32
        %dma_wait3A_130 = arith.constant 0 : i32
        %dma_wait3A_131 = tpu.memref_slice %arg8[%run_scoped3A_107, %run_scoped3A_108, %dma_wait3A_129, %dma_wait3A_130] : memref<2x4x128x16xf32, #tpu.memory_space<vmem>> -> memref<1x1x128x16xf32, #tpu.memory_space<vmem>>
        %dma_wait3A_132 = tpu.memref_squeeze %dma_wait3A_131 : memref<1x1x128x16xf32, #tpu.memory_space<vmem>> -> memref<128x16xf32, #tpu.memory_space<vmem>>
        %dma_wait3A_133 = arith.constant 0 : i32
        %dma_wait3A_134 = tpu.memref_slice %arg6[%add3A_106, %dma_wait3A_133] : memref<100352x16xf32, #tpu.memory_space<vmem_shared>> -> memref<128x16xf32, #tpu.memory_space<vmem_shared>>
        tpu.wait_dma2 semaphore(%run_scoped3A_111 : memref<!tpu.dma_semaphore, #tpu.memory_space<semaphore_mem>>) src(%dma_wait3A_134 : memref<128x16xf32, #tpu.memory_space<vmem_shared>>) dst(%dma_wait3A_132 : memref<128x16xf32, #tpu.memory_space<vmem>>)
        tpu.yield
      }) : () -> ()
      %run_scoped3A_109 = arith.constant 0 : i32
      %run_scoped3A_110 = arith.constant 0 : i32
      "tpu.region"() ({
        %run_scoped3A_111 = tpu.sem_alloc : memref<!tpu.dma_semaphore, #tpu.memory_space<semaphore_mem>>
        %dma_start3A_112 = arith.constant 0 : i32
        %dma_start3A_113 = arith.constant 0 : i32
        %dma_start3A_114 = tpu.memref_slice %arg8[%run_scoped3A_109, %run_scoped3A_110, %dma_start3A_112, %dma_start3A_113] : memref<2x4x128x16xf32, #tpu.memory_space<vmem>> -> memref<1x1x128x16xf32, #tpu.memory_space<vmem>>
        %dma_start3A_115 = tpu.memref_squeeze %dma_start3A_114 : memref<1x1x128x16xf32, #tpu.memory_space<vmem>> -> memref<128x16xf32, #tpu.memory_space<vmem>>
        %dma_start3A_116 = arith.constant 0 : i32
        %dma_start3A_117 = tpu.memref_slice %arg5[%arg0, %add3A_106, %dma_start3A_116] : memref<2x100352x16xf32, #tpu.memory_space<hbm>> -> memref<1x128x16xf32, #tpu.memory_space<hbm>>
        %dma_start3A_118 = tpu.memref_squeeze %dma_start3A_117 : memref<1x128x16xf32, #tpu.memory_space<hbm>> -> memref<128x16xf32, #tpu.memory_space<hbm>>
        %dma_start3A_119 = arith.constant 0 : i32
        %dma_start3A_120 = tpu.memref_slice %arg5[%arg0, %add3A_106, %dma_start3A_119] : memref<2x100352x16xf32, #tpu.memory_space<hbm>> -> memref<1x128x16xf32, #tpu.memory_space<hbm>>
        %dma_start3A_121 = tpu.memref_squeeze %dma_start3A_120 : memref<1x128x16xf32, #tpu.memory_space<hbm>> -> memref<128x16xf32, #tpu.memory_space<hbm>>
        %dma_start3A_122 = arith.constant 0 : i32
        %dma_start3A_123 = arith.constant 0 : i32
        %dma_start3A_124 = tpu.memref_slice %arg8[%run_scoped3A_109, %run_scoped3A_110, %dma_start3A_122, %dma_start3A_123] : memref<2x4x128x16xf32, #tpu.memory_space<vmem>> -> memref<1x1x128x16xf32, #tpu.memory_space<vmem>>
        %dma_start3A_125 = tpu.memref_squeeze %dma_start3A_124 : memref<1x1x128x16xf32, #tpu.memory_space<vmem>> -> memref<128x16xf32, #tpu.memory_space<vmem>>
        tpu.enqueue_dma source(%dma_start3A_125 : memref<128x16xf32, #tpu.memory_space<vmem>>) target(%dma_start3A_121 : memref<128x16xf32, #tpu.memory_space<hbm>>) target_semaphore(%run_scoped3A_111 : memref<!tpu.dma_semaphore, #tpu.memory_space<semaphore_mem>>)
        %dma_wait3A = arith.constant 0 : i32
        %dma_wait3A_126 = arith.constant 0 : i32
        %dma_wait3A_127 = tpu.memref_slice %arg8[%run_scoped3A_109, %run_scoped3A_110, %dma_wait3A, %dma_wait3A_126] : memref<2x4x128x16xf32, #tpu.memory_space<vmem>> -> memref<1x1x128x16xf32, #tpu.memory_space<vmem>>
        %dma_wait3A_128 = tpu.memref_squeeze %dma_wait3A_127 : memref<1x1x128x16xf32, #tpu.memory_space<vmem>> -> memref<128x16xf32, #tpu.memory_space<vmem>>
        %dma_wait3A_129 = arith.constant 0 : i32
        %dma_wait3A_130 = tpu.memref_slice %arg5[%arg0, %add3A_106, %dma_wait3A_129] : memref<2x100352x16xf32, #tpu.memory_space<hbm>> -> memref<1x128x16xf32, #tpu.memory_space<hbm>>
        %dma_wait3A_131 = tpu.memref_squeeze %dma_wait3A_130 : memref<1x128x16xf32, #tpu.memory_space<hbm>> -> memref<128x16xf32, #tpu.memory_space<hbm>>
        %dma_wait3A_132 = arith.constant 0 : i32
        %dma_wait3A_133 = tpu.memref_slice %arg5[%arg0, %add3A_106, %dma_wait3A_132] : memref<2x100352x16xf32, #tpu.memory_space<hbm>> -> memref<1x128x16xf32, #tpu.memory_space<hbm>>
        %dma_wait3A_134 = tpu.memref_squeeze %dma_wait3A_133 : memref<1x128x16xf32, #tpu.memory_space<hbm>> -> memref<128x16xf32, #tpu.memory_space<hbm>>
        %dma_wait3A_135 = arith.constant 0 : i32
        %dma_wait3A_136 = arith.constant 0 : i32
        %dma_wait3A_137 = tpu.memref_slice %arg8[%run_scoped3A_109, %run_scoped3A_110, %dma_wait3A_135, %dma_wait3A_136] : memref<2x4x128x16xf32, #tpu.memory_space<vmem>> -> memref<1x1x128x16xf32, #tpu.memory_space<vmem>>
        %dma_wait3A_138 = tpu.memref_squeeze %dma_wait3A_137 : memref<1x1x128x16xf32, #tpu.memory_space<vmem>> -> memref<128x16xf32, #tpu.memory_space<vmem>>
        tpu.wait_dma2 semaphore(%run_scoped3A_111 : memref<!tpu.dma_semaphore, #tpu.memory_space<semaphore_mem>>) src(%dma_wait3A_138 : memref<128x16xf32, #tpu.memory_space<vmem>>) dst(%dma_wait3A_134 : memref<128x16xf32, #tpu.memory_space<hbm>>)
        tpu.yield
      }) : () -> ()
    }
    %scan3A_98 = arith.constant 49 : i32
    return
  }
}

module attributes {stable_mosaic.version = 14 : i64} {
  func.func @_prep_body(%arg0: i32, %arg1: memref<2x2048x1xf32, #tpu.memory_space<vmem>>, %arg2: memref<2048x16xf32, #tpu.memory_space<vmem>>, %arg3: memref<2048x16xf32, #tpu.memory_space<vmem>>, %arg4: memref<2048x16xf32, #tpu.memory_space<vmem>>) attributes {dimension_semantics = [#tpu.dimension_semantics<arbitrary>], iteration_bounds = array<i64: 49>, scalar_prefetch = 0 : i64, scratch_operands = 0 : i64, tpu.core_type = #tpu.core_type<tc>, window_params = [{transform_indices = @transform_0, window_bounds = array<i64: 2, 2048, 1>}, {transform_indices = @transform_1, window_bounds = array<i64: 2048, 16>}, {transform_indices = @transform_2, window_bounds = array<i64: 2048, 16>}, {transform_indices = @transform_3, window_bounds = array<i64: 2048, 16>}]} {
    %get3A = arith.constant 0 : index
    %get3A_0 = arith.constant 0 : index
    %get3A_1 = arith.constant 0 : index
    %get3A_2 = vector.load %arg1[%get3A, %get3A_0, %get3A_1] : memref<2x2048x1xf32, #tpu.memory_space<vmem>>, vector<2x2048x1xf32>
    %slice3A = vector.extract_strided_slice %get3A_2 {offsets = [0, 0, 0], sizes = [1, 2048, 1], strides = [1, 1, 1]} : vector<2x2048x1xf32> to vector<1x2048x1xf32>
    %squeeze3A = vector.shape_cast %slice3A : vector<1x2048x1xf32> to vector<2048x1xf32>
    %slice3A_3 = vector.extract_strided_slice %get3A_2 {offsets = [1, 0, 0], sizes = [1, 2048, 1], strides = [1, 1, 1]} : vector<2x2048x1xf32> to vector<1x2048x1xf32>
    %squeeze3A_4 = vector.shape_cast %slice3A_3 : vector<1x2048x1xf32> to vector<2048x1xf32>
    %add3A = arith.addf %squeeze3A, %squeeze3A_4 : vector<2048x1xf32>
    %add3A_5 = arith.constant 1.000000e+00 : f32
    %add3A_6 = vector.broadcast %add3A_5 : f32 to vector<2048x1xf32>
    %add3A_7 = arith.addf %add3A, %add3A_6 : vector<2048x1xf32>
    %rsqrt3A = math.rsqrt %add3A_7 : vector<2048x1xf32>
    %broadcast_in_dim3A = vector.shape_cast %rsqrt3A : vector<2048x1xf32> to vector<2048x1xf32>
    %broadcast_in_dim3A_8 = vector.broadcast %broadcast_in_dim3A : vector<2048x1xf32> to vector<2048x16xf32>
    %swap3A = arith.constant 0 : index
    %swap3A_9 = arith.constant 0 : index
    %swap3A_10 = vector.load %arg4[%swap3A, %swap3A_9] : memref<2048x16xf32, #tpu.memory_space<vmem>>, vector<2048x16xf32>
    tpu.vector_store %arg4[%swap3A, %swap3A_9], %broadcast_in_dim3A_8 {strides = array<i32>} : memref<2048x16xf32, #tpu.memory_space<vmem>>, vector<2048x16xf32>,
    %get3A_11 = arith.constant 0 : index
    %get3A_12 = arith.constant 0 : index
    %get3A_13 = vector.load %arg2[%get3A_11, %get3A_12] : memref<2048x16xf32, #tpu.memory_space<vmem>>, vector<2048x16xf32>
    %mul3A = vector.broadcast %rsqrt3A : vector<2048x1xf32> to vector<2048x16xf32>
    %mul3A_14 = arith.mulf %get3A_13, %mul3A : vector<2048x16xf32>
    %swap3A_15 = arith.constant 0 : index
    %swap3A_16 = arith.constant 0 : index
    %swap3A_17 = vector.load %arg3[%swap3A_15, %swap3A_16] : memref<2048x16xf32, #tpu.memory_space<vmem>>, vector<2048x16xf32>
    tpu.vector_store %arg3[%swap3A_15, %swap3A_16], %mul3A_14 {strides = array<i32>} : memref<2048x16xf32, #tpu.memory_space<vmem>>, vector<2048x16xf32>,
    return
  }
  func.func @transform_0(%arg0: i32) -> (i32, i32, i32) {
    %c0_i32 = arith.constant 0 : i32
    %c0_i32_0 = arith.constant 0 : i32
    %c0_i32_1 = arith.constant 0 : i32
    return %c0_i32, %arg0, %c0_i32_0 : i32, i32, i32
  }
  func.func @transform_1(%arg0: i32) -> (i32, i32) {
    %c0_i32 = arith.constant 0 : i32
    %c0_i32_0 = arith.constant 0 : i32
    return %arg0, %c0_i32 : i32, i32
  }
  func.func @transform_2(%arg0: i32) -> (i32, i32) {
    %c0_i32 = arith.constant 0 : i32
    %c0_i32_0 = arith.constant 0 : i32
    return %arg0, %c0_i32 : i32, i32
  }
  func.func @transform_3(%arg0: i32) -> (i32, i32) {
    %c0_i32 = arith.constant 0 : i32
    %c0_i32_0 = arith.constant 0 : i32
    return %arg0, %c0_i32 : i32, i32
  }
}

module attributes {stable_mosaic.version = 14 : i64} {
  func.func @_mid_body(%arg0: i32, %arg1: memref<2x2048x16xf32, #tpu.memory_space<vmem>>, %arg2: memref<2048x16xf32, #tpu.memory_space<vmem>>, %arg3: memref<2048x16xf32, #tpu.memory_space<vmem>>, %arg4: memref<16x64xf32, #tpu.memory_space<vmem>>, %arg5: memref<1x64xf32, #tpu.memory_space<vmem>>, %arg6: memref<64x32xf32, #tpu.memory_space<vmem>>, %arg7: memref<2x2048x16xf32, #tpu.memory_space<vmem>>) attributes {dimension_semantics = [#tpu.dimension_semantics<arbitrary>], iteration_bounds = array<i64: 49>, scalar_prefetch = 0 : i64, scratch_operands = 0 : i64, tpu.core_type = #tpu.core_type<tc>, window_params = [{transform_indices = @transform_0, window_bounds = array<i64: 2, 2048, 16>}, {transform_indices = @transform_1, window_bounds = array<i64: 2048, 16>}, {transform_indices = @transform_2, window_bounds = array<i64: 2048, 16>}, {pipeline_mode = #tpu.pipeline_mode<synchronous>, transform_indices = @transform_3, window_bounds = array<i64: 16, 64>}, {pipeline_mode = #tpu.pipeline_mode<synchronous>, transform_indices = @transform_4, window_bounds = array<i64: 1, 64>}, {pipeline_mode = #tpu.pipeline_mode<synchronous>, transform_indices = @transform_5, window_bounds = array<i64: 64, 32>}, {transform_indices = @transform_6, window_bounds = array<i64: 2, 2048, 16>}]} {
    %get3A = arith.constant 0 : index
    %get3A_0 = arith.constant 0 : index
    %get3A_1 = arith.constant 0 : index
    %get3A_2 = vector.load %arg1[%get3A, %get3A_0, %get3A_1] : memref<2x2048x16xf32, #tpu.memory_space<vmem>>, vector<2x2048x16xf32>
    %get3A_3 = arith.constant 0 : index
    %get3A_4 = arith.constant 0 : index
    %get3A_5 = vector.load %arg3[%get3A_3, %get3A_4] : memref<2048x16xf32, #tpu.memory_space<vmem>>, vector<2048x16xf32>
    %slice3A = vector.extract_strided_slice %get3A_2 {offsets = [0, 0, 0], sizes = [1, 2048, 16], strides = [1, 1, 1]} : vector<2x2048x16xf32> to vector<1x2048x16xf32>
    %squeeze3A = vector.shape_cast %slice3A : vector<1x2048x16xf32> to vector<2048x16xf32>
    %slice3A_6 = vector.extract_strided_slice %get3A_2 {offsets = [1, 0, 0], sizes = [1, 2048, 16], strides = [1, 1, 1]} : vector<2x2048x16xf32> to vector<1x2048x16xf32>
    %squeeze3A_7 = vector.shape_cast %slice3A_6 : vector<1x2048x16xf32> to vector<2048x16xf32>
    %add3A = arith.addf %squeeze3A, %squeeze3A_7 : vector<2048x16xf32>
    %get3A_8 = arith.constant 0 : index
    %get3A_9 = arith.constant 0 : index
    %get3A_10 = vector.load %arg2[%get3A_8, %get3A_9] : memref<2048x16xf32, #tpu.memory_space<vmem>>, vector<2048x16xf32>
    %add3A_11 = arith.addf %add3A, %get3A_10 : vector<2048x16xf32>
    %mul3A = arith.mulf %get3A_5, %add3A_11 : vector<2048x16xf32>
    %get3A_12 = arith.constant 0 : index
    %get3A_13 = arith.constant 0 : index
    %get3A_14 = vector.load %arg4[%get3A_12, %get3A_13] : memref<16x64xf32, #tpu.memory_space<vmem>>, vector<16x64xf32>
    %dot_general3A = arith.constant dense<0.000000e+00> : vector<2048x64xf32>
    %dot_general3A_15 = tpu.matmul %mul3A, %get3A_14, %dot_general3A {dimension_numbers = #tpu.dot_dimension_numbers<[1], [0], [0], [1], [0, 0, 1, 1], [], []>, transpose_lhs_hint = false} : vector<2048x16xf32>, vector<16x64xf32>, vector<2048x64xf32> -> vector<2048x64xf32>
    %get3A_16 = arith.constant 0 : index
    %get3A_17 = arith.constant 0 : index
    %get3A_18 = vector.load %arg5[%get3A_16, %get3A_17] : memref<1x64xf32, #tpu.memory_space<vmem>>, vector<1x64xf32>
    %add3A_19 = vector.broadcast %get3A_18 : vector<1x64xf32> to vector<2048x64xf32>
    %add3A_20 = arith.addf %dot_general3A_15, %add3A_19 : vector<2048x64xf32>
    %max3A = arith.constant 0.000000e+00 : f32
    %max3A_21 = vector.broadcast %max3A : f32 to vector<2048x64xf32>
    %max3A_22 = arith.maximumf %add3A_20, %max3A_21 : vector<2048x64xf32>
    %get3A_23 = arith.constant 0 : index
    %get3A_24 = arith.constant 0 : index
    %get3A_25 = vector.load %arg6[%get3A_23, %get3A_24] : memref<64x32xf32, #tpu.memory_space<vmem>>, vector<64x32xf32>
    %dot_general3A_26 = arith.constant dense<0.000000e+00> : vector<2048x32xf32>
    %dot_general3A_27 = tpu.matmul %max3A_22, %get3A_25, %dot_general3A_26 {dimension_numbers = #tpu.dot_dimension_numbers<[1], [0], [0], [1], [0, 0, 1, 1], [], []>, transpose_lhs_hint = false} : vector<2048x64xf32>, vector<64x32xf32>, vector<2048x32xf32> -> vector<2048x32xf32>
    %slice3A_28 = vector.extract_strided_slice %get3A_5 {offsets = [0, 0], sizes = [2048, 1], strides = [1, 1]} : vector<2048x16xf32> to vector<2048x1xf32>
    %mul3A_29 = vector.broadcast %slice3A_28 : vector<2048x1xf32> to vector<2048x32xf32>
    %mul3A_30 = arith.mulf %dot_general3A_27, %mul3A_29 : vector<2048x32xf32>
    %slice3A_31 = vector.extract_strided_slice %mul3A_30 {offsets = [0, 0], sizes = [2048, 16], strides = [1, 1]} : vector<2048x32xf32> to vector<2048x16xf32>
    %swap3A = arith.constant 0 : index
    %swap3A_32 = arith.constant 0 : index
    %swap3A_33 = arith.constant 0 : index
    %swap3A_34 = vector.load %arg7[%swap3A, %swap3A_32, %swap3A_33] : memref<2x2048x16xf32, #tpu.memory_space<vmem>>, vector<1x2048x16xf32>
    %swap3A_35 = vector.shape_cast %swap3A_34 : vector<1x2048x16xf32> to vector<2048x16xf32>
    %swap3A_36 = vector.shape_cast %slice3A_31 : vector<2048x16xf32> to vector<1x2048x16xf32>
    tpu.vector_store %arg7[%swap3A, %swap3A_32, %swap3A_33], %swap3A_36 {strides = array<i32>} : memref<2x2048x16xf32, #tpu.memory_space<vmem>>, vector<1x2048x16xf32>,
    %slice3A_37 = vector.extract_strided_slice %mul3A_30 {offsets = [0, 16], sizes = [2048, 16], strides = [1, 1]} : vector<2048x32xf32> to vector<2048x16xf32>
    %swap3A_38 = arith.constant 1 : index
    %swap3A_39 = arith.constant 0 : index
    %swap3A_40 = arith.constant 0 : index
    %swap3A_41 = vector.load %arg7[%swap3A_38, %swap3A_39, %swap3A_40] : memref<2x2048x16xf32, #tpu.memory_space<vmem>>, vector<1x2048x16xf32>
    %swap3A_42 = vector.shape_cast %swap3A_41 : vector<1x2048x16xf32> to vector<2048x16xf32>
    %swap3A_43 = vector.shape_cast %slice3A_37 : vector<2048x16xf32> to vector<1x2048x16xf32>
    tpu.vector_store %arg7[%swap3A_38, %swap3A_39, %swap3A_40], %swap3A_43 {strides = array<i32>} : memref<2x2048x16xf32, #tpu.memory_space<vmem>>, vector<1x2048x16xf32>,
    return
  }
  func.func @transform_0(%arg0: i32) -> (i32, i32, i32) {
    %c0_i32 = arith.constant 0 : i32
    %c0_i32_0 = arith.constant 0 : i32
    %c0_i32_1 = arith.constant 0 : i32
    return %c0_i32, %arg0, %c0_i32_0 : i32, i32, i32
  }
  func.func @transform_1(%arg0: i32) -> (i32, i32) {
    %c0_i32 = arith.constant 0 : i32
    %c0_i32_0 = arith.constant 0 : i32
    return %arg0, %c0_i32 : i32, i32
  }
  func.func @transform_2(%arg0: i32) -> (i32, i32) {
    %c0_i32 = arith.constant 0 : i32
    %c0_i32_0 = arith.constant 0 : i32
    return %arg0, %c0_i32 : i32, i32
  }
  func.func @transform_3(%arg0: i32) -> (i32, i32) {
    %c0_i32 = arith.constant 0 : i32
    %c0_i32_0 = arith.constant 0 : i32
    %c0_i32_1 = arith.constant 0 : i32
    return %c0_i32, %c0_i32_0 : i32, i32
  }
  func.func @transform_4(%arg0: i32) -> (i32, i32) {
    %c0_i32 = arith.constant 0 : i32
    %c0_i32_0 = arith.constant 0 : i32
    %c0_i32_1 = arith.constant 0 : i32
    return %c0_i32, %c0_i32_0 : i32, i32
  }
  func.func @transform_5(%arg0: i32) -> (i32, i32) {
    %c0_i32 = arith.constant 0 : i32
    %c0_i32_0 = arith.constant 0 : i32
    %c0_i32_1 = arith.constant 0 : i32
    return %c0_i32, %c0_i32_0 : i32, i32
  }
  func.func @transform_6(%arg0: i32) -> (i32, i32, i32) {
    %c0_i32 = arith.constant 0 : i32
    %c0_i32_0 = arith.constant 0 : i32
    %c0_i32_1 = arith.constant 0 : i32
    return %c0_i32, %arg0, %c0_i32_0 : i32, i32, i32
  }
}

module attributes {stable_mosaic.version = 14 : i64} {
  func.func @_fin_body(%arg0: i32, %arg1: memref<2x2048x16xf32, #tpu.memory_space<vmem>>, %arg2: memref<2x2048x16xf32, #tpu.memory_space<vmem>>, %arg3: memref<2048x16xf32, #tpu.memory_space<vmem>>, %arg4: memref<1x32xf32, #tpu.memory_space<vmem>>, %arg5: memref<32x1xf32, #tpu.memory_space<vmem>>, %arg6: memref<1x1xf32, #tpu.memory_space<vmem>>, %arg7: memref<1x1xf32, #tpu.memory_space<vmem>>, %arg8: memref<1x32xf32, #tpu.memory_space<vmem>>) attributes {dimension_semantics = [#tpu.dimension_semantics<arbitrary>], iteration_bounds = array<i64: 49>, scalar_prefetch = 0 : i64, scratch_operands = 1 : i64, tpu.core_type = #tpu.core_type<tc>, window_params = [{transform_indices = @transform_0, window_bounds = array<i64: 2, 2048, 16>}, {transform_indices = @transform_1, window_bounds = array<i64: 2, 2048, 16>}, {transform_indices = @transform_2, window_bounds = array<i64: 2048, 16>}, {pipeline_mode = #tpu.pipeline_mode<synchronous>, transform_indices = @transform_3, window_bounds = array<i64: 1, 32>}, {pipeline_mode = #tpu.pipeline_mode<synchronous>, transform_indices = @transform_4, window_bounds = array<i64: 32, 1>}, {pipeline_mode = #tpu.pipeline_mode<synchronous>, transform_indices = @transform_5, window_bounds = array<i64: 1, 1>}, {pipeline_mode = #tpu.pipeline_mode<synchronous>, transform_indices = @transform_6, window_bounds = array<i64: 1, 1>}]} {
    %eq3A = arith.constant 0 : i32
    %eq3A_0 = arith.cmpi eq, %arg0, %eq3A : i32
    %convert_element_type3A = arith.extui %eq3A_0 : i1 to i32
    %cond3A = arith.constant 0 : i32
    %cond3A_1 = arith.cmpi ne, %convert_element_type3A, %cond3A : i32
    scf.if %cond3A_1 {
      %broadcast_in_dim3A_62 = arith.constant 0.000000e+00 : f32
      %broadcast_in_dim3A_63 = vector.broadcast %broadcast_in_dim3A_62 : f32 to vector<1x32xf32>
      %swap3A_64 = arith.constant 0 : index
      %swap3A_65 = arith.constant 0 : index
      %swap3A_66 = vector.load %arg8[%swap3A_64, %swap3A_65] : memref<1x32xf32, #tpu.memory_space<vmem>>, vector<1x32xf32>
      tpu.vector_store %arg8[%swap3A_64, %swap3A_65], %broadcast_in_dim3A_63 {strides = array<i32>} : memref<1x32xf32, #tpu.memory_space<vmem>>, vector<1x32xf32>,
    } else {
    }
    %get3A = arith.constant 0 : index
    %get3A_2 = arith.constant 0 : index
    %get3A_3 = arith.constant 0 : index
    %get3A_4 = vector.load %arg1[%get3A, %get3A_2, %get3A_3] : memref<2x2048x16xf32, #tpu.memory_space<vmem>>, vector<2x2048x16xf32>
    %get3A_5 = arith.constant 0 : index
    %get3A_6 = arith.constant 0 : index
    %get3A_7 = arith.constant 0 : index
    %get3A_8 = vector.load %arg2[%get3A_5, %get3A_6, %get3A_7] : memref<2x2048x16xf32, #tpu.memory_space<vmem>>, vector<2x2048x16xf32>
    %get3A_9 = arith.constant 0 : index
    %get3A_10 = arith.constant 0 : index
    %get3A_11 = vector.load %arg3[%get3A_9, %get3A_10] : memref<2048x16xf32, #tpu.memory_space<vmem>>, vector<2048x16xf32>
    %get3A_12 = arith.constant 0 : index
    %get3A_13 = arith.constant 0 : index
    %get3A_14 = vector.load %arg4[%get3A_12, %get3A_13] : memref<1x32xf32, #tpu.memory_space<vmem>>, vector<1x32xf32>
    %slice3A = vector.extract_strided_slice %get3A_4 {offsets = [0, 0, 0], sizes = [1, 2048, 16], strides = [1, 1, 1]} : vector<2x2048x16xf32> to vector<1x2048x16xf32>
    %squeeze3A = vector.shape_cast %slice3A : vector<1x2048x16xf32> to vector<2048x16xf32>
    %slice3A_15 = vector.extract_strided_slice %get3A_8 {offsets = [0, 0, 0], sizes = [1, 2048, 16], strides = [1, 1, 1]} : vector<2x2048x16xf32> to vector<1x2048x16xf32>
    %squeeze3A_16 = vector.shape_cast %slice3A_15 : vector<1x2048x16xf32> to vector<2048x16xf32>
    %add3A = arith.addf %squeeze3A, %squeeze3A_16 : vector<2048x16xf32>
    %mul3A = arith.mulf %get3A_11, %add3A : vector<2048x16xf32>
    %slice3A_17 = vector.extract_strided_slice %get3A_14 {offsets = [0, 0], sizes = [1, 16], strides = [1, 1]} : vector<1x32xf32> to vector<1x16xf32>
    %add3A_18 = vector.broadcast %slice3A_17 : vector<1x16xf32> to vector<2048x16xf32>
    %add3A_19 = arith.addf %mul3A, %add3A_18 : vector<2048x16xf32>
    %max3A = arith.constant 0.000000e+00 : f32
    %max3A_20 = vector.broadcast %max3A : f32 to vector<2048x16xf32>
    %max3A_21 = arith.maximumf %add3A_19, %max3A_20 : vector<2048x16xf32>
    %slice3A_22 = vector.extract_strided_slice %get3A_4 {offsets = [1, 0, 0], sizes = [1, 2048, 16], strides = [1, 1, 1]} : vector<2x2048x16xf32> to vector<1x2048x16xf32>
    %squeeze3A_23 = vector.shape_cast %slice3A_22 : vector<1x2048x16xf32> to vector<2048x16xf32>
    %slice3A_24 = vector.extract_strided_slice %get3A_8 {offsets = [1, 0, 0], sizes = [1, 2048, 16], strides = [1, 1, 1]} : vector<2x2048x16xf32> to vector<1x2048x16xf32>
    %squeeze3A_25 = vector.shape_cast %slice3A_24 : vector<1x2048x16xf32> to vector<2048x16xf32>
    %add3A_26 = arith.addf %squeeze3A_23, %squeeze3A_25 : vector<2048x16xf32>
    %mul3A_27 = arith.mulf %get3A_11, %add3A_26 : vector<2048x16xf32>
    %slice3A_28 = vector.extract_strided_slice %get3A_14 {offsets = [0, 16], sizes = [1, 16], strides = [1, 1]} : vector<1x32xf32> to vector<1x16xf32>
    %add3A_29 = vector.broadcast %slice3A_28 : vector<1x16xf32> to vector<2048x16xf32>
    %add3A_30 = arith.addf %mul3A_27, %add3A_29 : vector<2048x16xf32>
    %max3A_31 = arith.constant 0.000000e+00 : f32
    %max3A_32 = vector.broadcast %max3A_31 : f32 to vector<2048x16xf32>
    %max3A_33 = arith.maximumf %add3A_30, %max3A_32 : vector<2048x16xf32>
    %mul3A_34 = arith.constant 2048 : i32
    %mul3A_35 = arith.muli %arg0, %mul3A_34 : i32
    %iota3A = tpu.iota {dimensions = array<i32: 0>} : vector<2048x1xi32>
    %add3A_36 = vector.broadcast %mul3A_35 : i32 to vector<2048x1xi32>
    %add3A_37 = arith.addi %add3A_36, %iota3A : vector<2048x1xi32>
    %lt3A = arith.constant 100000 : i32
    %lt3A_38 = vector.broadcast %lt3A : i32 to vector<2048x1xi32>
    %lt3A_39 = arith.cmpi slt, %add3A_37, %lt3A_38 : vector<2048x1xi32>
    %jit3A = arith.constant 1.000000e+00 : f32
    %jit3A_40 = arith.constant 0.000000e+00 : f32
    %broadcast_in_dim3A = vector.broadcast %jit3A : f32 to vector<2048x1xf32>
    %broadcast_in_dim3A_41 = vector.broadcast %jit3A_40 : f32 to vector<2048x1xf32>
    %select_n3A = arith.select %lt3A_39, %broadcast_in_dim3A, %broadcast_in_dim3A_41 : vector<2048x1xi1>, vector<2048x1xf32>
    %get3A_42 = arith.constant 0 : index
    %get3A_43 = arith.constant 0 : index
    %get3A_44 = vector.load %arg8[%get3A_42, %get3A_43] : memref<1x32xf32, #tpu.memory_space<vmem>>, vector<1x32xf32>
    %mul3A_45 = vector.broadcast %select_n3A : vector<2048x1xf32> to vector<2048x16xf32>
    %mul3A_46 = arith.mulf %max3A_21, %mul3A_45 : vector<2048x16xf32>
    %reduce_sum3A = arith.constant dense<0.000000e+00> : vector<16xf32>
    %reduce_sum3A_47 = vector.multi_reduction <add>, %mul3A_46, %reduce_sum3A [0] : vector<2048x16xf32> to vector<16xf32>
    %broadcast_in_dim3A_48 = vector.shape_cast %reduce_sum3A_47 : vector<16xf32> to vector<1x16xf32>
    %mul3A_49 = vector.broadcast %select_n3A : vector<2048x1xf32> to vector<2048x16xf32>
    %mul3A_50 = arith.mulf %max3A_33, %mul3A_49 : vector<2048x16xf32>
    %reduce_sum3A_51 = arith.constant dense<0.000000e+00> : vector<16xf32>
    %reduce_sum3A_52 = vector.multi_reduction <add>, %mul3A_50, %reduce_sum3A_51 [0] : vector<2048x16xf32> to vector<16xf32>
    %broadcast_in_dim3A_53 = vector.shape_cast %reduce_sum3A_52 : vector<16xf32> to vector<1x16xf32>
    %concatenate3A = tpu.concatenate %broadcast_in_dim3A_48, %broadcast_in_dim3A_53 in 1 : vector<1x16xf32>, vector<1x16xf32> -> vector<1x32xf32>
    %add3A_54 = arith.addf %get3A_44, %concatenate3A : vector<1x32xf32>
    %swap3A = arith.constant 0 : index
    %swap3A_55 = arith.constant 0 : index
    %swap3A_56 = vector.load %arg8[%swap3A, %swap3A_55] : memref<1x32xf32, #tpu.memory_space<vmem>>, vector<1x32xf32>
    tpu.vector_store %arg8[%swap3A, %swap3A_55], %add3A_54 {strides = array<i32>} : memref<1x32xf32, #tpu.memory_space<vmem>>, vector<1x32xf32>,
    %eq3A_57 = arith.constant 48 : i32
    %eq3A_58 = arith.cmpi eq, %arg0, %eq3A_57 : i32
    %convert_element_type3A_59 = arith.extui %eq3A_58 : i1 to i32
    %cond3A_60 = arith.constant 0 : i32
    %cond3A_61 = arith.cmpi ne, %convert_element_type3A_59, %cond3A_60 : i32
    scf.if %cond3A_61 {
      %get3A_62 = arith.constant 0 : index
      %get3A_63 = arith.constant 0 : index
      %get3A_64 = vector.load %arg8[%get3A_62, %get3A_63] : memref<1x32xf32, #tpu.memory_space<vmem>>, vector<1x32xf32>
      %mul3A_65 = arith.constant 9.99999974E-6 : f32
      %mul3A_66 = vector.broadcast %mul3A_65 : f32 to vector<1x32xf32>
      %mul3A_67 = arith.mulf %get3A_64, %mul3A_66 : vector<1x32xf32>
      %get3A_68 = arith.constant 0 : index
      %get3A_69 = arith.constant 0 : index
      %get3A_70 = vector.load %arg5[%get3A_68, %get3A_69] : memref<32x1xf32, #tpu.memory_space<vmem>>, vector<32x1xf32>
      %dot_general3A = arith.constant dense<0.000000e+00> : vector<1x1xf32>
      %dot_general3A_71 = tpu.matmul %mul3A_67, %get3A_70, %dot_general3A {dimension_numbers = #tpu.dot_dimension_numbers<[1], [0], [0], [1], [0, 0, 1, 1], [], []>, transpose_lhs_hint = false} : vector<1x32xf32>, vector<32x1xf32>, vector<1x1xf32> -> vector<1x1xf32>
      %get3A_72 = arith.constant 0 : index
      %get3A_73 = arith.constant 0 : index
      %get3A_74 = vector.load %arg6[%get3A_72, %get3A_73] : memref<1x1xf32, #tpu.memory_space<vmem>>, vector<1x1xf32>
      %add3A_75 = arith.addf %dot_general3A_71, %get3A_74 : vector<1x1xf32>
      %neg3A = arith.constant 0.000000e+00 : f32
      %neg3A_76 = vector.broadcast %neg3A : f32 to vector<1x1xf32>
      %neg3A_77 = arith.subf %neg3A_76, %add3A_75 : vector<1x1xf32>
      %exp3A = math.exp %neg3A_77 : vector<1x1xf32>
      %add3A_78 = arith.constant 1.000000e+00 : f32
      %add3A_79 = vector.broadcast %add3A_78 : f32 to vector<1x1xf32>
      %add3A_80 = arith.addf %add3A_79, %exp3A : vector<1x1xf32>
      %div3A = arith.constant 1.000000e+00 : f32
      %div3A_81 = vector.broadcast %div3A : f32 to vector<1x1xf32>
      %div3A_82 = arith.divf %div3A_81, %add3A_80 : vector<1x1xf32>
      %swap3A_83 = arith.constant 0 : index
      %swap3A_84 = arith.constant 0 : index
      %swap3A_85 = vector.load %arg7[%swap3A_83, %swap3A_84] : memref<1x1xf32, #tpu.memory_space<vmem>>, vector<1x1xf32>
      tpu.vector_store %arg7[%swap3A_83, %swap3A_84], %div3A_82 {strides = array<i32>} : memref<1x1xf32, #tpu.memory_space<vmem>>, vector<1x1xf32>,
    } else {
    }
    return
  }
  func.func @transform_0(%arg0: i32) -> (i32, i32, i32) {
    %c0_i32 = arith.constant 0 : i32
    %c0_i32_0 = arith.constant 0 : i32
    %c0_i32_1 = arith.constant 0 : i32
    return %c0_i32, %arg0, %c0_i32_0 : i32, i32, i32
  }
  func.func @transform_1(%arg0: i32) -> (i32, i32, i32) {
    %c0_i32 = arith.constant 0 : i32
    %c0_i32_0 = arith.constant 0 : i32
    %c0_i32_1 = arith.constant 0 : i32
    return %c0_i32, %arg0, %c0_i32_0 : i32, i32, i32
  }
  func.func @transform_2(%arg0: i32) -> (i32, i32) {
    %c0_i32 = arith.constant 0 : i32
    %c0_i32_0 = arith.constant 0 : i32
    return %arg0, %c0_i32 : i32, i32
  }
  func.func @transform_3(%arg0: i32) -> (i32, i32) {
    %c0_i32 = arith.constant 0 : i32
    %c0_i32_0 = arith.constant 0 : i32
    %c0_i32_1 = arith.constant 0 : i32
    return %c0_i32, %c0_i32_0 : i32, i32
  }
  func.func @transform_4(%arg0: i32) -> (i32, i32) {
    %c0_i32 = arith.constant 0 : i32
    %c0_i32_0 = arith.constant 0 : i32
    %c0_i32_1 = arith.constant 0 : i32
    return %c0_i32, %c0_i32_0 : i32, i32
  }
  func.func @transform_5(%arg0: i32) -> (i32, i32) {
    %c0_i32 = arith.constant 0 : i32
    %c0_i32_0 = arith.constant 0 : i32
    %c0_i32_1 = arith.constant 0 : i32
    return %c0_i32, %c0_i32_0 : i32, i32
  }
  func.func @transform_6(%arg0: i32) -> (i32, i32) {
    %c0_i32 = arith.constant 0 : i32
    %c0_i32_0 = arith.constant 0 : i32
    %c0_i32_1 = arith.constant 0 : i32
    return %c0_i32, %c0_i32_0 : i32, i32
  }
}

</mosaic_0001>

<sc_bundles>
// kernel: kernel.11.cloned.1.call-start
scs
__scs_entry_jumppad:
0x0: {  	(pc) =	sbr.rel $0x88, $3  }
0x1: {  	(tag) =	ssettag $0x0;
	lr =	simm.s32 $0x1  }
0x2: {  	[smem:$0x3F99] =	sst lr;
	_ =	strace $0xD0000000  }
0x3: {  	_ = 	snop  }
0x4: {  	_ = 	snop  }
0x5: {  	_ = 	snop  }
0x6: {  	_ = 	snop  }
0x7: {  	_ = 	snop  }
__scs_overlays_trampoline_lowered:
0x8: {  	[smem:$0x3FA8] =	sst s0  }
0x9: {  	[smem:$0x3FA9] =	sst s1  }
0xa: {  	[smem:$0x3FAA] =	sst s2  }
0xb: {  	[smem:$0x3FAB] =	sst s3  }
0xc: {  	[smem:$0x3FAC] =	sst s4  }
0xd: {  	[smem:$0x3FAD] =	sst s5  }
0xe: {  	[smem:$0x3FAE] =	sst s6  }
0xf: {  	[smem:$0x3FAF] =	sst s7  }
0x10: {  	[smem:$0x3FB0] =	sst s8  }
0x11: {  	[smem:$0x3FB1] =	sst s9;
	s0 =	simm.s32 @!p0 $0x0  }
0x12: {  	s1 =	sld [smem:$0x3F97];
	s0 =	simm.s32 @p0 $0x1  }
0x13: {  	[smem:$0x3FB2] =	sst s0;
	s0 =	simm.s32 @!p1 $0x0  }
0x14: {  	s2 =	sld [smem:$0x3F96];
	s0 =	simm.s32 @p1 $0x1  }
0x15: {  	[smem:$0x3FB3] =	sst s0;
	s0 =	simm.s32 @!p2 $0x0  }
0x16: {  	s3 =	sld [smem:$0x3FDB];
	s0 =	simm.s32 @p2 $0x1  }
0x17: {  	s4 =	simm.s32 $0x1BF5;
	[smem:$0x3FB5] =	sst s0  }
0x18: {  	s0 =	sld [smem:$0x3F98];
	_ =	swait.ge [sflag:s4], $0x0  }
0x19: {  	s7 =	sld [smem:$0x3F99]  }
0x1a: {  	s8 =	sadd.s32 $0xFFFFE003, lr  }
0x1b: {  	s9 =	sadd.s32 $0xFFFFFEF7, lr;
	s5 =	simm.s32 $0xFFFFFFFF;
	p2 =	slt.u32 s8, $0xFFFFF086  }
0x1c: {  	p1 =	slt.u32 s9, $0xF7A;
	s5 =	simm.s32 @!p2 $0x0  }
0x1d: {  	s5 =	simm.s32 @p1 $0x1;
	p0 =	seq.s32 s7, s2  }
0x1e: {  	s7 =	smul.u32 @!p0 $0xF7A, s2;
	p2 =	seq.s32 @!p0 s5, $0x0  }
0x1f: {  	s9 =	smul.u32 $0xF7A, s1;
	s8 =	simm.s32 @!p0 $0x1BF5;
	p2 =	por !p2, p0  }
0x20: {  	[sflag:s8] =	ssyncset.s32 @!p0 $0xFFFFF086;
	s6 =	sadd.s32 @!p0 s3, s7;
	s7 =	simm.s32 @!p0 $0x108  }
0x21: {  	s3 =	sadd.s32 s3, s9;
	s6 =	sadd.s32 @!p0 $0x88, s6;
	s7 =	simm.s32 @p2 $0x1082  }
0x22: {  	[simem:s7], [sflag:s8] =	dma.local @!p0 [hbm:s6], $0xF7A  }
0x23: {  	s9 =	sor.u32 $0xD0000000, s2;
	s6 =	simm.s32 $0x108;
	_ =	swait.ge @!p0 [sflag:s8], $0x0  }
0x24: {  	s3 =	sadd.s32 $0x88, s3;
	s6 =	simm.s32 @!p1 $0x1082;
	[sflag:s4] =	ssyncset.s32 $0xFFFFF086  }
0x25: {  	[simem:s6], [sflag:s4] =	dma.local [hbm:s3], $0xF7A  }
0x26: {  	[smem:$0x3F99] =	sst s1;
	(tag) =	ssettag s2;
	_ =	strace s9  }
0x27: {  	s1 =	sld [smem:$0x3FA9]  }
0x28: {  	s2 =	sld [smem:$0x3FAA]  }
0x29: {  	s4 =	sld [smem:$0x3FAC]  }
0x2a: {  	p0 =	seq.s32 s5, $0x0;
	s5 =	sld [smem:$0x3FAD]  }
0x2b: {  	s6 =	sld [smem:$0x3FAE]  }
0x2c: {  	s7 =	sld [smem:$0x3FAF]  }
0x2d: {  	s3 =	simm.s32 $0x108;
	s8 =	sld [smem:$0x3FB0]  }
0x2e: {  	s3 =	simm.s32 @!p0 $0x1082;
	s9 =	sld [smem:$0x3FB1]  }
0x2f: {  	lr =	sadd.s32 s0, s3;
	s0 =	sld [smem:$0x3FA8]  }
0x30: {  	s3 =	sld [smem:$0x3FAB]  }
0x31: {  	[smem:$0x3FB4] =	sst s10  }
0x32: {  	s10 =	sld [smem:$0x3FB2];
	_ =	sdelay $0x3  }
0x33: {  	p0 =	seq.s32 s10, $0x1;
	s10 =	sld [smem:$0x3FB4];
	_ =	sdelay $0x3  }
0x34: {  	[smem:$0x3FB4] =	sst s10  }
0x35: {  	s10 =	sld [smem:$0x3FB3];
	_ =	sdelay $0x3  }
0x36: {  	p1 =	seq.s32 s10, $0x1;
	s10 =	sld [smem:$0x3FB4];
	_ =	sdelay $0x3  }
0x37: {  	[smem:$0x3FB4] =	sst s10  }
0x38: {  	s10 =	sld [smem:$0x3FB5]  }
0x39: {  	_ = 	snop;
	(pc) =	sbr.ind lr, $3  }
0x3a: {  	_ = 	snop  }
0x3b: {  	_ = 	snop  }
0x3c: {  	p2 =	seq.s32 s10, $0x1;
	s10 =	sld [smem:$0x3FB4]  }
0x3d: {  	_ =	shalt  }
0x3e: {  	_ =	shalt  }
0x3f: {  	_ =	shalt  }
0x40: {  	_ =	shalt  }
0x41: {  	_ =	shalt  }
0x42: {  	_ =	shalt  }
0x43: {  	_ =	shalt  }
0x44: {  	_ =	shalt  }
0x45: {  	_ =	shalt  }
0x46: {  	_ =	shalt  }
0x47: {  	_ =	shalt  }
0x48: {  	_ =	shalt  }
0x49: {  	_ =	shalt  }
0x4a: {  	_ =	shalt  }
0x4b: {  	_ =	shalt  }
0x4c: {  	_ =	shalt  }
0x4d: {  	_ =	shalt  }
0x4e: {  	_ =	shalt  }
0x4f: {  	_ =	shalt  }
0x50: {  	_ =	shalt  }
0x51: {  	_ =	shalt  }
0x52: {  	_ =	shalt  }
0x53: {  	_ =	shalt  }
0x54: {  	_ =	shalt  }
0x55: {  	_ =	shalt  }
0x56: {  	_ =	shalt  }
0x57: {  	_ =	shalt  }
0x58: {  	_ =	shalt  }
0x59: {  	_ =	shalt  }
0x5a: {  	_ =	shalt  }
0x5b: {  	_ =	shalt  }
0x5c: {  	_ =	shalt  }
0x5d: {  	_ =	shalt  }
0x5e: {  	_ =	shalt  }
0x5f: {  	_ =	shalt  }
0x60: {  	_ =	shalt  }
0x61: {  	_ =	shalt  }
0x62: {  	_ =	shalt  }
0x63: {  	_ =	shalt  }
0x64: {  	_ =	shalt  }
0x65: {  	_ =	shalt  }
0x66: {  	_ =	shalt  }
0x67: {  	_ =	shalt  }
0x68: {  	_ =	shalt  }
0x69: {  	_ =	shalt  }
0x6a: {  	_ =	shalt  }
0x6b: {  	_ =	shalt  }
0x6c: {  	_ =	shalt  }
0x6d: {  	_ =	shalt  }
0x6e: {  	_ =	shalt  }
0x6f: {  	_ =	shalt  }
0x70: {  	_ =	shalt  }
0x71: {  	_ =	shalt  }
0x72: {  	_ =	shalt  }
0x73: {  	_ =	shalt  }
0x74: {  	_ =	shalt  }
0x75: {  	_ =	shalt  }
0x76: {  	_ =	shalt  }
0x77: {  	_ =	shalt  }
0x78: {  	_ =	shalt  }
0x79: {  	_ =	shalt  }
0x7a: {  	_ =	shalt  }
0x7b: {  	_ =	shalt  }
0x7c: {  	_ =	shalt  }
0x7d: {  	_ =	shalt  }
0x7e: {  	_ =	shalt  }
0x7f: {  	_ =	shalt  }
0x80: {  	_ =	shalt  }
0x81: {  	_ =	shalt  }
0x82: {  	_ =	shalt  }
0x83: {  	_ =	shalt  }
0x84: {  	_ =	shalt  }
0x85: {  	_ =	shalt  }
0x86: {  	_ =	shalt  }
0x87: {  	_ =	shalt  }
.Lfunc_end0:
.L_simem_size_0:
called_computation.1_lowered:
.L_overlay_start_0:
0x88: {  	s2 =	sld [smem:$0x3FD9]  }
0x89: {  	s3 =	sld [smem:$0x3FFE];
	_ =	sdelay $0x1  }
0x8a: {  	s1 =	srdreg.scid  }
0x8b: {  	s0 =	sand.u32 $0x1, s1  }
0x8c: {  	s16 =	sshll.u32 s0, $0xA;
	s2 =	sadd.s32 s3, s2  }
0x8d: {  	s2 =	sadd.s32 s2, s16  }
0x8e: {  	[smem:$0x3FC0] =	sst s2  }
0x8f: {  	_ = 	snop  }
0x90: {  	(tm) =	ssettm $0x1  }
0x91: {  	s17 =	sld [smem:$0x3FFB];
	_ =	sdelay $0x3  }
0x92: {  	_ =	strace s17  }
0x93: {  	s2 =	sld [smem:$0x3FFC];
	_ =	sdelay $0x3  }
0x94: {  	_ =	strace s2  }
0x95: {  	s2 =	sld [smem:$0x3FFD];
	_ =	sdelay $0x3  }
0x96: {  	_ =	strace s2  }
0x97: {  	_ =	strace $0x8FFFFFFF  }
0x98: {  	s18 =	sld [smem:$0x3FDB];
	_ =	sdelay $0x1  }
0x99: {  	s19 =	simm.s32 $_scs_section_size  }
0x9a: {  	s4 =	simm.s32 $_size__tile_overlayer_lowered;
	s5 =	simm.s32 $_tile_overlayer_lowered  }
0x9b: {  	s22 =	simm.s32 $0x1BFF;
	s21 =	sshll.u32 s5, $0x1;
	s2 =	sadd.s32 s19, s18  }
0x9c: {  	s6 =	simm.s32 $0x0;
	s20 =	sshll.u32 s4, $0x1;
	s4 =	sadd.s32 s21, s2  }
0x9d: {  	[timem:s6], [sflag:s22] =	dma.local [hbm:s4], s20  }
0x9e: {  	_ =	swait.ge [sflag:s22], s20  }
0x9f: {  	s3 =	ssub.s32 $0x0, s20;
	[sflag:s22] =	ssyncset.done $0x0  }
0xa0: {  	[sflag:s22] =	ssyncadd.s32 s3;
	_ =	sdelay $0x1  }
0xa1: {  	s23 =	simm.s32 $0x1B8B  }
0xa2: {  	_ =	swait.ge [sflag:s23], $0x1  }
0xa3: {  	[sflag:s23] =	ssyncset.done $0x0  }
0xa4: {  	s25 =	simm.s32 $0x1B8E;
	s24 =	sld [smem:$0x3FFE];
	[sflag:s23] =	ssyncadd.s32 $0xFFFFFFFF  }
0xa5: {  	s26 =	simm.s32 $execute0_lowered;
	[smem:$0x3FD2] =	sst s25  }
0xa6: {  	s4 =	sshll.u32 s26, $0x1;
	_ =	strace $0x80000049;
	[dreg:$0x1] =	wrdreg $0xFFFFFFFF  }
0xa7: {  	s28 =	simm.s32 $_size_execute0_lowered;
	s2 =	sadd.s32 s2, s4;
	[dreg:$0x0] =	wrdreg $0x0  }
0xa8: {  	s4 =	sshll.u32 s28, $0x1;
	[dreg:$0x2] =	wrdreg s2  }
0xa9: {  	[dreg:$0x3] =	wrdreg s4  }
0xaa: {  	[dreg:$0x4] =	wrdreg $0xC0  }
0xab: {  	_ =	task [dreg:s6], $0x5FFFF  }
0xac: {  	[dreg:$0x1] =	wrdreg $0xFFFFFFFF  }
0xad: {  	[dreg:$0x0] =	wrdreg $0x60  }
0xae: {  	[dreg:$0x2] =	wrdreg s24  }
0xaf: {  	[dreg:$0x3] =	wrdreg $0x0  }
0xb0: {  	[dreg:$0x4] =	wrdreg $0x9  }
0xb1: {  	_ =	task.clear_ibuf [dreg:s6], $0x5FFFF;
	_ =	strace $0x90000049  }
0xb2: {  	s29 =	simm.s32 $0x9;
	_ =	strace $0x8000004B  }
0xb3: {  	_ =	swait.ge [sflag:s29], $0x1  }
0xb4: {  	[sflag:s29] =	ssyncadd.s32 $0xFFFFFFFF  }
0xb5: {  	_ =	strace $0x9000004B  }
0xb6: {  	_ =	sfence  }
0xb7: {  	s30 =	sld [smem:$0x0];
	_ =	sdelay $0x2  }
0xb8: {  	s31 =	sshll.u32 s1, $0xD;
	s1 =	sshrl.u32 s1, $0x2  }
0xb9: {  	s3 =	sand.u32 $0x4000, s31;
	s1 =	sadd.s32 s1, s30  }
0xba: {  	s0 =	sor.u32 s3, s0;
	s1 =	sshll.u32 s1, $0x11  }
0xbb: {  	s0 =	sor.u32 s1, s0  }
0xbc: {  	s0 =	sadd.s32 $0x8F2B, s0  }
0xbd: {  	[sflag:s0] =	ssyncadd.remote.s32 $0x1  }
0xbe: {  	_ =	sfence.sel $0xFFFF  }
0xbf: {  	[dreg:$0x0] =	wrdreg $0xFFFFFFFF;
	(pc) =	sbr.abs _section_cstart, $3  }
0xc0: {  	[dreg:$0x1] =	wrdreg $0xFFFFFFFF  }
0xc1: {  	_ =	task.clear_ibuf [dreg:s6], $0x2FFFF;
	_ =	strace $0x9FFFFFFF  }
0xc2: {  	(tm) =	ssettm $0x7FFFFFFF  }
0xc3: {  	_ =	shalt  }
tec
execute0_lowered:
.L_overlay_start_1:
0x0: {  	(tag) =	ssettag $0x1  }
0x1: {  	s0 =	rddreg [dreg:$0x0]  }
0x2: {  	s1 =	rddreg [dreg:$0x1];
	s2 =	srdreg.scid  }
0x3: {  	s3 =	simm.s32 $0x0;
	s7 =	stileid.u32;
	s12 =	simm.s32 $0x19400  }
0x4: {  	s13 =	simm.s32 $0x3;
	s14 =	simm.s32 $0x18800;
	s15 =	simm.s32 $0x80  }
0x5: {  	s23 =	simm.s32 $0x1;
	s24 =	simm.s32 $0x0;
	s6 =	smul.u32 $0x18800, s7  }
0x6: {  	s2 =	sand.u32 $0x1, s2;
	[smem:$0x7FF] =	sst s3;
	s28 =	smul.u32 $0x62000, s7  }
0x7: {  	s10 =	sadd.s32 $0x39000, s0;
	s4 =	sadd.s32 $0x1A00, s0;
	s5 =	smul.u32 $0x188000, s2  }
0x8: {  	s29 =	sadd.s32 $0x32A00, s0;
	_ =	strace $0x8000004A;
	s2 =	ssub.s32 $0x2, s2  }
0x9: {  	[dreg:$0x3] =	wrdreg s29;
	s9 =	sshrl.u32 s2, $0x1;
	s8 =	sadd.s32 s6, s5  }
0xa: {  	s2 =	ssub.s32 s2, s9;
	s6 =	sshrl.u32 s28, $0x2;
	s30 =	sshrl.u32 s8, $0x3  }
0xb: {  	s6 =	sadd.s32 s6, s1;
	s11 =	sadd.s32 $0x800, s8;
	s9 =	smax.u32 s2, $0x1  }
0xc: {  	s0 =	sadd.s32 s30, s0;
	s7 =	sadd.s32 s10, s30;
	s31 =	sshrl.u32 s11, $0x3  }
0xd: {  	s8 =	sadd.s32 $0x80, s7;
	s10 =	sadd.s32 s31, s10;
	s11 =	sadd.s32 $0x9B000, s0  }
.LBB2_1:
0xe: {  	s0 =	rddreg [dreg:$0x3]  }
0xf: {  	[tilespmem:s12], [sflag:$0x3] =	stream.linear.gather [hbm4b:s0+s3], $0x800, $0x38;
	[tilespmem:$0x1D400] =	vst v63  }
0x10: {  	_ =	swait.ge [sflag:s13], $0x800  }
0x11: {  	[sflag:s13] =	ssyncset.done $0x0  }
0x12: {  	s31 =	sadd.s32 $0x0, s6;
	[sflag:s13] =	ssyncadd.s32 $0xFFFFF800  }
0x13: {  	[spmem:s31] =	stream.linear.scatter [tilespmem:s12], [sflag:$0x3], $0x800, $0x38;
	[tilespmem:$0x1D400] =	vst v63  }
0x14: {  	s0 =	simm.s32 $0x2000;
	_ =	swait.ge [sflag:s13], $0x800  }
.LBB2_2:
0x15: {  	s2 =	sshra.s32 s0, $0x2;
	[sflag:s13] =	ssyncset.done $0x0;
	p0 =	sne.s32 s0, $0x60000  }
.Ltmp0:
0x16: {  	s2 =	sadd.s32 s2, s6;
	[sflag:s13] =	ssyncadd.s32 $0xFFFFF800;
	(pc) =	sbr.rel @p0 .LBB2_2-.Ltmp0, $3  }
0x17: {  	[spmem:s2] =	stream.linear.scatter [tilespmem:s12], [sflag:$0x3], $0x800, $0x38;
	[tilespmem:$0x1D400] =	vst v63  }
0x18: {  	s0 =	sadd.s32 $0x2000, s0;
	_ =	sdelay $0x1  }
0x19: {  	_ =	swait.ge [sflag:s13], $0x800  }
0x1a: {  	[sflag:s13] =	ssyncset.done $0x0  }
0x1b: {  	[sflag:s13] =	ssyncadd.s32 $0xFFFFF800  }
0x1c: {  	s0 =	simm.s32 $0x0;
	[bflag:$0x0] =	sbarrier.arrive $0xFFFF  }
0x1d: {  	[tilespmem:s14], [sflag:$0x3] =	stream.linear.gather [hbm4b:s7+s0], $0x400, $0x38;
	[tilespmem:$0x1D400] =	vst v63  }
0x1e: {  	_ =	swait.ge [sflag:s13], $0x400  }
0x1f: {  	[sflag:s13] =	ssyncset.done $0x0  }
0x20: {  	[sflag:s13] =	ssyncadd.s32 $0xFFFFFC00  }
0x21: {  	[tilespmem:s12], [sflag:$0x1] =	stream.indirect.gather [hbm4b:s4+s15], $0x10, s14, s15, $0xb8;
	[tilespmem:$0x1D400] =	vst v63  }
0x22: {  	s2 =	simm.s32 $0x18900;
	s5 =	simm.s32 $0x19C00  }
0x23: {  	[tilespmem:s5], [sflag:$0x1] =	stream.indirect.gather [hbm4b:s4+s15], $0x10, s2, s15, $0xb8;
	[tilespmem:$0x1D400] =	vst v63  }
0x24: {  	s20 =	simm.s32 $0x18A00;
	s21 =	simm.s32 $0x1A400  }
0x25: {  	[tilespmem:s21], [sflag:$0x1] =	stream.indirect.gather [hbm4b:s4+s15], $0x10, s20, s15, $0xb8;
	[tilespmem:$0x1D400] =	vst v63  }
0x26: {  	s22 =	simm.s32 $0x18B00;
	s25 =	simm.s32 $0x1AC00  }
0x27: {  	[tilespmem:s25], [sflag:$0x1] =	stream.indirect.gather [hbm4b:s4+s15], $0x10, s22, s15, $0xb8;
	[tilespmem:$0x1D400] =	vst v63  }
0x28: {  	s26 =	simm.s32 $0x18C00;
	p0 =	por $0x0, $0x0;
	s25 =	simm.s32 $0x1  }
0x29: {  	p1 =	por @!p0 $0x0, $0x0;
	s30 =	simm.s32 @!p0 $0x80;
	s16 =	smul.u32 @!p0 $0xAB, s25  }
0x2a: {  	[tilespmem:s26], [sflag:$0x2] =	stream.linear.gather [hbm4b:s8+s0], $0x400, $0x38;
	[tilespmem:$0x1D400] =	vst v63  }
0x2b: {  	s2 =	sand.u32 $0x1, s0;
	s0 =	smul.u32 $0xAB, s0;
	s16 =	sshrl.u32 @!p0 s16, $0x9  }
0x2c: {  	s31 =	simm.s32 @!p0 $0x2;
	p1 =	por p1, p0;
	s16 =	sand.u32 @!p0 $0x7F, s16  }
0x2d: {  	s17 =	sshll.u32 @!p0 s2, $0xD;
	s29 =	sadd.s32 $0x156, s0;
	s16 =	smul.u32 @!p0 $0x3, s16  }
0x2e: {  	s18 =	sxor.u32 @!p0 $0x1B400, s17;
	s28 =	sxor.u32 @!p0 $0x1BC00, s17;
	s29 =	sshrl.u32 s29, $0x9  }
0x2f: {  	s26 =	ssub.s32 @!p0 $0x1CC00, s17;
	s29 =	sand.u32 $0x7F, s29;
	s16 =	ssub.s32 @!p0 $0x1, s16  }
0x30: {  	_ =	swait.ge @!p0 [sflag:s31], $0x400;
	s29 =	smul.u32 $0x3, s29;
	s16 =	sand.u32 @!p0 $0xFF, s16  }
0x31: {  	s17 =	ssub.s32 @!p0 $0x1C400, s17;
	[sflag:s31] =	ssyncset.done @!p0 $0x0;
	s16 =	sshll.u32 @!p0 s16, $0xA  }
0x32: {  	[sflag:s31] =	ssyncadd.s32 @!p0 $0xFFFFFC00;
	s29 =	ssub.s32 $0x0, s29;
	s31 =	sadd.s32 @!p0 $0x18800, s16  }
0x33: {  	[tilespmem:s18], [sflag:$0x1] =	stream.indirect.gather @!p0 [hbm4b:s4+s30], $0x10, s31, s30, $0xb8;
	[tilespmem:$0x1D400] =	vst v63  }
0x34: {  	s0 =	sshrl.u32 s0, $0x9;
	s5 =	sadd.s32 $0x2, s29;
	s29 =	sadd.s32 @!p0 $0x18900, s16  }
0x35: {  	[tilespmem:s28], [sflag:$0x1] =	stream.indirect.gather @!p0 [hbm4b:s4+s30], $0x10, s29, s30, $0xb8;
	[tilespmem:$0x1D400] =	vst v63  }
0x36: {  	s0 =	sand.u32 $0x7F, s0;
	s18 =	sand.u32 $0xFF, s5;
	s28 =	sadd.s32 @!p0 $0x18A00, s16  }
0x37: {  	[tilespmem:s17], [sflag:$0x1] =	stream.indirect.gather @!p0 [hbm4b:s4+s30], $0x10, s28, s30, $0xb8;
	[tilespmem:$0x1D400] =	vst v63  }
0x38: {  	s0 =	smul.u32 $0x3, s0;
	s16 =	sadd.s32 @!p0 $0x18B00, s16;
	s17 =	sshll.u32 @!p1 s18, $0xA  }
0x39: {  	[tilespmem:s26], [sflag:$0x1] =	stream.indirect.gather @!p0 [hbm4b:s4+s30], $0x10, s16, s30, $0xb8;
	[tilespmem:$0x1D400] =	vst v63  }
0x3a: {  	s0 =	ssub.s32 $0x0, s0;
	s16 =	sadd.s32 @!p1 $0x18800, s17;
	s17 =	simm.s32 @!p1 $0x0  }
0x3b: {  	[tilespmem:s16], [sflag:$0x2] =	stream.linear.gather @!p1 [hbm4b:s10+s17], $0x400, $0x38;
	[tilespmem:$0x1D400] =	vst v63  }
0x3c: {  	s0 =	sand.u32 $0xFF, s0;
	_ =	swait.ge [sflag:s23], $0x800  }
0x3d: {  	s2 =	sshll.u32 s2, $0xD;
	s31 =	sshll.u32 s0, $0xA;
	[sflag:s23] =	ssyncset.done $0x0  }
0x3e: {  	s18 =	sadd.s32 $0x18880, s31;
	s17 =	sor.u32 $0x19400, s2;
	[sflag:s23] =	ssyncadd.s32 $0xFFFFF800  }
0x3f: {  	[spmem:s1] =	stream.indirect.scatter.add.f32 [tilespmem:s17], [sflag:$0x3], $0x10, s18, s15, $0xb8;
	[tilespmem:$0x1D400] =	vst v63  }
0x40: {  	_ =	swait.ge [sflag:s13], $0x800  }
0x41: {  	[sflag:s13] =	ssyncset.done $0x0  }
0x42: {  	[sflag:s13] =	ssyncadd.s32 $0xFFFFF800  }
0x43: {  	_ =	swait.ge [sflag:s23], $0x800  }
0x44: {  	s19 =	sor.u32 $0x19C00, s2;
	[sflag:s23] =	ssyncset.done $0x0  }
0x45: {  	s21 =	sadd.s32 $0x1A400, s2;
	s20 =	sadd.s32 $0x18980, s31;
	[sflag:s23] =	ssyncadd.s32 $0xFFFFF800  }
0x46: {  	[spmem:s1] =	stream.indirect.scatter.add.f32 [tilespmem:s19], [sflag:$0x3], $0x10, s20, s15, $0xb8;
	[tilespmem:$0x1D400] =	vst v63  }
0x47: {  	s0 =	sand.u32 $0x1, s25;
	s22 =	sadd.s32 $0x18A80, s31;
	_ =	swait.ge [sflag:s13], $0x800  }
0x48: {  	s28 =	simm.s32 $0x2;
	p0 =	por $0x0, $0x0;
	[sflag:s13] =	ssyncset.done $0x0  }
0x49: {  	s26 =	sadd.s32 $0x80, s10;
	s29 =	smul.u32 @!p0 $0xAB, s28;
	[sflag:s13] =	ssyncadd.s32 $0xFFFFF800  }
0x4a: {  	p2 =	por @!p0 $0x0, $0x0;
	s16 =	sadd.s32 $0x1AC00, s2;
	_ =	swait.ge [sflag:s23], $0x800  }
0x4b: {  	s29 =	sshrl.u32 @!p0 s29, $0x9;
	s17 =	sshll.u32 @!p0 s0, $0xD;
	[sflag:s23] =	ssyncset.done $0x0  }
0x4c: {  	s18 =	sand.u32 @!p0 $0x7F, s29;
	s29 =	simm.s32 $0x2;
	[sflag:s23] =	ssyncadd.s32 $0xFFFFF800  }
0x4d: {  	[spmem:s1] =	stream.indirect.scatter.add.f32 [tilespmem:s21], [sflag:$0x3], $0x10, s22, s15, $0xb8;
	[tilespmem:$0x1D400] =	vst v63  }
0x4e: {  	s2 =	sxor.u32 @!p0 $0x1B400, s17;
	s30 =	ssub.s32 @!p0 $0x1CC00, s17;
	_ =	swait.ge [sflag:s13], $0x800  }
.LBB2_4:
0x4f: {  	s19 =	sxor.u32 @!p0 $0x1BC00, s17  }
0x50: {  	s20 =	ssub.s32 @!p0 $0x1C400, s17;
	s0 =	sshll.u32 s0, $0xD;
	s17 =	smov.u32 s28  }
0x51: {  	s28 =	sadd.s32 $0x1, s28;
	s31 =	sadd.s32 $0x18B80, s31;
	[sflag:s13] =	ssyncset.done $0x0  }
0x52: {  	s21 =	smul.u32 $0xAB, s25;
	p1 =	sne.s32 s28, $0x62;
	[sflag:s13] =	ssyncadd.s32 $0xFFFFF800  }
0x53: {  	s22 =	simm.s32 @!p0 $0x80;
	p2 =	por p2, p0;
	_ =	swait.ge [sflag:s23], $0x800  }
0x54: {  	s5 =	sshrl.u32 s21, $0x9;
	s21 =	sadd.s32 $0x156, s21;
	[sflag:s23] =	ssyncset.done $0x0  }
0x55: {  	s5 =	sand.u32 $0x7F, s5;
	s21 =	sshrl.u32 s21, $0x9;
	[sflag:s23] =	ssyncadd.s32 $0xFFFFF800  }
0x56: {  	[spmem:s1] =	stream.indirect.scatter.add.f32 [tilespmem:s16], [sflag:$0x3], $0x10, s31, s15, $0xb8;
	[tilespmem:$0x1D400] =	vst v63  }
0x57: {  	s18 =	smul.u32 @!p0 $0x3, s18;
	s16 =	sand.u32 $0x7F, s21;
	_ =	swait.ge [sflag:s13], $0x800  }
0x58: {  	s21 =	simm.s32 @!p0 $0x2;
	s16 =	smul.u32 $0x3, s16;
	[sflag:s13] =	ssyncset.done $0x0  }
0x59: {  	s18 =	ssub.s32 @!p0 s29, s18;
	s5 =	smul.u32 $0x3, s5;
	[sflag:s13] =	ssyncadd.s32 $0xFFFFF800  }
0x5a: {  	s18 =	sand.u32 @!p0 $0xFF, s18;
	s16 =	ssub.s32 s25, s16;
	_ =	swait.ge @!p0 [sflag:s21], $0x400  }
0x5b: {  	s18 =	sshll.u32 @!p0 s18, $0xA;
	s16 =	sadd.s32 $0x2, s16;
	[sflag:s21] =	ssyncset.done @!p0 $0x0  }
0x5c: {  	s16 =	sand.u32 $0xFF, s16;
	[sflag:s21] =	ssyncadd.s32 @!p0 $0xFFFFFC00;
	s21 =	sadd.s32 @!p0 $0x18800, s18  }
0x5d: {  	[tilespmem:s2], [sflag:$0x1] =	stream.indirect.gather @!p0 [hbm4b:s4+s22], $0x10, s21, s22, $0xb8;
	[tilespmem:$0x1D400] =	vst v63  }
0x5e: {  	s16 =	sshll.u32 @!p2 s16, $0xA;
	s2 =	sadd.s32 @!p0 $0x18900, s18;
	s21 =	sadd.s32 @!p0 $0x18A00, s18  }
0x5f: {  	[tilespmem:s19], [sflag:$0x1] =	stream.indirect.gather @!p0 [hbm4b:s4+s22], $0x10, s2, s22, $0xb8;
	[tilespmem:$0x1D400] =	vst v63  }
0x60: {  	s29 =	smov.u32 s28;
	s2 =	ssub.s32 s25, s5;
	s5 =	sadd.s32 @!p0 $0x18B00, s18  }
0x61: {  	[tilespmem:s20], [sflag:$0x1] =	stream.indirect.gather @!p0 [hbm4b:s4+s22], $0x10, s21, s22, $0xb8;
	[tilespmem:$0x1D400] =	vst v63  }
0x62: {  	s25 =	smov.u32 s17;
	s2 =	sand.u32 $0xFF, s2  }
0x63: {  	[tilespmem:s30], [sflag:$0x1] =	stream.indirect.gather @!p0 [hbm4b:s4+s22], $0x10, s5, s22, $0xb8;
	[tilespmem:$0x1D400] =	vst v63  }
0x64: {  	s31 =	sshll.u32 s2, $0xA;
	s5 =	sadd.s32 @!p2 $0x18800, s16;
	s16 =	simm.s32 @!p2 $0x0  }
0x65: {  	[tilespmem:s5], [sflag:$0x2] =	stream.linear.gather @!p2 [hbm4b:s26+s16], $0x400, $0x38;
	[tilespmem:$0x1D400] =	vst v63  }
0x66: {  	_ =	swait.ge [sflag:s23], $0x800  }
0x67: {  	[sflag:s23] =	ssyncset.done $0x0  }
0x68: {  	s2 =	sor.u32 $0x19400, s0;
	s5 =	sadd.s32 $0x18880, s31;
	[sflag:s23] =	ssyncadd.s32 $0xFFFFF800  }
0x69: {  	[spmem:s1] =	stream.indirect.scatter.add.f32 [tilespmem:s2], [sflag:$0x3], $0x10, s5, s15, $0xb8;
	[tilespmem:$0x1D400] =	vst v63  }
0x6a: {  	_ =	swait.ge [sflag:s13], $0x800  }
0x6b: {  	[sflag:s13] =	ssyncset.done $0x0  }
0x6c: {  	[sflag:s13] =	ssyncadd.s32 $0xFFFFF800  }
0x6d: {  	_ =	swait.ge [sflag:s23], $0x800  }
0x6e: {  	[sflag:s23] =	ssyncset.done $0x0  }
0x6f: {  	s2 =	sor.u32 $0x19C00, s0;
	s5 =	sadd.s32 $0x18980, s31;
	[sflag:s23] =	ssyncadd.s32 $0xFFFFF800  }
0x70: {  	[spmem:s1] =	stream.indirect.scatter.add.f32 [tilespmem:s2], [sflag:$0x3], $0x10, s5, s15, $0xb8;
	[tilespmem:$0x1D400] =	vst v63  }
0x71: {  	p0 =	seq.s32 s25, $0x61;
	s26 =	sadd.s32 $0x80, s26;
	_ =	swait.ge [sflag:s13], $0x800  }
0x72: {  	s16 =	sadd.s32 $0x1AC00, s0;
	s5 =	sadd.s32 $0x1A400, s0;
	[sflag:s13] =	ssyncset.done $0x0  }
0x73: {  	s18 =	smul.u32 @!p0 $0xAB, s29;
	s0 =	sand.u32 $0x1, s25;
	[sflag:s13] =	ssyncadd.s32 $0xFFFFF800  }
.Ltmp1:
0x74: {  	s17 =	sshll.u32 @!p0 s0, $0xD;
	_ =	swait.ge [sflag:s23], $0x800;
	(pc) =	sbr.rel @p1 .LBB2_4-.Ltmp1, $4  }
0x75: {  	s19 =	sadd.s32 $0x18A80, s31;
	s2 =	sxor.u32 @!p0 $0x1B400, s17;
	[sflag:s23] =	ssyncset.done $0x0  }
0x76: {  	p2 =	sgt.u32 @!p0 s25, $0x5F;
	s18 =	sshrl.u32 @!p0 s18, $0x9;
	[sflag:s23] =	ssyncadd.s32 $0xFFFFF800  }
0x77: {  	[spmem:s1] =	stream.indirect.scatter.add.f32 [tilespmem:s5], [sflag:$0x3], $0x10, s19, s15, $0xb8;
	[tilespmem:$0x1D400] =	vst v63  }
0x78: {  	s18 =	sand.u32 @!p0 $0x7F, s18;
	s30 =	ssub.s32 @!p0 $0x1CC00, s17;
	_ =	swait.ge [sflag:s13], $0x800  }
0x79: {  	[sflag:s13] =	ssyncset.done $0x0  }
0x7a: {  	[sflag:s13] =	ssyncadd.s32 $0xFFFFF800  }
0x7b: {  	s5 =	smul.u32 $0xAB, s25;
	_ =	swait.ge [sflag:s23], $0x800  }
0x7c: {  	s19 =	sxor.u32 @!p0 $0x1BC00, s17;
	s17 =	ssub.s32 @!p0 $0x1C400, s17;
	[sflag:s23] =	ssyncset.done $0x0  }
0x7d: {  	s20 =	sadd.s32 $0x18B80, s31;
	s18 =	smul.u32 @!p0 $0x3, s18;
	[sflag:s23] =	ssyncadd.s32 $0xFFFFF800  }
0x7e: {  	[spmem:s1] =	stream.indirect.scatter.add.f32 [tilespmem:s16], [sflag:$0x3], $0x10, s20, s15, $0xb8;
	[tilespmem:$0x1D400] =	vst v63  }
0x7f: {  	p1 =	por p2, p0;
	s21 =	sadd.s32 $0x156, s5;
	_ =	swait.ge [sflag:s13], $0x800  }
0x80: {  	s18 =	ssub.s32 @!p0 s29, s18;
	s31 =	sshrl.u32 s21, $0x9;
	[sflag:s13] =	ssyncset.done $0x0  }
0x81: {  	s21 =	simm.s32 @!p0 $0x2;
	s16 =	sand.u32 $0x7F, s31;
	[sflag:s13] =	ssyncadd.s32 $0xFFFFF800  }
0x82: {  	s18 =	sand.u32 @!p0 $0xFF, s18;
	s16 =	smul.u32 $0x3, s16;
	_ =	swait.ge @!p0 [sflag:s21], $0x400  }
0x83: {  	s18 =	sshll.u32 @!p0 s18, $0xA;
	s20 =	simm.s32 @!p0 $0x80;
	[sflag:s21] =	ssyncset.done @!p0 $0x0  }
0x84: {  	s16 =	ssub.s32 s25, s16;
	[sflag:s21] =	ssyncadd.s32 @!p0 $0xFFFFFC00;
	s21 =	sadd.s32 @!p0 $0x18800, s18  }
0x85: {  	[tilespmem:s2], [sflag:$0x1] =	stream.indirect.gather @!p0 [hbm4b:s4+s20], $0x10, s21, s20, $0xb8;
	[tilespmem:$0x1D400] =	vst v63  }
0x86: {  	s5 =	sshrl.u32 s5, $0x9;
	s21 =	sadd.s32 $0x2, s16;
	s16 =	sadd.s32 @!p0 $0x18900, s18  }
0x87: {  	[tilespmem:s19], [sflag:$0x1] =	stream.indirect.gather @!p0 [hbm4b:s4+s20], $0x10, s16, s20, $0xb8;
	[tilespmem:$0x1D400] =	vst v63  }
0x88: {  	s2 =	sand.u32 $0x7F, s5;
	s5 =	sand.u32 $0xFF, s21;
	s16 =	sadd.s32 @!p0 $0x18A00, s18  }
0x89: {  	[tilespmem:s17], [sflag:$0x1] =	stream.indirect.gather @!p0 [hbm4b:s4+s20], $0x10, s16, s20, $0xb8;
	[tilespmem:$0x1D400] =	vst v63  }
0x8a: {  	s2 =	smul.u32 $0x3, s2;
	s5 =	sshll.u32 @!p1 s5, $0xA;
	s16 =	sadd.s32 @!p0 $0x18B00, s18  }
0x8b: {  	[tilespmem:s30], [sflag:$0x1] =	stream.indirect.gather @!p0 [hbm4b:s4+s20], $0x10, s16, s20, $0xb8;
	[tilespmem:$0x1D400] =	vst v63  }
0x8c: {  	s2 =	ssub.s32 s25, s2;
	s5 =	sadd.s32 @!p1 $0x18800, s5;
	s16 =	simm.s32 @!p1 $0x0  }
0x8d: {  	[tilespmem:s5], [sflag:$0x2] =	stream.linear.gather @!p1 [hbm4b:s26+s16], $0x400, $0x38;
	[tilespmem:$0x1D400] =	vst v63  }
0x8e: {  	s2 =	sand.u32 $0xFF, s2;
	_ =	swait.ge [sflag:s23], $0x800  }
0x8f: {  	s0 =	sshll.u32 s0, $0xD;
	s2 =	sshll.u32 s2, $0xA;
	[sflag:s23] =	ssyncset.done $0x0  }
0x90: {  	s22 =	sor.u32 $0x19400, s0;
	s25 =	sadd.s32 $0x18880, s2;
	[sflag:s23] =	ssyncadd.s32 $0xFFFFF800  }
0x91: {  	[spmem:s1] =	stream.indirect.scatter.add.f32 [tilespmem:s22], [sflag:$0x3], $0x10, s25, s15, $0xb8;
	[tilespmem:$0x1D400] =	vst v63  }
0x92: {  	_ =	swait.ge [sflag:s13], $0x800  }
0x93: {  	[sflag:s13] =	ssyncset.done $0x0  }
0x94: {  	[sflag:s13] =	ssyncadd.s32 $0xFFFFF800  }
0x95: {  	_ =	swait.ge [sflag:s23], $0x800  }
0x96: {  	[sflag:s23] =	ssyncset.done $0x0  }
0x97: {  	s28 =	sadd.s32 $0x18980, s2;
	s26 =	sor.u32 $0x19C00, s0;
	[sflag:s23] =	ssyncadd.s32 $0xFFFFF800  }
0x98: {  	[spmem:s1] =	stream.indirect.scatter.add.f32 [tilespmem:s26], [sflag:$0x3], $0x10, s28, s15, $0xb8;
	[tilespmem:$0x1D400] =	vst v63  }
0x99: {  	_ =	swait.ge [sflag:s13], $0x800  }
0x9a: {  	[sflag:s13] =	ssyncset.done $0x0  }
0x9b: {  	[sflag:s13] =	ssyncadd.s32 $0xFFFFF800  }
0x9c: {  	_ =	swait.ge [sflag:s23], $0x800  }
0x9d: {  	[sflag:s23] =	ssyncset.done $0x0  }
0x9e: {  	s29 =	sadd.s32 $0x1A400, s0;
	s30 =	sadd.s32 $0x18A80, s2;
	[sflag:s23] =	ssyncadd.s32 $0xFFFFF800  }
0x9f: {  	[spmem:s1] =	stream.indirect.scatter.add.f32 [tilespmem:s29], [sflag:$0x3], $0x10, s30, s15, $0xb8;
	[tilespmem:$0x1D400] =	vst v63  }
0xa0: {  	_ =	swait.ge [sflag:s13], $0x800  }
0xa1: {  	[sflag:s13] =	ssyncset.done $0x0  }
0xa2: {  	[sflag:s13] =	ssyncadd.s32 $0xFFFFF800  }
0xa3: {  	_ =	swait.ge [sflag:s23], $0x800  }
0xa4: {  	[sflag:s23] =	ssyncset.done $0x0  }
0xa5: {  	s2 =	sadd.s32 $0x18B80, s2;
	s0 =	sadd.s32 $0x1AC00, s0;
	[sflag:s23] =	ssyncadd.s32 $0xFFFFF800  }
0xa6: {  	[spmem:s1] =	stream.indirect.scatter.add.f32 [tilespmem:s0], [sflag:$0x3], $0x10, s2, s15, $0xb8;
	[tilespmem:$0x1D400] =	vst v63  }
0xa7: {  	_ =	swait.ge [sflag:s13], $0x800  }
0xa8: {  	[sflag:s13] =	ssyncset.done $0x0  }
0xa9: {  	[sflag:s13] =	ssyncadd.s32 $0xFFFFF800  }
0xaa: {  	[bflag:$0x0] =	sbarrier.arrive $0xFFFF  }
0xab: {  	[tilespmem:s12], [sflag:$0x3] =	stream.linear.gather [spmem:s6], $0x800, $0x38;
	[tilespmem:$0x1D400] =	vst v63  }
0xac: {  	_ =	swait.ge [sflag:s13], $0x800  }
0xad: {  	[sflag:s13] =	ssyncset.done $0x0  }
0xae: {  	s31 =	sadd.s32 $0x0, s11;
	[sflag:s13] =	ssyncadd.s32 $0xFFFFF800  }
0xaf: {  	[hbm4b:s31+s3] =	stream.linear.scatter [tilespmem:s12], [sflag:$0x3], $0x800, $0x38;
	[tilespmem:$0x1D400] =	vst v63  }
0xb0: {  	_ =	swait.ge [sflag:s13], $0x800  }
0xb1: {  	s0 =	simm.s32 $0x100;
	s2 =	smov.u32 s6;
	[sflag:s13] =	ssyncset.done $0x0  }
.LBB2_6:
0xb2: {  	p0 =	sne.s32 s0, $0x3000;
	[sflag:s13] =	ssyncadd.s32 $0xFFFFF800;
	s2 =	sadd.s32 $0x800, s2  }
0xb3: {  	[tilespmem:s12], [sflag:$0x3] =	stream.linear.gather [spmem:s2], $0x800, $0x38;
	[tilespmem:$0x1D400] =	vst v63  }
0xb4: {  	s5 =	smov.u32 s0;
	s0 =	sadd.s32 $0x100, s0;
	_ =	swait.ge [sflag:s13], $0x800  }
.Ltmp2:
0xb5: {  	[sflag:s13] =	ssyncset.done $0x0;
	(pc) =	sbr.rel @p0 .LBB2_6-.Ltmp2, $4  }
0xb6: {  	s5 =	sadd.s32 s5, s11;
	[sflag:s13] =	ssyncadd.s32 $0xFFFFF800  }
0xb7: {  	[hbm4b:s5+s3] =	stream.linear.scatter [tilespmem:s12], [sflag:$0x3], $0x800, $0x38;
	[tilespmem:$0x1D400] =	vst v63  }
0xb8: {  	_ =	swait.ge [sflag:s13], $0x800  }
0xb9: {  	[sflag:s13] =	ssyncset.done $0x0  }
0xba: {  	s24 =	sadd.s32 $0x1, s24  }
0xbb: {  	p0 =	sne.s32 s24, s9  }
.Ltmp3:
0xbc: {  	_ = 	snop;
	(pc) =	sbr.rel @p0 .LBB2_1-.Ltmp3, $2  }
0xbd: {  	_ =	sdelay $0x2  }
0xbe: {  	[sflag:s13] =	ssyncadd.s32 $0xFFFFF800  }
0xbf: {  	_ =	sfence.sel $0x180000  }
0xc0: {  	[bflag:$0x0] =	sbarrier.arrive $0xFFFF  }
0xc1: {  	_ =	strace $0x9000004A  }
0xc2: {  	s0 =	stileid.u32;
	[bflag:$0x2] =	sbarrier.arrive $0xFFFF  }
0xc3: {  	p0 =	sne.s32 s0, $0x0;
	s0 =	rddreg [dreg:$0x2]  }
0xc4: {  	s0 =	sadd.s32 @!p0 $0x100000, s0  }
0xc5: {  	[sflag:s0] =	ssyncadd.tile.s32 @!p0 $0x1;
	_ =	shalt  }
.Lfunc_end2:
_tile_overlayer_lowered:
.L_overlay_start_2:
0xc6: {  	(tag) =	ssettag $0x2  }
0xc7: {  	s0 =	rddreg [dreg:$0x0];
	s2 =	stileid.u32  }
0xc8: {  	s1 =	rddreg [dreg:$0x1];
	p0 =	sne.s32 s2, $0x0  }
0xc9: {  	s3 =	rddreg [dreg:$0x2];
	[bflag:$0x3] =	sbarrier.arrive $0xFFFF;
	s2 =	simm.s32 @!p0 $0x1C03  }
0xca: {  	[timem:s3], [sflag:s2] =	dma.local @!p0 [hbm:s0], s1  }
0xcb: {  	s0 =	simm.s32 @!p0 $0x3  }
0xcc: {  	_ =	swait.ge @!p0 [sflag:s0], s1  }
0xcd: {  	s1 =	ssub.s32 @!p0 $0x0, s1;
	[sflag:s0] =	ssyncset.done @!p0 $0x0  }
0xce: {  	[sflag:s0] =	ssyncadd.s32 @!p0 s1  }
0xcf: {  	[bflag:$0x3] =	sbarrier.arrive $0xFFFF  }
0xd0: {  	_ =	shalt  }

// kernel: kernel.14.cloned.1.call-start
scs
__scs_entry_jumppad:
0x0: {  	(pc) =	sbr.rel $0x88, $3  }
0x1: {  	(tag) =	ssettag $0x0;
	lr =	simm.s32 $0x1  }
0x2: {  	[smem:$0x3F99] =	sst lr;
	_ =	strace $0xD0000000  }
0x3: {  	_ = 	snop  }
0x4: {  	_ = 	snop  }
0x5: {  	_ = 	snop  }
0x6: {  	_ = 	snop  }
0x7: {  	_ = 	snop  }
__scs_overlays_trampoline_lowered:
0x8: {  	[smem:$0x3FA8] =	sst s0  }
0x9: {  	[smem:$0x3FA9] =	sst s1  }
0xa: {  	[smem:$0x3FAA] =	sst s2  }
0xb: {  	[smem:$0x3FAB] =	sst s3  }
0xc: {  	[smem:$0x3FAC] =	sst s4  }
0xd: {  	[smem:$0x3FAD] =	sst s5  }
0xe: {  	[smem:$0x3FAE] =	sst s6  }
0xf: {  	[smem:$0x3FAF] =	sst s7  }
0x10: {  	[smem:$0x3FB0] =	sst s8  }
0x11: {  	[smem:$0x3FB1] =	sst s9;
	s0 =	simm.s32 @!p0 $0x0  }
0x12: {  	s1 =	sld [smem:$0x3F97];
	s0 =	simm.s32 @p0 $0x1  }
0x13: {  	[smem:$0x3FB2] =	sst s0;
	s0 =	simm.s32 @!p1 $0x0  }
0x14: {  	s2 =	sld [smem:$0x3F96];
	s0 =	simm.s32 @p1 $0x1  }
0x15: {  	[smem:$0x3FB3] =	sst s0;
	s0 =	simm.s32 @!p2 $0x0  }
0x16: {  	s3 =	sld [smem:$0x3FDB];
	s0 =	simm.s32 @p2 $0x1  }
0x17: {  	s4 =	simm.s32 $0x1BF5;
	[smem:$0x3FB5] =	sst s0  }
0x18: {  	s0 =	sld [smem:$0x3F98];
	_ =	swait.ge [sflag:s4], $0x0  }
0x19: {  	s7 =	sld [smem:$0x3F99]  }
0x1a: {  	s8 =	sadd.s32 $0xFFFFE003, lr  }
0x1b: {  	s9 =	sadd.s32 $0xFFFFFEF7, lr;
	s5 =	simm.s32 $0xFFFFFFFF;
	p2 =	slt.u32 s8, $0xFFFFF086  }
0x1c: {  	p1 =	slt.u32 s9, $0xF7A;
	s5 =	simm.s32 @!p2 $0x0  }
0x1d: {  	s5 =	simm.s32 @p1 $0x1;
	p0 =	seq.s32 s7, s2  }
0x1e: {  	s7 =	smul.u32 @!p0 $0xF7A, s2;
	p2 =	seq.s32 @!p0 s5, $0x0  }
0x1f: {  	s9 =	smul.u32 $0xF7A, s1;
	s8 =	simm.s32 @!p0 $0x1BF5;
	p2 =	por !p2, p0  }
0x20: {  	[sflag:s8] =	ssyncset.s32 @!p0 $0xFFFFF086;
	s6 =	sadd.s32 @!p0 s3, s7;
	s7 =	simm.s32 @!p0 $0x108  }
0x21: {  	s3 =	sadd.s32 s3, s9;
	s6 =	sadd.s32 @!p0 $0x88, s6;
	s7 =	simm.s32 @p2 $0x1082  }
0x22: {  	[simem:s7], [sflag:s8] =	dma.local @!p0 [hbm:s6], $0xF7A  }
0x23: {  	s9 =	sor.u32 $0xD0000000, s2;
	s6 =	simm.s32 $0x108;
	_ =	swait.ge @!p0 [sflag:s8], $0x0  }
0x24: {  	s3 =	sadd.s32 $0x88, s3;
	s6 =	simm.s32 @!p1 $0x1082;
	[sflag:s4] =	ssyncset.s32 $0xFFFFF086  }
0x25: {  	[simem:s6], [sflag:s4] =	dma.local [hbm:s3], $0xF7A  }
0x26: {  	[smem:$0x3F99] =	sst s1;
	(tag) =	ssettag s2;
	_ =	strace s9  }
0x27: {  	s1 =	sld [smem:$0x3FA9]  }
0x28: {  	s2 =	sld [smem:$0x3FAA]  }
0x29: {  	s4 =	sld [smem:$0x3FAC]  }
0x2a: {  	p0 =	seq.s32 s5, $0x0;
	s5 =	sld [smem:$0x3FAD]  }
0x2b: {  	s6 =	sld [smem:$0x3FAE]  }
0x2c: {  	s7 =	sld [smem:$0x3FAF]  }
0x2d: {  	s3 =	simm.s32 $0x108;
	s8 =	sld [smem:$0x3FB0]  }
0x2e: {  	s3 =	simm.s32 @!p0 $0x1082;
	s9 =	sld [smem:$0x3FB1]  }
0x2f: {  	lr =	sadd.s32 s0, s3;
	s0 =	sld [smem:$0x3FA8]  }
0x30: {  	s3 =	sld [smem:$0x3FAB]  }
0x31: {  	[smem:$0x3FB4] =	sst s10  }
0x32: {  	s10 =	sld [smem:$0x3FB2];
	_ =	sdelay $0x3  }
0x33: {  	p0 =	seq.s32 s10, $0x1;
	s10 =	sld [smem:$0x3FB4];
	_ =	sdelay $0x3  }
0x34: {  	[smem:$0x3FB4] =	sst s10  }
0x35: {  	s10 =	sld [smem:$0x3FB3];
	_ =	sdelay $0x3  }
0x36: {  	p1 =	seq.s32 s10, $0x1;
	s10 =	sld [smem:$0x3FB4];
	_ =	sdelay $0x3  }
0x37: {  	[smem:$0x3FB4] =	sst s10  }
0x38: {  	s10 =	sld [smem:$0x3FB5]  }
0x39: {  	_ = 	snop;
	(pc) =	sbr.ind lr, $3  }
0x3a: {  	_ = 	snop  }
0x3b: {  	_ = 	snop  }
0x3c: {  	p2 =	seq.s32 s10, $0x1;
	s10 =	sld [smem:$0x3FB4]  }
0x3d: {  	_ =	shalt  }
0x3e: {  	_ =	shalt  }
0x3f: {  	_ =	shalt  }
0x40: {  	_ =	shalt  }
0x41: {  	_ =	shalt  }
0x42: {  	_ =	shalt  }
0x43: {  	_ =	shalt  }
0x44: {  	_ =	shalt  }
0x45: {  	_ =	shalt  }
0x46: {  	_ =	shalt  }
0x47: {  	_ =	shalt  }
0x48: {  	_ =	shalt  }
0x49: {  	_ =	shalt  }
0x4a: {  	_ =	shalt  }
0x4b: {  	_ =	shalt  }
0x4c: {  	_ =	shalt  }
0x4d: {  	_ =	shalt  }
0x4e: {  	_ =	shalt  }
0x4f: {  	_ =	shalt  }
0x50: {  	_ =	shalt  }
0x51: {  	_ =	shalt  }
0x52: {  	_ =	shalt  }
0x53: {  	_ =	shalt  }
0x54: {  	_ =	shalt  }
0x55: {  	_ =	shalt  }
0x56: {  	_ =	shalt  }
0x57: {  	_ =	shalt  }
0x58: {  	_ =	shalt  }
0x59: {  	_ =	shalt  }
0x5a: {  	_ =	shalt  }
0x5b: {  	_ =	shalt  }
0x5c: {  	_ =	shalt  }
0x5d: {  	_ =	shalt  }
0x5e: {  	_ =	shalt  }
0x5f: {  	_ =	shalt  }
0x60: {  	_ =	shalt  }
0x61: {  	_ =	shalt  }
0x62: {  	_ =	shalt  }
0x63: {  	_ =	shalt  }
0x64: {  	_ =	shalt  }
0x65: {  	_ =	shalt  }
0x66: {  	_ =	shalt  }
0x67: {  	_ =	shalt  }
0x68: {  	_ =	shalt  }
0x69: {  	_ =	shalt  }
0x6a: {  	_ =	shalt  }
0x6b: {  	_ =	shalt  }
0x6c: {  	_ =	shalt  }
0x6d: {  	_ =	shalt  }
0x6e: {  	_ =	shalt  }
0x6f: {  	_ =	shalt  }
0x70: {  	_ =	shalt  }
0x71: {  	_ =	shalt  }
0x72: {  	_ =	shalt  }
0x73: {  	_ =	shalt  }
0x74: {  	_ =	shalt  }
0x75: {  	_ =	shalt  }
0x76: {  	_ =	shalt  }
0x77: {  	_ =	shalt  }
0x78: {  	_ =	shalt  }
0x79: {  	_ =	shalt  }
0x7a: {  	_ =	shalt  }
0x7b: {  	_ =	shalt  }
0x7c: {  	_ =	shalt  }
0x7d: {  	_ =	shalt  }
0x7e: {  	_ =	shalt  }
0x7f: {  	_ =	shalt  }
0x80: {  	_ =	shalt  }
0x81: {  	_ =	shalt  }
0x82: {  	_ =	shalt  }
0x83: {  	_ =	shalt  }
0x84: {  	_ =	shalt  }
0x85: {  	_ =	shalt  }
0x86: {  	_ =	shalt  }
0x87: {  	_ =	shalt  }
.Lfunc_end0:
.L_simem_size_0:
called_computation.2_lowered:
.L_overlay_start_0:
0x88: {  	s2 =	sld [smem:$0x3FD9]  }
0x89: {  	s3 =	sld [smem:$0x3FFE];
	_ =	sdelay $0x1  }
0x8a: {  	s1 =	srdreg.scid  }
0x8b: {  	s0 =	sand.u32 $0x1, s1  }
0x8c: {  	s16 =	sshll.u32 s0, $0xA;
	s2 =	sadd.s32 s3, s2  }
0x8d: {  	s2 =	sadd.s32 s2, s16  }
0x8e: {  	[smem:$0x3FC0] =	sst s2  }
0x8f: {  	_ = 	snop  }
0x90: {  	(tm) =	ssettm $0x1  }
0x91: {  	s17 =	sld [smem:$0x3FFB];
	_ =	sdelay $0x3  }
0x92: {  	_ =	strace s17  }
0x93: {  	s2 =	sld [smem:$0x3FFC];
	_ =	sdelay $0x3  }
0x94: {  	_ =	strace s2  }
0x95: {  	s2 =	sld [smem:$0x3FFD];
	_ =	sdelay $0x3  }
0x96: {  	_ =	strace s2  }
0x97: {  	_ =	strace $0x8FFFFFFF  }
0x98: {  	s18 =	sld [smem:$0x3FDB];
	_ =	sdelay $0x1  }
0x99: {  	s19 =	simm.s32 $_scs_section_size  }
0x9a: {  	s4 =	simm.s32 $_size__tile_overlayer_lowered;
	s5 =	simm.s32 $_tile_overlayer_lowered  }
0x9b: {  	s22 =	simm.s32 $0x1BFF;
	s21 =	sshll.u32 s5, $0x1;
	s2 =	sadd.s32 s19, s18  }
0x9c: {  	s6 =	simm.s32 $0x0;
	s20 =	sshll.u32 s4, $0x1;
	s4 =	sadd.s32 s21, s2  }
0x9d: {  	[timem:s6], [sflag:s22] =	dma.local [hbm:s4], s20  }
0x9e: {  	_ =	swait.ge [sflag:s22], s20  }
0x9f: {  	s3 =	ssub.s32 $0x0, s20;
	[sflag:s22] =	ssyncset.done $0x0  }
0xa0: {  	[sflag:s22] =	ssyncadd.s32 s3;
	_ =	sdelay $0x1  }
0xa1: {  	s23 =	simm.s32 $0x1B8B  }
0xa2: {  	_ =	swait.ge [sflag:s23], $0x1  }
0xa3: {  	[sflag:s23] =	ssyncset.done $0x0  }
0xa4: {  	s25 =	simm.s32 $0x1B8E;
	s24 =	sld [smem:$0x3FFE];
	[sflag:s23] =	ssyncadd.s32 $0xFFFFFFFF  }
0xa5: {  	s26 =	simm.s32 $execute0_lowered;
	[smem:$0x3FD2] =	sst s25  }
0xa6: {  	s4 =	sshll.u32 s26, $0x1;
	_ =	strace $0x8000004C;
	[dreg:$0x1] =	wrdreg $0xFFFFFFFF  }
0xa7: {  	s28 =	simm.s32 $_size_execute0_lowered;
	s2 =	sadd.s32 s2, s4;
	[dreg:$0x0] =	wrdreg $0x0  }
0xa8: {  	s4 =	sshll.u32 s28, $0x1;
	[dreg:$0x2] =	wrdreg s2  }
0xa9: {  	[dreg:$0x3] =	wrdreg s4  }
0xaa: {  	[dreg:$0x4] =	wrdreg $0xC0  }
0xab: {  	_ =	task [dreg:s6], $0x5FFFF  }
0xac: {  	[dreg:$0x1] =	wrdreg $0xFFFFFFFF  }
0xad: {  	[dreg:$0x0] =	wrdreg $0x60  }
0xae: {  	[dreg:$0x2] =	wrdreg s24  }
0xaf: {  	[dreg:$0x3] =	wrdreg $0x0  }
0xb0: {  	[dreg:$0x4] =	wrdreg $0x9  }
0xb1: {  	_ =	task.clear_ibuf [dreg:s6], $0x5FFFF;
	_ =	strace $0x9000004C  }
0xb2: {  	s29 =	simm.s32 $0x9;
	_ =	strace $0x8000004E  }
0xb3: {  	_ =	swait.ge [sflag:s29], $0x1  }
0xb4: {  	[sflag:s29] =	ssyncadd.s32 $0xFFFFFFFF  }
0xb5: {  	_ =	strace $0x9000004E  }
0xb6: {  	_ =	sfence  }
0xb7: {  	s30 =	sld [smem:$0x0];
	_ =	sdelay $0x2  }
0xb8: {  	s31 =	sshll.u32 s1, $0xD;
	s1 =	sshrl.u32 s1, $0x2  }
0xb9: {  	s3 =	sand.u32 $0x4000, s31;
	s1 =	sadd.s32 s1, s30  }
0xba: {  	s0 =	sor.u32 s3, s0;
	s1 =	sshll.u32 s1, $0x11  }
0xbb: {  	s0 =	sor.u32 s1, s0  }
0xbc: {  	s0 =	sadd.s32 $0x8F2B, s0  }
0xbd: {  	[sflag:s0] =	ssyncadd.remote.s32 $0x1  }
0xbe: {  	_ =	sfence.sel $0xFFFF  }
0xbf: {  	[dreg:$0x0] =	wrdreg $0xFFFFFFFF;
	(pc) =	sbr.abs _section_cstart, $3  }
0xc0: {  	[dreg:$0x1] =	wrdreg $0xFFFFFFFF  }
0xc1: {  	_ =	task.clear_ibuf [dreg:s6], $0x2FFFF;
	_ =	strace $0x9FFFFFFF  }
0xc2: {  	(tm) =	ssettm $0x7FFFFFFF  }
0xc3: {  	_ =	shalt  }
tec
execute0_lowered:
.L_overlay_start_1:
0x0: {  	(tag) =	ssettag $0x1  }
0x1: {  	s0 =	rddreg [dreg:$0x0]  }
0x2: {  	s2 =	rddreg [dreg:$0x1];
	s3 =	simm.s32 $0x0;
	s1 =	srdreg.scid  }
0x3: {  	s5 =	stileid.u32;
	s12 =	simm.s32 $0x19400;
	s13 =	simm.s32 $0x3  }
0x4: {  	s14 =	simm.s32 $0x18800;
	s15 =	simm.s32 $0x80;
	s6 =	smul.u32 $0x18800, s5  }
0x5: {  	s23 =	simm.s32 $0x1;
	s24 =	simm.s32 $0x0;
	s26 =	smul.u32 $0x31000, s5  }
0x6: {  	[smem:$0x7FF] =	sst s3;
	s1 =	sand.u32 $0x1, s1;
	s28 =	smul.u32 $0x62000, s5  }
0x7: {  	s10 =	sadd.s32 $0xFD000, s0;
	s4 =	sadd.s32 $0x32C00, s0;
	s7 =	smul.u32 $0x188000, s1  }
0x8: {  	s9 =	sadd.s32 $0x32A00, s0;
	s8 =	smul.u32 $0x310000, s1;
	s1 =	ssub.s32 $0x2, s1  }
0x9: {  	_ =	strace $0x8000004D;
	[dreg:$0x3] =	wrdreg s9;
	s29 =	sshrl.u32 s1, $0x1  }
0xa: {  	s30 =	sshrl.u32 s28, $0x2;
	s6 =	sadd.s32 s6, s7;
	s8 =	sadd.s32 s26, s8  }
0xb: {  	s1 =	ssub.s32 s1, s29;
	s6 =	sshrl.u32 s6, $0x3;
	s7 =	sshrl.u32 s8, $0x3  }
0xc: {  	s11 =	sor.u32 $0x800, s8;
	s9 =	smax.u32 s1, $0x1;
	s0 =	sadd.s32 s6, s0  }
0xd: {  	s6 =	sadd.s32 s30, s2;
	s7 =	sadd.s32 s10, s7;
	s31 =	sshrl.u32 s11, $0x3  }
0xe: {  	s8 =	sadd.s32 $0x80, s7;
	s10 =	sadd.s32 s31, s10;
	s11 =	sadd.s32 $0x94C00, s0  }
.LBB2_1:
0xf: {  	s0 =	rddreg [dreg:$0x3]  }
0x10: {  	[tilespmem:s12], [sflag:$0x3] =	stream.linear.gather [hbm4b:s0+s3], $0x800, $0x38;
	[tilespmem:$0x1D400] =	vst v63  }
0x11: {  	_ =	swait.ge [sflag:s13], $0x800  }
0x12: {  	[sflag:s13] =	ssyncset.done $0x0  }
0x13: {  	s31 =	sadd.s32 $0x0, s6;
	[sflag:s13] =	ssyncadd.s32 $0xFFFFF800  }
0x14: {  	[spmem:s31] =	stream.linear.scatter [tilespmem:s12], [sflag:$0x3], $0x800, $0x38;
	[tilespmem:$0x1D400] =	vst v63  }
0x15: {  	s0 =	simm.s32 $0x2000;
	_ =	swait.ge [sflag:s13], $0x800  }
.LBB2_2:
0x16: {  	s1 =	sshra.s32 s0, $0x2;
	[sflag:s13] =	ssyncset.done $0x0;
	p0 =	sne.s32 s0, $0x60000  }
.Ltmp0:
0x17: {  	s1 =	sadd.s32 s1, s6;
	[sflag:s13] =	ssyncadd.s32 $0xFFFFF800;
	(pc) =	sbr.rel @p0 .LBB2_2-.Ltmp0, $3  }
0x18: {  	[spmem:s1] =	stream.linear.scatter [tilespmem:s12], [sflag:$0x3], $0x800, $0x38;
	[tilespmem:$0x1D400] =	vst v63  }
0x19: {  	s0 =	sadd.s32 $0x2000, s0;
	_ =	sdelay $0x1  }
0x1a: {  	_ =	swait.ge [sflag:s13], $0x800  }
0x1b: {  	[sflag:s13] =	ssyncset.done $0x0  }
0x1c: {  	[sflag:s13] =	ssyncadd.s32 $0xFFFFF800  }
0x1d: {  	s0 =	simm.s32 $0x0;
	[bflag:$0x0] =	sbarrier.arrive $0xFFFF  }
0x1e: {  	[tilespmem:s14], [sflag:$0x3] =	stream.linear.gather [hbm4b:s7+s0], $0x400, $0x38;
	[tilespmem:$0x1D400] =	vst v63  }
0x1f: {  	_ =	swait.ge [sflag:s13], $0x400  }
0x20: {  	[sflag:s13] =	ssyncset.done $0x0  }
0x21: {  	[sflag:s13] =	ssyncadd.s32 $0xFFFFFC00  }
0x22: {  	[tilespmem:s12], [sflag:$0x1] =	stream.indirect.gather [hbm4b:s4+s15], $0x10, s14, s15, $0xb8;
	[tilespmem:$0x1D400] =	vst v63  }
0x23: {  	s1 =	simm.s32 $0x18900;
	s5 =	simm.s32 $0x19C00  }
0x24: {  	[tilespmem:s5], [sflag:$0x1] =	stream.indirect.gather [hbm4b:s4+s15], $0x10, s1, s15, $0xb8;
	[tilespmem:$0x1D400] =	vst v63  }
0x25: {  	s20 =	simm.s32 $0x18A00;
	s21 =	simm.s32 $0x1A400  }
0x26: {  	[tilespmem:s21], [sflag:$0x1] =	stream.indirect.gather [hbm4b:s4+s15], $0x10, s20, s15, $0xb8;
	[tilespmem:$0x1D400] =	vst v63  }
0x27: {  	s22 =	simm.s32 $0x18B00;
	s25 =	simm.s32 $0x1AC00;
	s16 =	simm.s32 $0x2  }
0x28: {  	[tilespmem:s25], [sflag:$0x1] =	stream.indirect.gather [hbm4b:s4+s15], $0x10, s22, s15, $0xb8;
	[tilespmem:$0x1D400] =	vst v63  }
0x29: {  	p0 =	por $0x0, $0x0;
	s16 =	sand.u32 $0xFF, s16;
	s25 =	simm.s32 $0x1  }
0x2a: {  	s16 =	smul.u32 $0xAB, s16;
	s1 =	sand.u32 @!p0 $0xFF, s25  }
0x2b: {  	s26 =	simm.s32 $0x18C00;
	s17 =	sand.u32 $0x1, s0;
	s1 =	smul.u32 @!p0 $0xAB, s1  }
0x2c: {  	p1 =	por @!p0 $0x0, $0x0;
	s29 =	simm.s32 @!p0 $0x80;
	s16 =	sshrl.u32 s16, $0x9  }
0x2d: {  	s18 =	sshll.u32 @!p0 s17, $0xD;
	s16 =	smul.u32 $0x3, s16;
	s1 =	sshrl.u32 @!p0 s1, $0x9  }
0x2e: {  	p1 =	por p1, p0;
	s19 =	sxor.u32 @!p0 $0x1BC00, s18;
	s1 =	smul.u32 @!p0 $0x3, s1  }
0x2f: {  	[tilespmem:s26], [sflag:$0x2] =	stream.linear.gather [hbm4b:s8+s0], $0x400, $0x38;
	[tilespmem:$0x1D400] =	vst v63  }
0x30: {  	s16 =	ssub.s32 $0x2, s16;
	s26 =	simm.s32 @!p0 $0x2;
	s1 =	ssub.s32 @!p0 $0x1, s1  }
0x31: {  	s16 =	sand.u32 $0xFF, s16;
	_ =	swait.ge @!p0 [sflag:s26], $0x400;
	s1 =	sand.u32 @!p0 $0xFF, s1  }
0x32: {  	s0 =	smul.u32 $0xAB, s0;
	[sflag:s26] =	ssyncset.done @!p0 $0x0;
	s1 =	sshll.u32 @!p0 s1, $0xA  }
0x33: {  	[sflag:s26] =	ssyncadd.s32 @!p0 $0xFFFFFC00;
	s26 =	sxor.u32 @!p0 $0x1B400, s18;
	s28 =	sadd.s32 @!p0 $0x18800, s1  }
0x34: {  	[tilespmem:s26], [sflag:$0x1] =	stream.indirect.gather @!p0 [hbm4b:s4+s29], $0x10, s28, s29, $0xb8;
	[tilespmem:$0x1D400] =	vst v63  }
0x35: {  	s16 =	sshll.u32 @!p1 s16, $0xA;
	s0 =	sshrl.u32 s0, $0x9;
	s30 =	sadd.s32 @!p0 $0x18900, s1  }
0x36: {  	[tilespmem:s19], [sflag:$0x1] =	stream.indirect.gather @!p0 [hbm4b:s4+s29], $0x10, s30, s29, $0xb8;
	[tilespmem:$0x1D400] =	vst v63  }
0x37: {  	s20 =	ssub.s32 @!p0 $0x1C400, s18;
	s0 =	sand.u32 $0x7F, s0;
	s26 =	sadd.s32 @!p0 $0x18A00, s1  }
0x38: {  	[tilespmem:s20], [sflag:$0x1] =	stream.indirect.gather @!p0 [hbm4b:s4+s29], $0x10, s26, s29, $0xb8;
	[tilespmem:$0x1D400] =	vst v63  }
0x39: {  	s18 =	ssub.s32 @!p0 $0x1CC00, s18;
	s0 =	smul.u32 $0x3, s0;
	s1 =	sadd.s32 @!p0 $0x18B00, s1  }
0x3a: {  	[tilespmem:s18], [sflag:$0x1] =	stream.indirect.gather @!p0 [hbm4b:s4+s29], $0x10, s1, s29, $0xb8;
	[tilespmem:$0x1D400] =	vst v63  }
0x3b: {  	s0 =	ssub.s32 $0x0, s0;
	s1 =	sadd.s32 @!p1 $0x18800, s16;
	s16 =	simm.s32 @!p1 $0x0  }
0x3c: {  	[tilespmem:s1], [sflag:$0x2] =	stream.linear.gather @!p1 [hbm4b:s10+s16], $0x400, $0x38;
	[tilespmem:$0x1D400] =	vst v63  }
0x3d: {  	s0 =	sand.u32 $0xFF, s0;
	_ =	swait.ge [sflag:s23], $0x800  }
0x3e: {  	s5 =	sshll.u32 s0, $0xA;
	s30 =	sshll.u32 s17, $0xD;
	[sflag:s23] =	ssyncset.done $0x0  }
0x3f: {  	s17 =	sadd.s32 $0x18880, s5;
	s16 =	sor.u32 $0x19400, s30;
	[sflag:s23] =	ssyncadd.s32 $0xFFFFF800  }
0x40: {  	[spmem:s2] =	stream.indirect.scatter.add.f32 [tilespmem:s16], [sflag:$0x3], $0x10, s17, s15, $0xb8;
	[tilespmem:$0x1D400] =	vst v63  }
0x41: {  	_ =	swait.ge [sflag:s13], $0x800  }
0x42: {  	[sflag:s13] =	ssyncset.done $0x0  }
0x43: {  	[sflag:s13] =	ssyncadd.s32 $0xFFFFF800  }
0x44: {  	s0 =	simm.s32 $0x3;
	_ =	swait.ge [sflag:s23], $0x800  }
0x45: {  	s22 =	sand.u32 $0xFF, s0;
	s19 =	sadd.s32 $0x18980, s5;
	[sflag:s23] =	ssyncset.done $0x0  }
0x46: {  	s26 =	sadd.s32 $0x80, s10;
	s18 =	sor.u32 $0x19C00, s30;
	[sflag:s23] =	ssyncadd.s32 $0xFFFFF800  }
0x47: {  	[spmem:s2] =	stream.indirect.scatter.add.f32 [tilespmem:s18], [sflag:$0x3], $0x10, s19, s15, $0xb8;
	[tilespmem:$0x1D400] =	vst v63  }
0x48: {  	s20 =	sadd.s32 $0x1A400, s30;
	p0 =	por $0x0, $0x0;
	_ =	swait.ge [sflag:s13], $0x800  }
0x49: {  	s29 =	simm.s32 $0x2;
	p2 =	por @!p0 $0x0, $0x0;
	[sflag:s13] =	ssyncset.done $0x0  }
0x4a: {  	s1 =	sadd.s32 $0x18A80, s5;
	s17 =	sadd.s32 $0x18B80, s5;
	[sflag:s13] =	ssyncadd.s32 $0xFFFFF800  }
0x4b: {  	s16 =	sand.u32 $0x1, s25;
	s19 =	sand.u32 @!p0 $0xFF, s29;
	_ =	swait.ge [sflag:s23], $0x800  }
0x4c: {  	s28 =	sshll.u32 s16, $0xD;
	s21 =	smul.u32 @!p0 $0xAB, s19;
	[sflag:s23] =	ssyncset.done $0x0  }
0x4d: {  	s31 =	sshll.u32 @!p0 s16, $0xD;
	s19 =	smul.u32 $0xAB, s22;
	[sflag:s23] =	ssyncadd.s32 $0xFFFFF800  }
0x4e: {  	[spmem:s2] =	stream.indirect.scatter.add.f32 [tilespmem:s20], [sflag:$0x3], $0x10, s1, s15, $0xb8;
	[tilespmem:$0x1D400] =	vst v63  }
0x4f: {  	s16 =	sshrl.u32 @!p0 s21, $0x9;
	s1 =	sxor.u32 @!p0 $0x1BC00, s31;
	_ =	swait.ge [sflag:s13], $0x800  }
0x50: {  	s20 =	smul.u32 @!p0 $0x3, s16;
	s16 =	simm.s32 $0x2;
	[sflag:s13] =	ssyncset.done $0x0  }
.LBB2_4:
0x51: {  	s21 =	ssub.s32 @!p0 $0x1C400, s31  }
0x52: {  	[sflag:s13] =	ssyncadd.s32 $0xFFFFF800;
	s18 =	smov.u32 s29;
	s29 =	sadd.s32 $0x1, s29  }
0x53: {  	s16 =	ssub.s32 @!p0 s16, s20;
	s20 =	sadd.s32 $0x1AC00, s30;
	_ =	swait.ge [sflag:s23], $0x800  }
0x54: {  	s30 =	simm.s32 @!p0 $0x2;
	s16 =	sand.u32 @!p0 $0xFF, s16;
	[sflag:s23] =	ssyncset.done $0x0  }
0x55: {  	s19 =	sshrl.u32 s19, $0x9;
	s16 =	sshll.u32 @!p0 s16, $0xA;
	[sflag:s23] =	ssyncadd.s32 $0xFFFFF800  }
0x56: {  	[spmem:s2] =	stream.indirect.scatter.add.f32 [tilespmem:s20], [sflag:$0x3], $0x10, s17, s15, $0xb8;
	[tilespmem:$0x1D400] =	vst v63  }
0x57: {  	s17 =	smul.u32 $0x3, s19;
	s19 =	sadd.s32 @!p0 $0x18800, s16;
	_ =	swait.ge [sflag:s13], $0x800  }
0x58: {  	s20 =	simm.s32 @!p0 $0x80;
	s22 =	sadd.s32 @!p0 $0x18900, s16;
	[sflag:s13] =	ssyncset.done $0x0  }
0x59: {  	s0 =	ssub.s32 s0, s17;
	s17 =	sadd.s32 @!p0 $0x18A00, s16;
	[sflag:s13] =	ssyncadd.s32 $0xFFFFF800  }
0x5a: {  	p2 =	por p2, p0;
	s0 =	sand.u32 $0xFF, s0;
	_ =	swait.ge @!p0 [sflag:s30], $0x400  }
0x5b: {  	s5 =	sadd.s32 @!p0 $0x18B00, s16;
	s0 =	sshll.u32 @!p2 s0, $0xA;
	[sflag:s30] =	ssyncset.done @!p0 $0x0  }
0x5c: {  	s16 =	smul.u32 $0xAB, s25;
	[sflag:s30] =	ssyncadd.s32 @!p0 $0xFFFFFC00;
	s30 =	sxor.u32 @!p0 $0x1B400, s31  }
0x5d: {  	[tilespmem:s30], [sflag:$0x1] =	stream.indirect.gather @!p0 [hbm4b:s4+s20], $0x10, s19, s20, $0xb8;
	[tilespmem:$0x1D400] =	vst v63  }
0x5e: {  	p1 =	sne.s32 s29, $0xC4;
	s19 =	sshrl.u32 s16, $0x9;
	s16 =	smov.u32 s29  }
0x5f: {  	[tilespmem:s1], [sflag:$0x1] =	stream.indirect.gather @!p0 [hbm4b:s4+s20], $0x10, s22, s20, $0xb8;
	[tilespmem:$0x1D400] =	vst v63  }
0x60: {  	s30 =	smov.u32 s28;
	s1 =	sand.u32 $0x7F, s19  }
0x61: {  	[tilespmem:s21], [sflag:$0x1] =	stream.indirect.gather @!p0 [hbm4b:s4+s20], $0x10, s17, s20, $0xb8;
	[tilespmem:$0x1D400] =	vst v63  }
0x62: {  	s1 =	smul.u32 $0x3, s1;
	s17 =	ssub.s32 @!p0 $0x1CC00, s31  }
0x63: {  	[tilespmem:s17], [sflag:$0x1] =	stream.indirect.gather @!p0 [hbm4b:s4+s20], $0x10, s5, s20, $0xb8;
	[tilespmem:$0x1D400] =	vst v63  }
0x64: {  	s0 =	sadd.s32 @!p2 $0x18800, s0;
	s1 =	ssub.s32 s25, s1;
	s5 =	simm.s32 @!p2 $0x0  }
0x65: {  	[tilespmem:s0], [sflag:$0x2] =	stream.linear.gather @!p2 [hbm4b:s26+s5], $0x400, $0x38;
	[tilespmem:$0x1D400] =	vst v63  }
0x66: {  	s25 =	smov.u32 s18;
	s0 =	sand.u32 $0xFF, s1;
	_ =	swait.ge [sflag:s23], $0x800  }
0x67: {  	s1 =	sshll.u32 s0, $0xA;
	[sflag:s23] =	ssyncset.done $0x0  }
0x68: {  	s0 =	sor.u32 $0x19400, s30;
	s5 =	sadd.s32 $0x18880, s1;
	[sflag:s23] =	ssyncadd.s32 $0xFFFFF800  }
0x69: {  	[spmem:s2] =	stream.indirect.scatter.add.f32 [tilespmem:s0], [sflag:$0x3], $0x10, s5, s15, $0xb8;
	[tilespmem:$0x1D400] =	vst v63  }
0x6a: {  	_ =	swait.ge [sflag:s13], $0x800  }
0x6b: {  	[sflag:s13] =	ssyncset.done $0x0  }
0x6c: {  	[sflag:s13] =	ssyncadd.s32 $0xFFFFF800  }
0x6d: {  	_ =	swait.ge [sflag:s23], $0x800  }
0x6e: {  	[sflag:s23] =	ssyncset.done $0x0  }
0x6f: {  	s0 =	sor.u32 $0x19C00, s30;
	s5 =	sadd.s32 $0x18980, s1;
	[sflag:s23] =	ssyncadd.s32 $0xFFFFF800  }
0x70: {  	[spmem:s2] =	stream.indirect.scatter.add.f32 [tilespmem:s0], [sflag:$0x3], $0x10, s5, s15, $0xb8;
	[tilespmem:$0x1D400] =	vst v63  }
0x71: {  	p0 =	seq.s32 s25, $0xC3;
	_ =	swait.ge [sflag:s13], $0x800  }
0x72: {  	s26 =	sadd.s32 $0x80, s26;
	s17 =	sadd.s32 $0x18B80, s1;
	[sflag:s13] =	ssyncset.done $0x0  }
0x73: {  	s5 =	sand.u32 $0x1, s25;
	s0 =	sadd.s32 $0x2, s25;
	[sflag:s13] =	ssyncadd.s32 $0xFFFFF800  }
0x74: {  	s18 =	sadd.s32 $0x18A80, s1;
	s28 =	sshll.u32 s5, $0xD;
	_ =	swait.ge [sflag:s23], $0x800  }
0x75: {  	s19 =	sadd.s32 $0x1A400, s30;
	s1 =	sand.u32 @!p0 $0xFF, s16;
	[sflag:s23] =	ssyncset.done $0x0  }
.Ltmp1:
0x76: {  	s20 =	sand.u32 $0xFF, s0;
	s31 =	sshll.u32 @!p0 s5, $0xD;
	(pc) =	sbr.rel @p1 .LBB2_4-.Ltmp1, $4  }
0x77: {  	s5 =	smul.u32 @!p0 $0xAB, s1;
	s1 =	sxor.u32 @!p0 $0x1BC00, s31;
	[sflag:s23] =	ssyncadd.s32 $0xFFFFF800  }
0x78: {  	[spmem:s2] =	stream.indirect.scatter.add.f32 [tilespmem:s19], [sflag:$0x3], $0x10, s18, s15, $0xb8;
	[tilespmem:$0x1D400] =	vst v63  }
0x79: {  	s5 =	sshrl.u32 @!p0 s5, $0x9;
	s19 =	smul.u32 $0xAB, s20;
	_ =	swait.ge [sflag:s13], $0x800  }
0x7a: {  	p2 =	sgt.u32 @!p0 s25, $0xC1;
	s20 =	smul.u32 @!p0 $0x3, s5;
	[sflag:s13] =	ssyncset.done $0x0  }
0x7b: {  	[sflag:s13] =	ssyncadd.s32 $0xFFFFF800  }
0x7c: {  	_ =	swait.ge [sflag:s23], $0x800  }
0x7d: {  	[sflag:s23] =	ssyncset.done $0x0  }
0x7e: {  	s22 =	sadd.s32 $0x1AC00, s30;
	s18 =	sshrl.u32 s19, $0x9;
	[sflag:s23] =	ssyncadd.s32 $0xFFFFF800  }
0x7f: {  	[spmem:s2] =	stream.indirect.scatter.add.f32 [tilespmem:s22], [sflag:$0x3], $0x10, s17, s15, $0xb8;
	[tilespmem:$0x1D400] =	vst v63  }
0x80: {  	s29 =	smul.u32 $0xAB, s25;
	p1 =	por p2, p0;
	_ =	swait.ge [sflag:s13], $0x800  }
0x81: {  	s5 =	ssub.s32 @!p0 s16, s20;
	s16 =	ssub.s32 @!p0 $0x1C400, s31;
	[sflag:s13] =	ssyncset.done $0x0  }
0x82: {  	s18 =	smul.u32 $0x3, s18;
	s17 =	simm.s32 @!p0 $0x2;
	[sflag:s13] =	ssyncadd.s32 $0xFFFFF800  }
0x83: {  	s20 =	simm.s32 @!p0 $0x80;
	s5 =	sand.u32 @!p0 $0xFF, s5;
	_ =	swait.ge @!p0 [sflag:s17], $0x400  }
0x84: {  	s5 =	sshll.u32 @!p0 s5, $0xA;
	s0 =	ssub.s32 s0, s18;
	[sflag:s17] =	ssyncset.done @!p0 $0x0  }
0x85: {  	s19 =	sadd.s32 @!p0 $0x18800, s5;
	[sflag:s17] =	ssyncadd.s32 @!p0 $0xFFFFFC00;
	s17 =	sxor.u32 @!p0 $0x1B400, s31  }
0x86: {  	[tilespmem:s17], [sflag:$0x1] =	stream.indirect.gather @!p0 [hbm4b:s4+s20], $0x10, s19, s20, $0xb8;
	[tilespmem:$0x1D400] =	vst v63  }
0x87: {  	s18 =	sshrl.u32 s29, $0x9;
	s21 =	sadd.s32 @!p0 $0x18900, s5;
	s0 =	sand.u32 $0xFF, s0  }
0x88: {  	[tilespmem:s1], [sflag:$0x1] =	stream.indirect.gather @!p0 [hbm4b:s4+s20], $0x10, s21, s20, $0xb8;
	[tilespmem:$0x1D400] =	vst v63  }
0x89: {  	s30 =	sand.u32 $0x7F, s18;
	s0 =	sshll.u32 @!p1 s0, $0xA;
	s17 =	sadd.s32 @!p0 $0x18A00, s5  }
0x8a: {  	[tilespmem:s16], [sflag:$0x1] =	stream.indirect.gather @!p0 [hbm4b:s4+s20], $0x10, s17, s20, $0xb8;
	[tilespmem:$0x1D400] =	vst v63  }
0x8b: {  	s1 =	sadd.s32 @!p0 $0x18B00, s5;
	s5 =	smul.u32 $0x3, s30;
	s16 =	ssub.s32 @!p0 $0x1CC00, s31  }
0x8c: {  	[tilespmem:s16], [sflag:$0x1] =	stream.indirect.gather @!p0 [hbm4b:s4+s20], $0x10, s1, s20, $0xb8;
	[tilespmem:$0x1D400] =	vst v63  }
0x8d: {  	s0 =	sadd.s32 @!p1 $0x18800, s0;
	s18 =	ssub.s32 s25, s5;
	s5 =	simm.s32 @!p1 $0x0  }
0x8e: {  	[tilespmem:s0], [sflag:$0x2] =	stream.linear.gather @!p1 [hbm4b:s26+s5], $0x400, $0x38;
	[tilespmem:$0x1D400] =	vst v63  }
0x8f: {  	s19 =	sand.u32 $0xFF, s18;
	_ =	swait.ge [sflag:s23], $0x800  }
0x90: {  	s0 =	sshll.u32 s19, $0xA;
	[sflag:s23] =	ssyncset.done $0x0  }
0x91: {  	s20 =	sor.u32 $0x19400, s28;
	s21 =	sadd.s32 $0x18880, s0;
	[sflag:s23] =	ssyncadd.s32 $0xFFFFF800  }
0x92: {  	[spmem:s2] =	stream.indirect.scatter.add.f32 [tilespmem:s20], [sflag:$0x3], $0x10, s21, s15, $0xb8;
	[tilespmem:$0x1D400] =	vst v63  }
0x93: {  	_ =	swait.ge [sflag:s13], $0x800  }
0x94: {  	[sflag:s13] =	ssyncset.done $0x0  }
0x95: {  	[sflag:s13] =	ssyncadd.s32 $0xFFFFF800  }
0x96: {  	_ =	swait.ge [sflag:s23], $0x800  }
0x97: {  	[sflag:s23] =	ssyncset.done $0x0  }
0x98: {  	s22 =	sor.u32 $0x19C00, s28;
	s25 =	sadd.s32 $0x18980, s0;
	[sflag:s23] =	ssyncadd.s32 $0xFFFFF800  }
0x99: {  	[spmem:s2] =	stream.indirect.scatter.add.f32 [tilespmem:s22], [sflag:$0x3], $0x10, s25, s15, $0xb8;
	[tilespmem:$0x1D400] =	vst v63  }
0x9a: {  	_ =	swait.ge [sflag:s13], $0x800  }
0x9b: {  	[sflag:s13] =	ssyncset.done $0x0  }
0x9c: {  	[sflag:s13] =	ssyncadd.s32 $0xFFFFF800  }
0x9d: {  	_ =	swait.ge [sflag:s23], $0x800  }
0x9e: {  	[sflag:s23] =	ssyncset.done $0x0  }
0x9f: {  	s29 =	sadd.s32 $0x1A400, s28;
	s26 =	sadd.s32 $0x18A80, s0;
	[sflag:s23] =	ssyncadd.s32 $0xFFFFF800  }
0xa0: {  	[spmem:s2] =	stream.indirect.scatter.add.f32 [tilespmem:s29], [sflag:$0x3], $0x10, s26, s15, $0xb8;
	[tilespmem:$0x1D400] =	vst v63  }
0xa1: {  	_ =	swait.ge [sflag:s13], $0x800  }
0xa2: {  	[sflag:s13] =	ssyncset.done $0x0  }
0xa3: {  	[sflag:s13] =	ssyncadd.s32 $0xFFFFF800  }
0xa4: {  	_ =	swait.ge [sflag:s23], $0x800  }
0xa5: {  	[sflag:s23] =	ssyncset.done $0x0  }
0xa6: {  	s30 =	sadd.s32 $0x1AC00, s28;
	s0 =	sadd.s32 $0x18B80, s0;
	[sflag:s23] =	ssyncadd.s32 $0xFFFFF800  }
0xa7: {  	[spmem:s2] =	stream.indirect.scatter.add.f32 [tilespmem:s30], [sflag:$0x3], $0x10, s0, s15, $0xb8;
	[tilespmem:$0x1D400] =	vst v63  }
0xa8: {  	_ =	swait.ge [sflag:s13], $0x800  }
0xa9: {  	[sflag:s13] =	ssyncset.done $0x0  }
0xaa: {  	[sflag:s13] =	ssyncadd.s32 $0xFFFFF800  }
0xab: {  	[bflag:$0x0] =	sbarrier.arrive $0xFFFF  }
0xac: {  	[tilespmem:s12], [sflag:$0x3] =	stream.linear.gather [spmem:s6], $0x800, $0x38;
	[tilespmem:$0x1D400] =	vst v63  }
0xad: {  	_ =	swait.ge [sflag:s13], $0x800  }
0xae: {  	[sflag:s13] =	ssyncset.done $0x0  }
0xaf: {  	s31 =	sadd.s32 $0x0, s11;
	[sflag:s13] =	ssyncadd.s32 $0xFFFFF800  }
0xb0: {  	[hbm4b:s31+s3] =	stream.linear.scatter [tilespmem:s12], [sflag:$0x3], $0x800, $0x38;
	[tilespmem:$0x1D400] =	vst v63  }
0xb1: {  	_ =	swait.ge [sflag:s13], $0x800  }
0xb2: {  	s1 =	smov.u32 s6;
	s0 =	simm.s32 $0x100;
	[sflag:s13] =	ssyncset.done $0x0  }
.LBB2_6:
0xb3: {  	p0 =	sne.s32 s0, $0x3000;
	[sflag:s13] =	ssyncadd.s32 $0xFFFFF800;
	s1 =	sadd.s32 $0x800, s1  }
0xb4: {  	[tilespmem:s12], [sflag:$0x3] =	stream.linear.gather [spmem:s1], $0x800, $0x38;
	[tilespmem:$0x1D400] =	vst v63  }
0xb5: {  	s5 =	smov.u32 s0;
	s0 =	sadd.s32 $0x100, s0;
	_ =	swait.ge [sflag:s13], $0x800  }
.Ltmp2:
0xb6: {  	[sflag:s13] =	ssyncset.done $0x0;
	(pc) =	sbr.rel @p0 .LBB2_6-.Ltmp2, $4  }
0xb7: {  	s5 =	sadd.s32 s5, s11;
	[sflag:s13] =	ssyncadd.s32 $0xFFFFF800  }
0xb8: {  	[hbm4b:s5+s3] =	stream.linear.scatter [tilespmem:s12], [sflag:$0x3], $0x800, $0x38;
	[tilespmem:$0x1D400] =	vst v63  }
0xb9: {  	_ =	swait.ge [sflag:s13], $0x800  }
0xba: {  	[sflag:s13] =	ssyncset.done $0x0  }
0xbb: {  	s24 =	sadd.s32 $0x1, s24  }
0xbc: {  	p0 =	sne.s32 s24, s9  }
.Ltmp3:
0xbd: {  	_ = 	snop;
	(pc) =	sbr.rel @p0 .LBB2_1-.Ltmp3, $2  }
0xbe: {  	_ =	sdelay $0x2  }
0xbf: {  	[sflag:s13] =	ssyncadd.s32 $0xFFFFF800  }
0xc0: {  	_ =	sfence.sel $0x180000  }
0xc1: {  	[bflag:$0x0] =	sbarrier.arrive $0xFFFF  }
0xc2: {  	_ =	strace $0x9000004D  }
0xc3: {  	s0 =	stileid.u32;
	[bflag:$0x2] =	sbarrier.arrive $0xFFFF  }
0xc4: {  	p0 =	sne.s32 s0, $0x0;
	s0 =	rddreg [dreg:$0x2]  }
0xc5: {  	s0 =	sadd.s32 @!p0 $0x100000, s0  }
0xc6: {  	[sflag:s0] =	ssyncadd.tile.s32 @!p0 $0x1;
	_ =	shalt  }
.Lfunc_end2:
_tile_overlayer_lowered:
.L_overlay_start_2:
0xc7: {  	(tag) =	ssettag $0x2  }
0xc8: {  	s0 =	rddreg [dreg:$0x0];
	s2 =	stileid.u32  }
0xc9: {  	s1 =	rddreg [dreg:$0x1];
	p0 =	sne.s32 s2, $0x0  }
0xca: {  	s3 =	rddreg [dreg:$0x2];
	[bflag:$0x3] =	sbarrier.arrive $0xFFFF;
	s2 =	simm.s32 @!p0 $0x1C03  }
0xcb: {  	[timem:s3], [sflag:s2] =	dma.local @!p0 [hbm:s0], s1  }
0xcc: {  	s0 =	simm.s32 @!p0 $0x3  }
0xcd: {  	_ =	swait.ge @!p0 [sflag:s0], s1  }
0xce: {  	s1 =	ssub.s32 @!p0 $0x0, s1;
	[sflag:s0] =	ssyncset.done @!p0 $0x0  }
0xcf: {  	[sflag:s0] =	ssyncadd.s32 @!p0 s1  }
0xd0: {  	[bflag:$0x3] =	sbarrier.arrive $0xFFFF  }
0xd1: {  	_ =	shalt  }

// kernel: kernel.8.cloned.1.call-start
scs
__scs_entry_jumppad:
0x0: {  	(pc) =	sbr.rel $0x88, $3  }
0x1: {  	(tag) =	ssettag $0x0;
	lr =	simm.s32 $0x1  }
0x2: {  	[smem:$0x3F99] =	sst lr;
	_ =	strace $0xD0000000  }
0x3: {  	_ = 	snop  }
0x4: {  	_ = 	snop  }
0x5: {  	_ = 	snop  }
0x6: {  	_ = 	snop  }
0x7: {  	_ = 	snop  }
__scs_overlays_trampoline_lowered:
0x8: {  	[smem:$0x3FA8] =	sst s0  }
0x9: {  	[smem:$0x3FA9] =	sst s1  }
0xa: {  	[smem:$0x3FAA] =	sst s2  }
0xb: {  	[smem:$0x3FAB] =	sst s3  }
0xc: {  	[smem:$0x3FAC] =	sst s4  }
0xd: {  	[smem:$0x3FAD] =	sst s5  }
0xe: {  	[smem:$0x3FAE] =	sst s6  }
0xf: {  	[smem:$0x3FAF] =	sst s7  }
0x10: {  	[smem:$0x3FB0] =	sst s8  }
0x11: {  	[smem:$0x3FB1] =	sst s9;
	s0 =	simm.s32 @!p0 $0x0  }
0x12: {  	s1 =	sld [smem:$0x3F97];
	s0 =	simm.s32 @p0 $0x1  }
0x13: {  	[smem:$0x3FB2] =	sst s0;
	s0 =	simm.s32 @!p1 $0x0  }
0x14: {  	s2 =	sld [smem:$0x3F96];
	s0 =	simm.s32 @p1 $0x1  }
0x15: {  	[smem:$0x3FB3] =	sst s0;
	s0 =	simm.s32 @!p2 $0x0  }
0x16: {  	s3 =	sld [smem:$0x3FDB];
	s0 =	simm.s32 @p2 $0x1  }
0x17: {  	s4 =	simm.s32 $0x1BF5;
	[smem:$0x3FB5] =	sst s0  }
0x18: {  	s0 =	sld [smem:$0x3F98];
	_ =	swait.ge [sflag:s4], $0x0  }
0x19: {  	s7 =	sld [smem:$0x3F99]  }
0x1a: {  	s8 =	sadd.s32 $0xFFFFE003, lr  }
0x1b: {  	s9 =	sadd.s32 $0xFFFFFEF7, lr;
	s5 =	simm.s32 $0xFFFFFFFF;
	p2 =	slt.u32 s8, $0xFFFFF086  }
0x1c: {  	p1 =	slt.u32 s9, $0xF7A;
	s5 =	simm.s32 @!p2 $0x0  }
0x1d: {  	s5 =	simm.s32 @p1 $0x1;
	p0 =	seq.s32 s7, s2  }
0x1e: {  	s7 =	smul.u32 @!p0 $0xF7A, s2;
	p2 =	seq.s32 @!p0 s5, $0x0  }
0x1f: {  	s9 =	smul.u32 $0xF7A, s1;
	s8 =	simm.s32 @!p0 $0x1BF5;
	p2 =	por !p2, p0  }
0x20: {  	[sflag:s8] =	ssyncset.s32 @!p0 $0xFFFFF086;
	s6 =	sadd.s32 @!p0 s3, s7;
	s7 =	simm.s32 @!p0 $0x108  }
0x21: {  	s3 =	sadd.s32 s3, s9;
	s6 =	sadd.s32 @!p0 $0x88, s6;
	s7 =	simm.s32 @p2 $0x1082  }
0x22: {  	[simem:s7], [sflag:s8] =	dma.local @!p0 [hbm:s6], $0xF7A  }
0x23: {  	s9 =	sor.u32 $0xD0000000, s2;
	s6 =	simm.s32 $0x108;
	_ =	swait.ge @!p0 [sflag:s8], $0x0  }
0x24: {  	s3 =	sadd.s32 $0x88, s3;
	s6 =	simm.s32 @!p1 $0x1082;
	[sflag:s4] =	ssyncset.s32 $0xFFFFF086  }
0x25: {  	[simem:s6], [sflag:s4] =	dma.local [hbm:s3], $0xF7A  }
0x26: {  	[smem:$0x3F99] =	sst s1;
	(tag) =	ssettag s2;
	_ =	strace s9  }
0x27: {  	s1 =	sld [smem:$0x3FA9]  }
0x28: {  	s2 =	sld [smem:$0x3FAA]  }
0x29: {  	s4 =	sld [smem:$0x3FAC]  }
0x2a: {  	p0 =	seq.s32 s5, $0x0;
	s5 =	sld [smem:$0x3FAD]  }
0x2b: {  	s6 =	sld [smem:$0x3FAE]  }
0x2c: {  	s7 =	sld [smem:$0x3FAF]  }
0x2d: {  	s3 =	simm.s32 $0x108;
	s8 =	sld [smem:$0x3FB0]  }
0x2e: {  	s3 =	simm.s32 @!p0 $0x1082;
	s9 =	sld [smem:$0x3FB1]  }
0x2f: {  	lr =	sadd.s32 s0, s3;
	s0 =	sld [smem:$0x3FA8]  }
0x30: {  	s3 =	sld [smem:$0x3FAB]  }
0x31: {  	[smem:$0x3FB4] =	sst s10  }
0x32: {  	s10 =	sld [smem:$0x3FB2];
	_ =	sdelay $0x3  }
0x33: {  	p0 =	seq.s32 s10, $0x1;
	s10 =	sld [smem:$0x3FB4];
	_ =	sdelay $0x3  }
0x34: {  	[smem:$0x3FB4] =	sst s10  }
0x35: {  	s10 =	sld [smem:$0x3FB3];
	_ =	sdelay $0x3  }
0x36: {  	p1 =	seq.s32 s10, $0x1;
	s10 =	sld [smem:$0x3FB4];
	_ =	sdelay $0x3  }
0x37: {  	[smem:$0x3FB4] =	sst s10  }
0x38: {  	s10 =	sld [smem:$0x3FB5]  }
0x39: {  	_ = 	snop;
	(pc) =	sbr.ind lr, $3  }
0x3a: {  	_ = 	snop  }
0x3b: {  	_ = 	snop  }
0x3c: {  	p2 =	seq.s32 s10, $0x1;
	s10 =	sld [smem:$0x3FB4]  }
0x3d: {  	_ =	shalt  }
0x3e: {  	_ =	shalt  }
0x3f: {  	_ =	shalt  }
0x40: {  	_ =	shalt  }
0x41: {  	_ =	shalt  }
0x42: {  	_ =	shalt  }
0x43: {  	_ =	shalt  }
0x44: {  	_ =	shalt  }
0x45: {  	_ =	shalt  }
0x46: {  	_ =	shalt  }
0x47: {  	_ =	shalt  }
0x48: {  	_ =	shalt  }
0x49: {  	_ =	shalt  }
0x4a: {  	_ =	shalt  }
0x4b: {  	_ =	shalt  }
0x4c: {  	_ =	shalt  }
0x4d: {  	_ =	shalt  }
0x4e: {  	_ =	shalt  }
0x4f: {  	_ =	shalt  }
0x50: {  	_ =	shalt  }
0x51: {  	_ =	shalt  }
0x52: {  	_ =	shalt  }
0x53: {  	_ =	shalt  }
0x54: {  	_ =	shalt  }
0x55: {  	_ =	shalt  }
0x56: {  	_ =	shalt  }
0x57: {  	_ =	shalt  }
0x58: {  	_ =	shalt  }
0x59: {  	_ =	shalt  }
0x5a: {  	_ =	shalt  }
0x5b: {  	_ =	shalt  }
0x5c: {  	_ =	shalt  }
0x5d: {  	_ =	shalt  }
0x5e: {  	_ =	shalt  }
0x5f: {  	_ =	shalt  }
0x60: {  	_ =	shalt  }
0x61: {  	_ =	shalt  }
0x62: {  	_ =	shalt  }
0x63: {  	_ =	shalt  }
0x64: {  	_ =	shalt  }
0x65: {  	_ =	shalt  }
0x66: {  	_ =	shalt  }
0x67: {  	_ =	shalt  }
0x68: {  	_ =	shalt  }
0x69: {  	_ =	shalt  }
0x6a: {  	_ =	shalt  }
0x6b: {  	_ =	shalt  }
0x6c: {  	_ =	shalt  }
0x6d: {  	_ =	shalt  }
0x6e: {  	_ =	shalt  }
0x6f: {  	_ =	shalt  }
0x70: {  	_ =	shalt  }
0x71: {  	_ =	shalt  }
0x72: {  	_ =	shalt  }
0x73: {  	_ =	shalt  }
0x74: {  	_ =	shalt  }
0x75: {  	_ =	shalt  }
0x76: {  	_ =	shalt  }
0x77: {  	_ =	shalt  }
0x78: {  	_ =	shalt  }
0x79: {  	_ =	shalt  }
0x7a: {  	_ =	shalt  }
0x7b: {  	_ =	shalt  }
0x7c: {  	_ =	shalt  }
0x7d: {  	_ =	shalt  }
0x7e: {  	_ =	shalt  }
0x7f: {  	_ =	shalt  }
0x80: {  	_ =	shalt  }
0x81: {  	_ =	shalt  }
0x82: {  	_ =	shalt  }
0x83: {  	_ =	shalt  }
0x84: {  	_ =	shalt  }
0x85: {  	_ =	shalt  }
0x86: {  	_ =	shalt  }
0x87: {  	_ =	shalt  }
.Lfunc_end0:
.L_simem_size_0:
called_computation_lowered:
.L_overlay_start_0:
0x88: {  	s2 =	sld [smem:$0x3FD9]  }
0x89: {  	s3 =	sld [smem:$0x3FFE];
	_ =	sdelay $0x1  }
0x8a: {  	s1 =	srdreg.scid  }
0x8b: {  	s0 =	sand.u32 $0x1, s1  }
0x8c: {  	s17 =	sshll.u32 s0, $0xA;
	s2 =	sadd.s32 s3, s2  }
0x8d: {  	s2 =	sadd.s32 s2, s17  }
0x8e: {  	[smem:$0x3FC0] =	sst s2  }
0x8f: {  	_ = 	snop  }
0x90: {  	s2 =	sld [smem:$0x3FD0];
	(tm) =	ssettm $0x1  }
0x91: {  	s18 =	sld [smem:$0x3FFB];
	_ =	sdelay $0x3  }
0x92: {  	_ =	strace s18  }
0x93: {  	s3 =	sld [smem:$0x3FFC];
	_ =	sdelay $0x3  }
0x94: {  	_ =	strace s3  }
0x95: {  	s3 =	sld [smem:$0x3FFD];
	_ =	sdelay $0x3  }
0x96: {  	_ =	strace s3  }
0x97: {  	_ =	strace $0x8FFFFFFF  }
0x98: {  	s19 =	sld [smem:$0x3FDB];
	_ =	sdelay $0x1  }
0x99: {  	s4 =	simm.s32 $_scs_section_size  }
0x9a: {  	s5 =	simm.s32 $_size__tile_overlayer_lowered;
	s6 =	simm.s32 $_tile_overlayer_lowered  }
0x9b: {  	s22 =	simm.s32 $0x1BFF;
	s21 =	sshll.u32 s6, $0x1;
	s3 =	sadd.s32 s4, s19  }
0x9c: {  	s7 =	simm.s32 $0x0;
	s20 =	sshll.u32 s5, $0x1;
	s5 =	sadd.s32 s21, s3  }
0x9d: {  	[timem:s7], [sflag:s22] =	dma.local [hbm:s5], s20  }
0x9e: {  	_ =	swait.ge [sflag:s22], s20  }
0x9f: {  	s4 =	ssub.s32 $0x0, s20;
	[sflag:s22] =	ssyncset.done $0x0  }
0xa0: {  	[sflag:s22] =	ssyncadd.s32 s4;
	_ =	sdelay $0x1  }
0xa1: {  	s23 =	simm.s32 $0x1B8B  }
0xa2: {  	_ =	swait.ge [sflag:s23], $0x1  }
0xa3: {  	[sflag:s23] =	ssyncset.done $0x0  }
0xa4: {  	s25 =	simm.s32 $0x1B8E;
	s24 =	sld [smem:$0x3FFE];
	[sflag:s23] =	ssyncadd.s32 $0xFFFFFFFF  }
0xa5: {  	s26 =	simm.s32 $execute0_lowered;
	[smem:$0x3FD2] =	sst s25  }
0xa6: {  	s5 =	sshll.u32 s26, $0x1;
	_ =	strace $0x80000046;
	[dreg:$0x1] =	wrdreg $0xFFFFFFFF  }
0xa7: {  	s28 =	simm.s32 $_size_execute0_lowered;
	s3 =	sadd.s32 s3, s5;
	[dreg:$0x0] =	wrdreg $0x0  }
0xa8: {  	s5 =	sshll.u32 s28, $0x1;
	[dreg:$0x2] =	wrdreg s3  }
0xa9: {  	[dreg:$0x3] =	wrdreg s5  }
0xaa: {  	[dreg:$0x4] =	wrdreg $0xC0  }
0xab: {  	_ =	task [dreg:s7], $0x5FFFF  }
0xac: {  	[dreg:$0x1] =	wrdreg $0xFFFFFFFF  }
0xad: {  	[dreg:$0x0] =	wrdreg $0x60  }
0xae: {  	[dreg:$0x2] =	wrdreg s24  }
0xaf: {  	[dreg:$0x3] =	wrdreg s2  }
0xb0: {  	[dreg:$0x4] =	wrdreg $0x0  }
0xb1: {  	[dreg:$0x5] =	wrdreg $0x9  }
0xb2: {  	_ =	task.clear_ibuf [dreg:s7], $0x6FFFF;
	_ =	strace $0x90000046  }
0xb3: {  	s29 =	simm.s32 $0x9;
	_ =	strace $0x80000048  }
0xb4: {  	_ =	swait.ge [sflag:s29], $0x1  }
0xb5: {  	[sflag:s29] =	ssyncadd.s32 $0xFFFFFFFF  }
0xb6: {  	_ =	strace $0x90000048  }
0xb7: {  	_ =	sfence  }
0xb8: {  	s30 =	sld [smem:$0x0];
	_ =	sdelay $0x2  }
0xb9: {  	s31 =	sshll.u32 s1, $0xD;
	s1 =	sshrl.u32 s1, $0x2  }
0xba: {  	s3 =	sand.u32 $0x4000, s31;
	s1 =	sadd.s32 s1, s30  }
0xbb: {  	s0 =	sor.u32 s3, s0;
	s1 =	sshll.u32 s1, $0x11  }
0xbc: {  	s0 =	sor.u32 s1, s0  }
0xbd: {  	s0 =	sadd.s32 $0x8F2B, s0  }
0xbe: {  	[sflag:s0] =	ssyncadd.remote.s32 $0x1  }
0xbf: {  	_ =	sfence.sel $0xFFFF  }
0xc0: {  	[dreg:$0x0] =	wrdreg $0xFFFFFFFF;
	(pc) =	sbr.abs _section_cstart, $3  }
0xc1: {  	[dreg:$0x1] =	wrdreg $0xFFFFFFFF  }
0xc2: {  	_ =	task.clear_ibuf [dreg:s7], $0x2FFFF;
	_ =	strace $0x9FFFFFFF  }
0xc3: {  	(tm) =	ssettm $0x7FFFFFFF  }
tec
execute0_lowered:
.L_overlay_start_1:
0x0: {  	(tag) =	ssettag $0x1  }
0x1: {  	s6 =	rddreg [dreg:$0x0]  }
0x2: {  	s2 =	rddreg [dreg:$0x1]  }
0x3: {  	s3 =	rddreg [dreg:$0x2]  }
0x4: {  	s0 =	srdreg.scid;
	s1 =	rddreg [dreg:$0x3]  }
0x5: {  	s4 =	simm.s32 $0x0;
	s11 =	simm.s32 $0x1;
	s12 =	simm.s32 $0x1C80  }
0x6: {  	s13 =	simm.s32 $0x1880;
	s14 =	simm.s32 $0x80;
	s15 =	simm.s32 $0x1900  }
0x7: {  	s16 =	simm.s32 $0x1980;
	s17 =	simm.s32 $0x1A00;
	s5 =	sand.u32 $0x1, s0  }
0x8: {  	s18 =	simm.s32 $0x1A80;
	s0 =	stileid.u32;
	s7 =	smul.u32 $0xC4000, s5  }
0x9: {  	s19 =	simm.s32 $0x1B00;
	s20 =	simm.s32 $0x1B80;
	s8 =	smul.u32 $0xC400, s0  }
0xa: {  	s21 =	simm.s32 $0x1C00;
	s22 =	simm.s32 $0x0;
	s9 =	smul.u32 $0x1880, s0  }
0xb: {  	[smem:$0x7FF] =	sst s4;
	s10 =	smul.u32 $0x18800, s5;
	s30 =	ssub.s32 $0x2, s5  }
0xc: {  	_ =	strace $0x80000047;
	s5 =	sadd.s32 $0x32A00, s6;
	s31 =	sshrl.u32 s30, $0x1  }
0xd: {  	s7 =	sadd.s32 s8, s7;
	s26 =	sadd.s32 s9, s10;
	s8 =	ssub.s32 s30, s31  }
0xe: {  	s10 =	simm.s32 $0x1D00;
	s7 =	sshrl.u32 s7, $0x3;
	s29 =	sshrl.u32 s26, $0x3  }
0xf: {  	s8 =	smax.u32 s8, $0x1;
	s28 =	sadd.s32 s7, s6;
	s7 =	sadd.s32 s29, s6  }
0x10: {  	s6 =	sadd.s32 s9, s3;
	s7 =	sadd.s32 $0x32E00, s7;
	s9 =	sadd.s32 $0x1A00, s28  }
.LBB2_1:
0x11: {  	[tilespmem:s10], [sflag:$0x1] =	stream.linear.gather [hbm4b:s5+s4], $0x1880, $0x38;
	[tilespmem:$0x3580] =	vst v63  }
0x12: {  	_ =	swait.ge [sflag:s11], $0x1880  }
0x13: {  	[sflag:s11] =	ssyncset.done $0x0  }
0x14: {  	[sflag:s11] =	ssyncadd.s32 $0xFFFFE780  }
0x15: {  	[spmem:s6] =	stream.linear.scatter [tilespmem:s10], [sflag:$0x1], $0x1880, $0x38;
	[tilespmem:$0x3580] =	vst v63  }
0x16: {  	_ =	swait.ge [sflag:s11], $0x1880  }
0x17: {  	[sflag:s11] =	ssyncset.done $0x0  }
0x18: {  	[sflag:s11] =	ssyncadd.s32 $0xFFFFE780  }
0x19: {  	[tilespmem:s12], [sflag:$0x1] =	stream.linear.gather [hbm4b:s2+s4], $0x80, $0x38;
	[tilespmem:$0x3580] =	vst v63  }
0x1a: {  	_ =	swait.ge [sflag:s11], $0x80  }
0x1b: {  	[sflag:s11] =	ssyncset.done $0x0  }
0x1c: {  	[sflag:s11] =	ssyncadd.s32 $0xFFFFFF80  }
0x1d: {  	s23 =	sadd.s32 $0x0, s9;
	[bflag:$0x0] =	sbarrier.arrive $0xFFFF  }
0x1e: {  	[tilespmem:s13], [sflag:$0x1] =	stream.linear.gather [hbm4b:s23+s4], $0x400, $0x38;
	[tilespmem:$0x3580] =	vst v63  }
0x1f: {  	_ =	swait.ge [sflag:s11], $0x400  }
0x20: {  	[sflag:s11] =	ssyncset.done $0x0  }
0x21: {  	[sflag:s11] =	ssyncadd.s32 $0xFFFFFC00  }
0x22: {  	[spmem:s3] =	stream.indirect.scatter.add.f32 [tilespmem:s12], [sflag:$0x1], $0x1, s13, s14, $0xb8;
	[tilespmem:$0x3580] =	vst v63  }
0x23: {  	_ =	swait.ge [sflag:s11], $0x80  }
0x24: {  	[sflag:s11] =	ssyncset.done $0x0  }
0x25: {  	[sflag:s11] =	ssyncadd.s32 $0xFFFFFF80  }
0x26: {  	[spmem:s3] =	stream.indirect.scatter.add.f32 [tilespmem:s12], [sflag:$0x1], $0x1, s15, s14, $0xb8;
	[tilespmem:$0x3580] =	vst v63  }
0x27: {  	_ =	swait.ge [sflag:s11], $0x80  }
0x28: {  	[sflag:s11] =	ssyncset.done $0x0  }
0x29: {  	[sflag:s11] =	ssyncadd.s32 $0xFFFFFF80  }
0x2a: {  	[spmem:s3] =	stream.indirect.scatter.add.f32 [tilespmem:s12], [sflag:$0x1], $0x1, s16, s14, $0xb8;
	[tilespmem:$0x3580] =	vst v63  }
0x2b: {  	_ =	swait.ge [sflag:s11], $0x80  }
0x2c: {  	[sflag:s11] =	ssyncset.done $0x0  }
0x2d: {  	[sflag:s11] =	ssyncadd.s32 $0xFFFFFF80  }
0x2e: {  	[spmem:s3] =	stream.indirect.scatter.add.f32 [tilespmem:s12], [sflag:$0x1], $0x1, s17, s14, $0xb8;
	[tilespmem:$0x3580] =	vst v63  }
0x2f: {  	_ =	swait.ge [sflag:s11], $0x80  }
0x30: {  	[sflag:s11] =	ssyncset.done $0x0  }
0x31: {  	[sflag:s11] =	ssyncadd.s32 $0xFFFFFF80  }
0x32: {  	[spmem:s3] =	stream.indirect.scatter.add.f32 [tilespmem:s12], [sflag:$0x1], $0x1, s18, s14, $0xb8;
	[tilespmem:$0x3580] =	vst v63  }
0x33: {  	_ =	swait.ge [sflag:s11], $0x80  }
0x34: {  	[sflag:s11] =	ssyncset.done $0x0  }
0x35: {  	[sflag:s11] =	ssyncadd.s32 $0xFFFFFF80  }
0x36: {  	[spmem:s3] =	stream.indirect.scatter.add.f32 [tilespmem:s12], [sflag:$0x1], $0x1, s19, s14, $0xb8;
	[tilespmem:$0x3580] =	vst v63  }
0x37: {  	_ =	swait.ge [sflag:s11], $0x80  }
0x38: {  	[sflag:s11] =	ssyncset.done $0x0  }
0x39: {  	[sflag:s11] =	ssyncadd.s32 $0xFFFFFF80  }
0x3a: {  	[spmem:s3] =	stream.indirect.scatter.add.f32 [tilespmem:s12], [sflag:$0x1], $0x1, s20, s14, $0xb8;
	[tilespmem:$0x3580] =	vst v63  }
0x3b: {  	_ =	swait.ge [sflag:s11], $0x80  }
0x3c: {  	[sflag:s11] =	ssyncset.done $0x0  }
0x3d: {  	[sflag:s11] =	ssyncadd.s32 $0xFFFFFF80  }
0x3e: {  	[spmem:s3] =	stream.indirect.scatter.add.f32 [tilespmem:s12], [sflag:$0x1], $0x1, s21, s14, $0xb8;
	[tilespmem:$0x3580] =	vst v63  }
0x3f: {  	_ =	swait.ge [sflag:s11], $0x80  }
0x40: {  	s25 =	simm.s32 $0x100;
	s23 =	simm.s32 $0x80;
	[sflag:s11] =	ssyncset.done $0x0  }
.LBB2_2:
0x41: {  	s26 =	sadd.s32 s23, s9  }
0x42: {  	[sflag:s11] =	ssyncadd.s32 $0xFFFFFF80;
	s23 =	smov.u32 s25;
	s24 =	sadd.s32 $0x80, s25  }
0x43: {  	[tilespmem:s13], [sflag:$0x1] =	stream.linear.gather [hbm4b:s26+s4], $0x400, $0x38;
	[tilespmem:$0x3580] =	vst v63  }
0x44: {  	p0 =	sne.s32 s25, $0x1800;
	_ =	swait.ge [sflag:s11], $0x400  }
0x45: {  	[sflag:s11] =	ssyncset.done $0x0  }
0x46: {  	[sflag:s11] =	ssyncadd.s32 $0xFFFFFC00  }
0x47: {  	[spmem:s3] =	stream.indirect.scatter.add.f32 [tilespmem:s12], [sflag:$0x1], $0x1, s13, s14, $0xb8;
	[tilespmem:$0x3580] =	vst v63  }
0x48: {  	_ =	swait.ge [sflag:s11], $0x80  }
0x49: {  	[sflag:s11] =	ssyncset.done $0x0  }
0x4a: {  	[sflag:s11] =	ssyncadd.s32 $0xFFFFFF80  }
0x4b: {  	[spmem:s3] =	stream.indirect.scatter.add.f32 [tilespmem:s12], [sflag:$0x1], $0x1, s15, s14, $0xb8;
	[tilespmem:$0x3580] =	vst v63  }
0x4c: {  	_ =	swait.ge [sflag:s11], $0x80  }
0x4d: {  	[sflag:s11] =	ssyncset.done $0x0  }
0x4e: {  	[sflag:s11] =	ssyncadd.s32 $0xFFFFFF80  }
0x4f: {  	[spmem:s3] =	stream.indirect.scatter.add.f32 [tilespmem:s12], [sflag:$0x1], $0x1, s16, s14, $0xb8;
	[tilespmem:$0x3580] =	vst v63  }
0x50: {  	_ =	swait.ge [sflag:s11], $0x80  }
0x51: {  	[sflag:s11] =	ssyncset.done $0x0  }
0x52: {  	[sflag:s11] =	ssyncadd.s32 $0xFFFFFF80  }
0x53: {  	[spmem:s3] =	stream.indirect.scatter.add.f32 [tilespmem:s12], [sflag:$0x1], $0x1, s17, s14, $0xb8;
	[tilespmem:$0x3580] =	vst v63  }
0x54: {  	_ =	swait.ge [sflag:s11], $0x80  }
0x55: {  	[sflag:s11] =	ssyncset.done $0x0  }
0x56: {  	[sflag:s11] =	ssyncadd.s32 $0xFFFFFF80  }
0x57: {  	[spmem:s3] =	stream.indirect.scatter.add.f32 [tilespmem:s12], [sflag:$0x1], $0x1, s18, s14, $0xb8;
	[tilespmem:$0x3580] =	vst v63  }
0x58: {  	_ =	swait.ge [sflag:s11], $0x80  }
0x59: {  	[sflag:s11] =	ssyncset.done $0x0  }
0x5a: {  	[sflag:s11] =	ssyncadd.s32 $0xFFFFFF80  }
0x5b: {  	[spmem:s3] =	stream.indirect.scatter.add.f32 [tilespmem:s12], [sflag:$0x1], $0x1, s19, s14, $0xb8;
	[tilespmem:$0x3580] =	vst v63  }
0x5c: {  	_ =	swait.ge [sflag:s11], $0x80  }
0x5d: {  	[sflag:s11] =	ssyncset.done $0x0  }
0x5e: {  	[sflag:s11] =	ssyncadd.s32 $0xFFFFFF80  }
0x5f: {  	[spmem:s3] =	stream.indirect.scatter.add.f32 [tilespmem:s12], [sflag:$0x1], $0x1, s20, s14, $0xb8;
	[tilespmem:$0x3580] =	vst v63  }
0x60: {  	_ =	swait.ge [sflag:s11], $0x80  }
.Ltmp0:
0x61: {  	[sflag:s11] =	ssyncset.done $0x0;
	(pc) =	sbr.rel @p0 .LBB2_2-.Ltmp0, $4  }
0x62: {  	[sflag:s11] =	ssyncadd.s32 $0xFFFFFF80  }
0x63: {  	[spmem:s3] =	stream.indirect.scatter.add.f32 [tilespmem:s12], [sflag:$0x1], $0x1, s21, s14, $0xb8;
	[tilespmem:$0x3580] =	vst v63  }
0x64: {  	_ =	swait.ge [sflag:s11], $0x80  }
0x65: {  	s25 =	smov.u32 s24;
	[sflag:s11] =	ssyncset.done $0x0  }
0x66: {  	s23 =	sadd.s32 s23, s9;
	[sflag:s11] =	ssyncadd.s32 $0xFFFFFF80  }
0x67: {  	[tilespmem:s13], [sflag:$0x1] =	stream.linear.gather [hbm4b:s23+s4], $0x400, $0x38;
	[tilespmem:$0x3580] =	vst v63  }
0x68: {  	_ =	swait.ge [sflag:s11], $0x400  }
0x69: {  	[sflag:s11] =	ssyncset.done $0x0  }
0x6a: {  	[sflag:s11] =	ssyncadd.s32 $0xFFFFFC00  }
0x6b: {  	[spmem:s3] =	stream.indirect.scatter.add.f32 [tilespmem:s12], [sflag:$0x1], $0x1, s13, s14, $0xb8;
	[tilespmem:$0x3580] =	vst v63  }
0x6c: {  	_ =	swait.ge [sflag:s11], $0x80  }
0x6d: {  	[sflag:s11] =	ssyncset.done $0x0  }
0x6e: {  	[sflag:s11] =	ssyncadd.s32 $0xFFFFFF80  }
0x6f: {  	[spmem:s3] =	stream.indirect.scatter.add.f32 [tilespmem:s12], [sflag:$0x1], $0x1, s15, s14, $0xb8;
	[tilespmem:$0x3580] =	vst v63  }
0x70: {  	_ =	swait.ge [sflag:s11], $0x80  }
0x71: {  	[sflag:s11] =	ssyncset.done $0x0  }
0x72: {  	[sflag:s11] =	ssyncadd.s32 $0xFFFFFF80  }
0x73: {  	[spmem:s3] =	stream.indirect.scatter.add.f32 [tilespmem:s12], [sflag:$0x1], $0x1, s16, s14, $0xb8;
	[tilespmem:$0x3580] =	vst v63  }
0x74: {  	_ =	swait.ge [sflag:s11], $0x80  }
0x75: {  	[sflag:s11] =	ssyncset.done $0x0  }
0x76: {  	[sflag:s11] =	ssyncadd.s32 $0xFFFFFF80  }
0x77: {  	[spmem:s3] =	stream.indirect.scatter.add.f32 [tilespmem:s12], [sflag:$0x1], $0x1, s17, s14, $0xb8;
	[tilespmem:$0x3580] =	vst v63  }
0x78: {  	_ =	swait.ge [sflag:s11], $0x80  }
0x79: {  	[sflag:s11] =	ssyncset.done $0x0  }
0x7a: {  	[sflag:s11] =	ssyncadd.s32 $0xFFFFFF80  }
0x7b: {  	[spmem:s3] =	stream.indirect.scatter.add.f32 [tilespmem:s12], [sflag:$0x1], $0x1, s18, s14, $0xb8;
	[tilespmem:$0x3580] =	vst v63  }
0x7c: {  	_ =	swait.ge [sflag:s11], $0x80  }
0x7d: {  	[sflag:s11] =	ssyncset.done $0x0  }
0x7e: {  	[sflag:s11] =	ssyncadd.s32 $0xFFFFFF80  }
0x7f: {  	[spmem:s3] =	stream.indirect.scatter.add.f32 [tilespmem:s12], [sflag:$0x1], $0x1, s19, s14, $0xb8;
	[tilespmem:$0x3580] =	vst v63  }
0x80: {  	_ =	swait.ge [sflag:s11], $0x80  }
0x81: {  	[sflag:s11] =	ssyncset.done $0x0  }
0x82: {  	[sflag:s11] =	ssyncadd.s32 $0xFFFFFF80  }
0x83: {  	[spmem:s3] =	stream.indirect.scatter.add.f32 [tilespmem:s12], [sflag:$0x1], $0x1, s20, s14, $0xb8;
	[tilespmem:$0x3580] =	vst v63  }
0x84: {  	_ =	swait.ge [sflag:s11], $0x80  }
0x85: {  	[sflag:s11] =	ssyncset.done $0x0  }
0x86: {  	[sflag:s11] =	ssyncadd.s32 $0xFFFFFF80  }
0x87: {  	[spmem:s3] =	stream.indirect.scatter.add.f32 [tilespmem:s12], [sflag:$0x1], $0x1, s21, s14, $0xb8;
	[tilespmem:$0x3580] =	vst v63  }
0x88: {  	_ =	swait.ge [sflag:s11], $0x80  }
0x89: {  	[sflag:s11] =	ssyncset.done $0x0  }
0x8a: {  	[sflag:s11] =	ssyncadd.s32 $0xFFFFFF80  }
0x8b: {  	[bflag:$0x0] =	sbarrier.arrive $0xFFFF  }
0x8c: {  	[tilespmem:s10], [sflag:$0x1] =	stream.linear.gather [spmem:s6], $0x1880, $0x38;
	[tilespmem:$0x3580] =	vst v63  }
0x8d: {  	s22 =	sadd.s32 $0x1, s22;
	_ =	swait.ge [sflag:s11], $0x1880  }
0x8e: {  	p0 =	sne.s32 s22, s8;
	[sflag:s11] =	ssyncset.done $0x0  }
.Ltmp1:
0x8f: {  	[sflag:s11] =	ssyncadd.s32 $0xFFFFE780;
	(pc) =	sbr.rel @p0 .LBB2_1-.Ltmp1, $4  }
0x90: {  	[hbm4b:s7+s4] =	stream.linear.scatter [tilespmem:s10], [sflag:$0x1], $0x1880, $0x38;
	[tilespmem:$0x3580] =	vst v63  }
0x91: {  	_ =	swait.ge [sflag:s11], $0x1880  }
0x92: {  	[sflag:s11] =	ssyncset.done $0x0  }
0x93: {  	[sflag:s11] =	ssyncadd.s32 $0xFFFFE780  }
0x94: {  	_ =	sfence.sel $0x180000  }
0x95: {  	[bflag:$0x0] =	sbarrier.arrive $0xFFFF  }
0x96: {  	p0 =	sne.s32 s0, $0x0;
	_ =	strace $0x90000047  }
0x97: {  	s0 =	sadd.s32 @!p0 $0x100000, s1;
	[bflag:$0x2] =	sbarrier.arrive $0xFFFF  }
0x98: {  	[sflag:s0] =	ssyncadd.tile.s32 @!p0 $0x1;
	_ =	shalt  }
.Lfunc_end2:
_tile_overlayer_lowered:
.L_overlay_start_2:
0x99: {  	(tag) =	ssettag $0x2  }
0x9a: {  	s0 =	rddreg [dreg:$0x0];
	s2 =	stileid.u32  }
0x9b: {  	s1 =	rddreg [dreg:$0x1];
	p0 =	sne.s32 s2, $0x0  }
0x9c: {  	s3 =	rddreg [dreg:$0x2];
	[bflag:$0x3] =	sbarrier.arrive $0xFFFF;
	s2 =	simm.s32 @!p0 $0x1C01  }
0x9d: {  	[timem:s3], [sflag:s2] =	dma.local @!p0 [hbm:s0], s1  }
0x9e: {  	s0 =	simm.s32 @!p0 $0x1  }
0x9f: {  	_ =	swait.ge @!p0 [sflag:s0], s1  }
0xa0: {  	s1 =	ssub.s32 @!p0 $0x0, s1;
	[sflag:s0] =	ssyncset.done @!p0 $0x0  }
0xa1: {  	[sflag:s0] =	ssyncadd.s32 @!p0 s1  }
0xa2: {  	[bflag:$0x3] =	sbarrier.arrive $0xFFFF  }
0xa3: {  	_ =	shalt  }

</sc_bundles>
